<compile_context>
chip_gen: v7x
topology: tpu7x:2x2x1
jax: 0.10.2.dev20260603
libtpu: 0.0.44.dev20260713+nightly
codegen_flags: <defaults>
</compile_context>

<pallas_src>
import functools

import jax
import jax.numpy as jnp
from jax import lax
from jax.experimental import pallas as pl
from jax.experimental.pallas import tpu as pltpu
from jax.experimental.pallas import tpu_sc as plsc

_B, _C, _H, _W = 4, 256, 128, 128
_N, _P = 2048, 49
_L = 16
_NW = 32
_RPW = _N // _NW
_NG = _RPW // _L
_NSTEP = _NG * _P

_mesh = plsc.VectorSubcoreMesh(core_axis_name="c", subcore_axis_name="s")


@functools.partial(
    pl.kernel,
    out_type=jax.ShapeDtypeStruct((_P, _N, _C), jnp.bfloat16),
    mesh=_mesh,
    compiler_params=pltpu.CompilerParams(
        use_tc_tiling_on_sc=False, needs_layout_passes=False
    ),
    scratch_types=[
        pltpu.VMEM((5, _RPW), jnp.float32),
        pltpu.VMEM((2, _P, _RPW), jnp.float32),
        pltpu.VMEM((4 * _L,), jnp.int32),
        pltpu.VMEM((4 * _L,), jnp.int32),
        pltpu.VMEM((2 * _L,), jnp.float32),
        pltpu.VMEM((2 * _L,), jnp.float32),
        pltpu.VMEM((4 * _L, _C), jnp.bfloat16),
        pltpu.VMEM((4 * _L, _C), jnp.bfloat16),
        pltpu.VMEM((_L, _C), jnp.bfloat16),
        pltpu.VMEM((_L, _C), jnp.bfloat16),
        pltpu.SemaphoreType.DMA,
        pltpu.SemaphoreType.DMA,
        pltpu.SemaphoreType.DMA,
        pltpu.SemaphoreType.DMA,
    ],
)
def _sc_sample(table, prep, offt, out, prep_v, off_v, idxa_v, idxb_v,
               wa_v, wb_v, rowsa_v, rowsb_v, outa_v, outb_v,
               gsema, gsemb, osema, osemb):
  wid = lax.axis_index("s") * 2 + lax.axis_index("c")
  n0 = wid * _RPW
  pltpu.sync_copy(prep.at[:, pl.ds(n0, _RPW)], prep_v)
  pltpu.sync_copy(offt.at[:, :, pl.ds(n0, _RPW)], off_v)

  lanes = jnp.arange(_L, dtype=jnp.int32)
  zeros = jnp.zeros((_L,), jnp.int32)
  ones = jnp.full((_L,), 1, jnp.int32)

  def issue(t, idx_v, w_v, rows_v, gsem):
    g = t // _P
    j = t - g * _P
    col = g * _L + lanes
    jvec = jnp.full((_L,), j, jnp.int32)
    cx = plsc.load_gather(prep_v, [zeros, col])
    cy = plsc.load_gather(prep_v, [ones, col])
    ws = plsc.load_gather(prep_v, [jnp.full((_L,), 2, jnp.int32), col])
    hs = plsc.load_gather(prep_v, [jnp.full((_L,), 3, jnp.int32), col])
    bb = plsc.load_gather(prep_v, [jnp.full((_L,), 4, jnp.int32), col])
    ox = plsc.load_gather(off_v, [zeros, jvec, col])
    oy = plsc.load_gather(off_v, [ones, jvec, col])
    x = cx + ox * ws
    y = cy + oy * hs
    xc = jnp.minimum(jnp.maximum(x, 0.0), float(_W - 1))
    yc = jnp.minimum(jnp.maximum(y, 0.0), float(_H - 1))
    wl = xc.astype(jnp.int32)
    hl = yc.astype(jnp.int32)
    wlf = wl.astype(jnp.float32)
    hlf = hl.astype(jnp.float32)
    at_r = wlf >= float(_W - 1)
    at_b = hlf >= float(_H - 1)
    lw = jnp.where(at_r, 0.0, x - wlf)
    lh = jnp.where(at_b, 0.0, y - hlf)
    winc = jnp.where(at_r, 0, 1)
    hinc = jnp.where(at_b, 0, _W)
    base = bb.astype(jnp.int32) + hl * _W + wl
    idx_v[pl.ds(0, _L)] = base
    idx_v[pl.ds(_L, _L)] = base + winc
    idx_v[pl.ds(2 * _L, _L)] = base + hinc
    idx_v[pl.ds(3 * _L, _L)] = base + hinc + winc
    w_v[pl.ds(0, _L)] = lw
    w_v[pl.ds(_L, _L)] = lh
    pltpu.async_copy(table.at[idx_v], rows_v, gsem)

  r0 = lanes
  r1 = lanes + _L
  r2 = lanes + 2 * _L
  r3 = lanes + 3 * _L

  def compute(t, w_v, rows_v, out_v, osem):
    def pbody(p, _):
      pv = jnp.full((_L,), p, jnp.int32)
      lw = plsc.load_gather(w_v, [pv])
      lh = plsc.load_gather(w_v, [pv + _L])
      lwb = plsc.pack(lw, lw, format=plsc.PackFormat.INTERLEAVED)
      lhb = plsc.pack(lh, lh, format=plsc.PackFormat.INTERLEAVED)

      @plsc.parallel_loop(0, _C // 32, step=1, unroll=8)
      def cbody(cb):
        cs = pl.ds(cb * 32, 32)
        v1 = rows_v[p, cs]
        v2 = rows_v[p + _L, cs]
        v3 = rows_v[p + 2 * _L, cs]
        v4 = rows_v[p + 3 * _L, cs]
        a = v1 + lwb * (v2 - v1)
        b = v3 + lwb * (v4 - v3)
        o = a + lhb * (b - a)
        out_v[p, cs] = o

      return 0

    lax.fori_loop(0, _L, pbody, 0)
    g = t // _P
    j = t - g * _P
    nb = n0 + g * _L
    pltpu.async_copy(out_v, out.at[j, pl.ds(nb, _L), :], osem)

  def wait_g(idx_v, rows_v, gsem):
    pltpu.make_async_copy(table.at[idx_v], rows_v, gsem).wait()

  def wait_o(out_v, osem):
    pltpu.make_async_copy(out_v, out.at[0, pl.ds(0, _L), :], osem).wait()

  issue(0, idxa_v, wa_v, rowsa_v, gsema)
  issue(1, idxb_v, wb_v, rowsb_v, gsemb)
  wait_g(idxa_v, rowsa_v, gsema)
  compute(0, wa_v, rowsa_v, outa_v, osema)
  issue(2, idxa_v, wa_v, rowsa_v, gsema)
  wait_g(idxb_v, rowsb_v, gsemb)
  compute(1, wb_v, rowsb_v, outb_v, osemb)

  def body(tt, _):
    t0 = 2 * tt
    issue(t0 + 1, idxb_v, wb_v, rowsb_v, gsemb)
    wait_g(idxa_v, rowsa_v, gsema)
    wait_o(outa_v, osema)
    compute(t0, wa_v, rowsa_v, outa_v, osema)
    issue(t0 + 2, idxa_v, wa_v, rowsa_v, gsema)
    wait_g(idxb_v, rowsb_v, gsemb)
    wait_o(outb_v, osemb)
    compute(t0 + 1, wb_v, rowsb_v, outb_v, osemb)
    return 0

  lax.fori_loop(1, _NSTEP // 2 - 1, body, 0)

  t0 = _NSTEP - 2
  issue(t0 + 1, idxb_v, wb_v, rowsb_v, gsemb)
  wait_g(idxa_v, rowsa_v, gsema)
  wait_o(outa_v, osema)
  compute(t0, wa_v, rowsa_v, outa_v, osema)
  wait_g(idxb_v, rowsb_v, gsemb)
  wait_o(outb_v, osemb)
  compute(t0 + 1, wb_v, rowsb_v, outb_v, osemb)
  wait_o(outa_v, osema)
  wait_o(outb_v, osemb)


def kernel(feat_map, rois, offset, stride, num_point):
  fm = jnp.transpose(feat_map, (0, 2, 3, 1)).reshape(_B * _H * _W, _C)
  fm = fm.astype(jnp.bfloat16)
  s = jnp.sign(jnp.asarray(num_point, jnp.float32))
  inv = 1.0 / jnp.asarray(stride, jnp.float32)
  cx = (rois[:, 1] + rois[:, 3]) * (0.5 * inv)
  cy = (rois[:, 2] + rois[:, 4]) * (0.5 * inv)
  ws = (rois[:, 3] - rois[:, 1] + 1.0) * (0.1 * inv) * s
  hs = (rois[:, 4] - rois[:, 2] + 1.0) * (0.1 * inv) * s
  bb = rois[:, 0] * float(_H * _W)
  prep = jnp.stack([cx, cy, ws, hs, bb])
  offt = jnp.transpose(offset.reshape(_N, _P, 2), (2, 1, 0))
  return jnp.transpose(_sc_sample(fm, prep, offt), (1, 0, 2)).astype(
      jnp.float32)

# --- scband reference (transcript-rebuilt; emitter-appended) ---
"""Pipeline reference for scband-keyp-point-bbox-net-52055003628264 (READ-ONLY COPY).

The authoritative reference and input builder live on the scoring server;
editing this copy changes nothing except your own understanding.
"""

import jax, jax.numpy as jnp
import numpy as np

B, C, H, W = 4, 256, 128, 128
N, P = 2048, 49
STRIDE = 8

def setup_inputs(seed: int = 0) -> dict:
    key = jax.random.key(seed)
    k1, k2, k3, k4, k5, k6 = jax.random.split(key, 6)
    feat_map = jax.random.normal(k1, (B, C, H, W), dtype=jnp.float32)
    # rois: [batch_idx, x0, y0, x1, y1] in image-pixel coordinates (stride 8 feature map)
    b_ix = jax.random.randint(k2, (N,), 0, B).astype(jnp.float32)
    x0 = jax.random.uniform(k3, (N,), minval=0.0, maxval=float(W * STRIDE - 300))
    y0 = jax.random.uniform(k4, (N,), minval=0.0, maxval=float(H * STRIDE - 300))
    wh = jax.random.uniform(k5, (N, 2), minval=32.0, maxval=256.0)
    rois = jnp.stack([b_ix, x0, y0, x0 + wh[:, 0], y0 + wh[:, 1]], axis=-1).astype(jnp.float32)
    offset = jax.random.normal(k6, (N, P * 2), dtype=jnp.float32)
    return {"feat_map": feat_map, "rois": rois, "offset": offset, "stride": STRIDE, "num_point": P}

def _bilinear_gather(fm_bhwc, b_ix, index):
    # fm_bhwc: [B, H, W, C]; b_ix: [n]; index: [n, p, 2] in (w, h) feature-map coords
    Hh = fm_bhwc.shape[1]
    Ww = fm_bhwc.shape[2]
    w = index[..., 0]
    h = index[..., 1]
    h_low = jnp.clip(jnp.floor(h), 0.0, Hh - 1.0)
    h_high = jnp.where(h_low >= Hh - 1, h_low, h_low + 1.0)
    h = jnp.where(h_low >= Hh - 1, h_low, h)
    w_low = jnp.clip(jnp.floor(w), 0.0, Ww - 1.0)
    w_high = jnp.where(w_low >= Ww - 1, w_low, w_low + 1.0)
    w = jnp.where(w_low >= Ww - 1, w_low, w)
    hl = jax.lax.stop_gradient(h_low).astype(jnp.int32)
    hh_i = jax.lax.stop_gradient(h_high).astype(jnp.int32)
    wl = jax.lax.stop_gradient(w_low).astype(jnp.int32)
    wh_i = jax.lax.stop_gradient(w_high).astype(jnp.int32)
    lh = h - h_low
    lw = w - w_low
    hh = 1.0 - lh
    hw = 1.0 - lw
    b = jnp.broadcast_to(b_ix[:, None], h.shape)
    v1 = fm_bhwc[b, hl, wl]      # [n, p, C]
    v2 = fm_bhwc[b, hl, wh_i]
    v3 = fm_bhwc[b, hh_i, wl]
    v4 = fm_bhwc[b, hh_i, wh_i]
    w1 = (hh * hw)[..., None]
    w2 = (hh * lw)[..., None]
    w3 = (lh * hw)[..., None]
    w4 = (lh * lw)[..., None]
    return w1 * v1 + w2 * v2 + w3 * v3 + w4 * v4

def reference(feat_map, rois, offset, stride, num_point):
    n = rois.shape[0]
    b_ix = rois[:, 0].astype(jnp.int32)
    p_static = offset.shape[1] // 2
    off = offset.reshape(n, p_static, 2) * jnp.sign(jnp.asarray(num_point, offset.dtype))
    centers_x = (rois[:, 1] + rois[:, 3]) / 2.0
    centers_y = (rois[:, 2] + rois[:, 4]) / 2.0
    w_ = rois[:, 3] - rois[:, 1] + 1.0
    h_ = rois[:, 4] - rois[:, 2] + 1.0
    centers = jnp.stack([centers_x, centers_y], axis=-1)[:, None, :]
    wh = jnp.stack([w_, h_], axis=-1)[:, None, :]
    index = (centers + off * wh * 0.1) / stride
    fm = jnp.transpose(feat_map, (0, 2, 3, 1))
    deform_feats = _bilinear_gather(fm, b_ix, index)  # [n, num_point, C]
    return deform_feats

if __name__ == "__main__":
    import jax
    _d = setup_inputs()
    print(jax.jit(kernel)(*tuple(_d.values())))

</pallas_src>

<mosaic_0001>
#map = affine_map<(d0, d1) -> (0, 0)>
#map1 = affine_map<(d0, d1) -> (0, 0, 0)>
module attributes {stable_mosaic.version = 14 : i64} {
  func.func @_sc_sample(%arg0: i32, %arg1: i32, %arg2: memref<65536x256xbf16, #tpu.memory_space<hbm>>, %arg3: memref<5x2048xf32, #tpu.memory_space<hbm>>, %arg4: memref<2x49x2048xf32, #tpu.memory_space<hbm>>, %arg5: memref<49x2048x256xbf16, #tpu.memory_space<hbm>>, %arg6: memref<5x64xf32, #tpu.memory_space<vmem>>, %arg7: memref<2x49x64xf32, #tpu.memory_space<vmem>>, %arg8: memref<64xi32, #tpu.memory_space<vmem>>, %arg9: memref<64xi32, #tpu.memory_space<vmem>>, %arg10: memref<32xf32, #tpu.memory_space<vmem>>, %arg11: memref<32xf32, #tpu.memory_space<vmem>>, %arg12: memref<64x256xbf16, #tpu.memory_space<vmem>>, %arg13: memref<64x256xbf16, #tpu.memory_space<vmem>>, %arg14: memref<16x256xbf16, #tpu.memory_space<vmem>>, %arg15: memref<16x256xbf16, #tpu.memory_space<vmem>>, %arg16: memref<!tpu.dma_semaphore, #tpu.memory_space<semaphore_mem>>, %arg17: memref<!tpu.dma_semaphore, #tpu.memory_space<semaphore_mem>>, %arg18: memref<!tpu.dma_semaphore, #tpu.memory_space<semaphore_mem>>, %arg19: memref<!tpu.dma_semaphore, #tpu.memory_space<semaphore_mem>>) attributes {dimension_semantics = [#tpu.dimension_semantics<core_parallel>, #tpu.dimension_semantics<subcore_parallel>], iteration_bounds = array<i64: 2, 16>, scalar_prefetch = 0 : i64, scratch_operands = 14 : i64, tpu.core_type = #tpu.core_type<sc_vector_subcore>, window_params = [{transform_indices = #map}, {transform_indices = #map}, {transform_indices = #map1}, {transform_indices = #map1}]} {
    %mul3A = arith.constant 2 : i32
    %mul3A_0 = arith.muli %arg1, %mul3A : i32
    %add3A = arith.addi %mul3A_0, %arg0 : i32
    %mul3A_1 = arith.constant 64 : i32
    %mul3A_2 = arith.muli %add3A, %mul3A_1 : i32
    "tpu.region"() ({
      %run_scoped3A = tpu.sem_alloc : memref<!tpu.dma_semaphore, #tpu.memory_space<semaphore_mem>>
      %dma_start3A_470 = arith.constant 0 : i32
      %dma_start3A_471 = tpu.memref_slice %arg3[%dma_start3A_470, %mul3A_2] : memref<5x2048xf32, #tpu.memory_space<hbm>> -> memref<5x64xf32, #tpu.memory_space<hbm>>
      %dma_start3A_472 = arith.constant 0 : i32
      %dma_start3A_473 = tpu.memref_slice %arg3[%dma_start3A_472, %mul3A_2] : memref<5x2048xf32, #tpu.memory_space<hbm>> -> memref<5x64xf32, #tpu.memory_space<hbm>>
      tpu.enqueue_dma source(%dma_start3A_473 : memref<5x64xf32, #tpu.memory_space<hbm>>) target(%arg6 : memref<5x64xf32, #tpu.memory_space<vmem>>) target_semaphore(%run_scoped3A : memref<!tpu.dma_semaphore, #tpu.memory_space<semaphore_mem>>)
      %dma_wait3A_474 = arith.constant 0 : i32
      %dma_wait3A_475 = tpu.memref_slice %arg3[%dma_wait3A_474, %mul3A_2] : memref<5x2048xf32, #tpu.memory_space<hbm>> -> memref<5x64xf32, #tpu.memory_space<hbm>>
      %dma_wait3A_476 = arith.constant 0 : i32
      %dma_wait3A_477 = tpu.memref_slice %arg3[%dma_wait3A_476, %mul3A_2] : memref<5x2048xf32, #tpu.memory_space<hbm>> -> memref<5x64xf32, #tpu.memory_space<hbm>>
      tpu.wait_dma2 semaphore(%run_scoped3A : memref<!tpu.dma_semaphore, #tpu.memory_space<semaphore_mem>>) src(%dma_wait3A_477 : memref<5x64xf32, #tpu.memory_space<hbm>>) dst(%arg6 : memref<5x64xf32, #tpu.memory_space<vmem>>)
      tpu.yield
    }) : () -> ()
    "tpu.region"() ({
      %run_scoped3A = tpu.sem_alloc : memref<!tpu.dma_semaphore, #tpu.memory_space<semaphore_mem>>
      %dma_start3A_470 = arith.constant 0 : i32
      %dma_start3A_471 = arith.constant 0 : i32
      %dma_start3A_472 = tpu.memref_slice %arg4[%dma_start3A_470, %dma_start3A_471, %mul3A_2] : memref<2x49x2048xf32, #tpu.memory_space<hbm>> -> memref<2x49x64xf32, #tpu.memory_space<hbm>>
      %dma_start3A_473 = arith.constant 0 : i32
      %dma_start3A_474 = arith.constant 0 : i32
      %dma_start3A_475 = tpu.memref_slice %arg4[%dma_start3A_473, %dma_start3A_474, %mul3A_2] : memref<2x49x2048xf32, #tpu.memory_space<hbm>> -> memref<2x49x64xf32, #tpu.memory_space<hbm>>
      tpu.enqueue_dma source(%dma_start3A_475 : memref<2x49x64xf32, #tpu.memory_space<hbm>>) target(%arg7 : memref<2x49x64xf32, #tpu.memory_space<vmem>>) target_semaphore(%run_scoped3A : memref<!tpu.dma_semaphore, #tpu.memory_space<semaphore_mem>>)
      %dma_wait3A_476 = arith.constant 0 : i32
      %dma_wait3A_477 = arith.constant 0 : i32
      %dma_wait3A_478 = tpu.memref_slice %arg4[%dma_wait3A_476, %dma_wait3A_477, %mul3A_2] : memref<2x49x2048xf32, #tpu.memory_space<hbm>> -> memref<2x49x64xf32, #tpu.memory_space<hbm>>
      %dma_wait3A_479 = arith.constant 0 : i32
      %dma_wait3A_480 = arith.constant 0 : i32
      %dma_wait3A_481 = tpu.memref_slice %arg4[%dma_wait3A_479, %dma_wait3A_480, %mul3A_2] : memref<2x49x2048xf32, #tpu.memory_space<hbm>> -> memref<2x49x64xf32, #tpu.memory_space<hbm>>
      tpu.wait_dma2 semaphore(%run_scoped3A : memref<!tpu.dma_semaphore, #tpu.memory_space<semaphore_mem>>) src(%dma_wait3A_481 : memref<2x49x64xf32, #tpu.memory_space<hbm>>) dst(%arg7 : memref<2x49x64xf32, #tpu.memory_space<vmem>>)
      tpu.yield
    }) : () -> ()
    %iota3A = tpu.iota {dimensions = array<i32: 0>} : vector<16xi32>
    %broadcast_in_dim3A = arith.constant 0 : i32
    %broadcast_in_dim3A_3 = vector.broadcast %broadcast_in_dim3A : i32 to vector<16xi32>
    %broadcast_in_dim3A_4 = arith.constant 1 : i32
    %broadcast_in_dim3A_5 = vector.broadcast %broadcast_in_dim3A_4 : i32 to vector<16xi32>
    %add3A_6 = arith.constant 16 : i32
    %add3A_7 = vector.broadcast %add3A_6 : i32 to vector<16xi32>
    %add3A_8 = arith.addi %iota3A, %add3A_7 : vector<16xi32>
    %add3A_9 = arith.constant 32 : i32
    %add3A_10 = vector.broadcast %add3A_9 : i32 to vector<16xi32>
    %add3A_11 = arith.addi %iota3A, %add3A_10 : vector<16xi32>
    %add3A_12 = arith.constant 48 : i32
    %add3A_13 = vector.broadcast %add3A_12 : i32 to vector<16xi32>
    %add3A_14 = arith.addi %iota3A, %add3A_13 : vector<16xi32>
    %add3A_15 = arith.constant 0 : i32
    %add3A_16 = vector.broadcast %add3A_15 : i32 to vector<16xi32>
    %add3A_17 = arith.addi %add3A_16, %iota3A : vector<16xi32>
    %broadcast_in_dim3A_18 = arith.constant 0 : i32
    %broadcast_in_dim3A_19 = vector.broadcast %broadcast_in_dim3A_18 : i32 to vector<16xi32>
    %gather3A = tpu.vector_load_idx %arg6[%broadcast_in_dim3A_3, %add3A_17] : memref<5x64xf32, #tpu.memory_space<vmem>>[vector<16xi32>, vector<16xi32>], vector<16xf32>,
    %gather3A_20 = tpu.vector_load_idx %arg6[%broadcast_in_dim3A_5, %add3A_17] : memref<5x64xf32, #tpu.memory_space<vmem>>[vector<16xi32>, vector<16xi32>], vector<16xf32>,
    %broadcast_in_dim3A_21 = arith.constant 2 : i32
    %broadcast_in_dim3A_22 = vector.broadcast %broadcast_in_dim3A_21 : i32 to vector<16xi32>
    %gather3A_23 = tpu.vector_load_idx %arg6[%broadcast_in_dim3A_22, %add3A_17] : memref<5x64xf32, #tpu.memory_space<vmem>>[vector<16xi32>, vector<16xi32>], vector<16xf32>,
    %broadcast_in_dim3A_24 = arith.constant 3 : i32
    %broadcast_in_dim3A_25 = vector.broadcast %broadcast_in_dim3A_24 : i32 to vector<16xi32>
    %gather3A_26 = tpu.vector_load_idx %arg6[%broadcast_in_dim3A_25, %add3A_17] : memref<5x64xf32, #tpu.memory_space<vmem>>[vector<16xi32>, vector<16xi32>], vector<16xf32>,
    %broadcast_in_dim3A_27 = arith.constant 4 : i32
    %broadcast_in_dim3A_28 = vector.broadcast %broadcast_in_dim3A_27 : i32 to vector<16xi32>
    %gather3A_29 = tpu.vector_load_idx %arg6[%broadcast_in_dim3A_28, %add3A_17] : memref<5x64xf32, #tpu.memory_space<vmem>>[vector<16xi32>, vector<16xi32>], vector<16xf32>,
    %gather3A_30 = tpu.vector_load_idx %arg7[%broadcast_in_dim3A_3, %broadcast_in_dim3A_19, %add3A_17] : memref<2x49x64xf32, #tpu.memory_space<vmem>>[vector<16xi32>, vector<16xi32>, vector<16xi32>], vector<16xf32>,
    %gather3A_31 = tpu.vector_load_idx %arg7[%broadcast_in_dim3A_5, %broadcast_in_dim3A_19, %add3A_17] : memref<2x49x64xf32, #tpu.memory_space<vmem>>[vector<16xi32>, vector<16xi32>, vector<16xi32>], vector<16xf32>,
    %mul3A_32 = arith.mulf %gather3A_30, %gather3A_23 : vector<16xf32>
    %add3A_33 = arith.addf %gather3A, %mul3A_32 : vector<16xf32>
    %mul3A_34 = arith.mulf %gather3A_31, %gather3A_26 : vector<16xf32>
    %add3A_35 = arith.addf %gather3A_20, %mul3A_34 : vector<16xf32>
    %max3A = arith.constant 0.000000e+00 : f32
    %max3A_36 = vector.broadcast %max3A : f32 to vector<16xf32>
    %max3A_37 = arith.maximumf %add3A_33, %max3A_36 : vector<16xf32>
    %min3A = arith.constant 1.270000e+02 : f32
    %min3A_38 = vector.broadcast %min3A : f32 to vector<16xf32>
    %min3A_39 = arith.minimumf %max3A_37, %min3A_38 : vector<16xf32>
    %max3A_40 = arith.constant 0.000000e+00 : f32
    %max3A_41 = vector.broadcast %max3A_40 : f32 to vector<16xf32>
    %max3A_42 = arith.maximumf %add3A_35, %max3A_41 : vector<16xf32>
    %min3A_43 = arith.constant 1.270000e+02 : f32
    %min3A_44 = vector.broadcast %min3A_43 : f32 to vector<16xf32>
    %min3A_45 = arith.minimumf %max3A_42, %min3A_44 : vector<16xf32>
    %convert_element_type3A = arith.fptosi %min3A_39 : vector<16xf32> to vector<16xi32>
    %convert_element_type3A_46 = arith.fptosi %min3A_45 : vector<16xf32> to vector<16xi32>
    %convert_element_type3A_47 = arith.sitofp %convert_element_type3A : vector<16xi32> to vector<16xf32>
    %convert_element_type3A_48 = arith.sitofp %convert_element_type3A_46 : vector<16xi32> to vector<16xf32>
    %ge3A = arith.constant 1.270000e+02 : f32
    %ge3A_49 = vector.broadcast %ge3A : f32 to vector<16xf32>
    %ge3A_50 = arith.cmpf oge, %convert_element_type3A_47, %ge3A_49 : vector<16xf32>
    %ge3A_51 = arith.constant 1.270000e+02 : f32
    %ge3A_52 = vector.broadcast %ge3A_51 : f32 to vector<16xf32>
    %ge3A_53 = arith.cmpf oge, %convert_element_type3A_48, %ge3A_52 : vector<16xf32>
    %sub3A = arith.subf %add3A_33, %convert_element_type3A_47 : vector<16xf32>
    %jit3A = arith.constant 0.000000e+00 : f32
    %broadcast_in_dim3A_54 = vector.broadcast %jit3A : f32 to vector<16xf32>
    %select_n3A = arith.select %ge3A_50, %broadcast_in_dim3A_54, %sub3A : vector<16xi1>, vector<16xf32>
    %sub3A_55 = arith.subf %add3A_35, %convert_element_type3A_48 : vector<16xf32>
    %jit3A_56 = arith.constant 0.000000e+00 : f32
    %broadcast_in_dim3A_57 = vector.broadcast %jit3A_56 : f32 to vector<16xf32>
    %select_n3A_58 = arith.select %ge3A_53, %broadcast_in_dim3A_57, %sub3A_55 : vector<16xi1>, vector<16xf32>
    %jit3A_59 = arith.constant 0 : i32
    %jit3A_60 = arith.constant 1 : i32
    %broadcast_in_dim3A_61 = vector.broadcast %jit3A_59 : i32 to vector<16xi32>
    %broadcast_in_dim3A_62 = vector.broadcast %jit3A_60 : i32 to vector<16xi32>
    %select_n3A_63 = arith.select %ge3A_50, %broadcast_in_dim3A_61, %broadcast_in_dim3A_62 : vector<16xi1>, vector<16xi32>
    %jit3A_64 = arith.constant 0 : i32
    %jit3A_65 = arith.constant 128 : i32
    %broadcast_in_dim3A_66 = vector.broadcast %jit3A_64 : i32 to vector<16xi32>
    %broadcast_in_dim3A_67 = vector.broadcast %jit3A_65 : i32 to vector<16xi32>
    %select_n3A_68 = arith.select %ge3A_53, %broadcast_in_dim3A_66, %broadcast_in_dim3A_67 : vector<16xi1>, vector<16xi32>
    %convert_element_type3A_69 = arith.fptosi %gather3A_29 : vector<16xf32> to vector<16xi32>
    %mul3A_70 = arith.constant 128 : i32
    %mul3A_71 = vector.broadcast %mul3A_70 : i32 to vector<16xi32>
    %mul3A_72 = arith.muli %convert_element_type3A_46, %mul3A_71 : vector<16xi32>
    %add3A_73 = arith.addi %convert_element_type3A_69, %mul3A_72 : vector<16xi32>
    %add3A_74 = arith.addi %add3A_73, %convert_element_type3A : vector<16xi32>
    %swap3A = arith.constant 0 : index
    %swap3A_75 = tpu.vector_load %arg8[%swap3A] {strides = array<i32>} : memref<64xi32, #tpu.memory_space<vmem>>, vector<16xi32>,
    tpu.vector_store %arg8[%swap3A], %add3A_74 {strides = array<i32>} : memref<64xi32, #tpu.memory_space<vmem>>, vector<16xi32>,
    %add3A_76 = arith.addi %add3A_74, %select_n3A_63 : vector<16xi32>
    %swap3A_77 = arith.constant 16 : index
    %swap3A_78 = tpu.vector_load %arg8[%swap3A_77] {strides = array<i32>} : memref<64xi32, #tpu.memory_space<vmem>>, vector<16xi32>,
    tpu.vector_store %arg8[%swap3A_77], %add3A_76 {strides = array<i32>} : memref<64xi32, #tpu.memory_space<vmem>>, vector<16xi32>,
    %add3A_79 = arith.addi %add3A_74, %select_n3A_68 : vector<16xi32>
    %swap3A_80 = arith.constant 32 : index
    %swap3A_81 = tpu.vector_load %arg8[%swap3A_80] {strides = array<i32>} : memref<64xi32, #tpu.memory_space<vmem>>, vector<16xi32>,
    tpu.vector_store %arg8[%swap3A_80], %add3A_79 {strides = array<i32>} : memref<64xi32, #tpu.memory_space<vmem>>, vector<16xi32>,
    %add3A_82 = arith.addi %add3A_74, %select_n3A_68 : vector<16xi32>
    %add3A_83 = arith.addi %add3A_82, %select_n3A_63 : vector<16xi32>
    %swap3A_84 = arith.constant 48 : index
    %swap3A_85 = tpu.vector_load %arg8[%swap3A_84] {strides = array<i32>} : memref<64xi32, #tpu.memory_space<vmem>>, vector<16xi32>,
    tpu.vector_store %arg8[%swap3A_84], %add3A_83 {strides = array<i32>} : memref<64xi32, #tpu.memory_space<vmem>>, vector<16xi32>,
    %swap3A_86 = arith.constant 0 : index
    %swap3A_87 = tpu.vector_load %arg10[%swap3A_86] {strides = array<i32>} : memref<32xf32, #tpu.memory_space<vmem>>, vector<16xf32>,
    tpu.vector_store %arg10[%swap3A_86], %select_n3A {strides = array<i32>} : memref<32xf32, #tpu.memory_space<vmem>>, vector<16xf32>,
    %swap3A_88 = arith.constant 16 : index
    %swap3A_89 = tpu.vector_load %arg10[%swap3A_88] {strides = array<i32>} : memref<32xf32, #tpu.memory_space<vmem>>, vector<16xf32>,
    tpu.vector_store %arg10[%swap3A_88], %select_n3A_58 {strides = array<i32>} : memref<32xf32, #tpu.memory_space<vmem>>, vector<16xf32>,
    %dma_start3A = arith.constant 0 : i32
    %dma_start3A_90 = arith.constant 0 : i32
    %dma_start3A_91 = tpu.memref_slice %arg2[%dma_start3A, %dma_start3A_90] : memref<65536x256xbf16, #tpu.memory_space<hbm>> -> memref<65536x256xbf16, #tpu.memory_space<hbm>>
    tpu.enqueue_indirect_dma source(%dma_start3A_91 : memref<65536x256xbf16, #tpu.memory_space<hbm>>) target(%arg12 : memref<64x256xbf16, #tpu.memory_space<vmem>>) offsets(%arg8 : memref<64xi32, #tpu.memory_space<vmem>>) semaphore(%arg16 : memref<!tpu.dma_semaphore, #tpu.memory_space<semaphore_mem>>)
    %add3A_92 = arith.constant 0 : i32
    %add3A_93 = vector.broadcast %add3A_92 : i32 to vector<16xi32>
    %add3A_94 = arith.addi %add3A_93, %iota3A : vector<16xi32>
    %broadcast_in_dim3A_95 = arith.constant 1 : i32
    %broadcast_in_dim3A_96 = vector.broadcast %broadcast_in_dim3A_95 : i32 to vector<16xi32>
    %gather3A_97 = tpu.vector_load_idx %arg6[%broadcast_in_dim3A_3, %add3A_94] : memref<5x64xf32, #tpu.memory_space<vmem>>[vector<16xi32>, vector<16xi32>], vector<16xf32>,
    %gather3A_98 = tpu.vector_load_idx %arg6[%broadcast_in_dim3A_5, %add3A_94] : memref<5x64xf32, #tpu.memory_space<vmem>>[vector<16xi32>, vector<16xi32>], vector<16xf32>,
    %broadcast_in_dim3A_99 = arith.constant 2 : i32
    %broadcast_in_dim3A_100 = vector.broadcast %broadcast_in_dim3A_99 : i32 to vector<16xi32>
    %gather3A_101 = tpu.vector_load_idx %arg6[%broadcast_in_dim3A_100, %add3A_94] : memref<5x64xf32, #tpu.memory_space<vmem>>[vector<16xi32>, vector<16xi32>], vector<16xf32>,
    %broadcast_in_dim3A_102 = arith.constant 3 : i32
    %broadcast_in_dim3A_103 = vector.broadcast %broadcast_in_dim3A_102 : i32 to vector<16xi32>
    %gather3A_104 = tpu.vector_load_idx %arg6[%broadcast_in_dim3A_103, %add3A_94] : memref<5x64xf32, #tpu.memory_space<vmem>>[vector<16xi32>, vector<16xi32>], vector<16xf32>,
    %broadcast_in_dim3A_105 = arith.constant 4 : i32
    %broadcast_in_dim3A_106 = vector.broadcast %broadcast_in_dim3A_105 : i32 to vector<16xi32>
    %gather3A_107 = tpu.vector_load_idx %arg6[%broadcast_in_dim3A_106, %add3A_94] : memref<5x64xf32, #tpu.memory_space<vmem>>[vector<16xi32>, vector<16xi32>], vector<16xf32>,
    %gather3A_108 = tpu.vector_load_idx %arg7[%broadcast_in_dim3A_3, %broadcast_in_dim3A_96, %add3A_94] : memref<2x49x64xf32, #tpu.memory_space<vmem>>[vector<16xi32>, vector<16xi32>, vector<16xi32>], vector<16xf32>,
    %gather3A_109 = tpu.vector_load_idx %arg7[%broadcast_in_dim3A_5, %broadcast_in_dim3A_96, %add3A_94] : memref<2x49x64xf32, #tpu.memory_space<vmem>>[vector<16xi32>, vector<16xi32>, vector<16xi32>], vector<16xf32>,
    %mul3A_110 = arith.mulf %gather3A_108, %gather3A_101 : vector<16xf32>
    %add3A_111 = arith.addf %gather3A_97, %mul3A_110 : vector<16xf32>
    %mul3A_112 = arith.mulf %gather3A_109, %gather3A_104 : vector<16xf32>
    %add3A_113 = arith.addf %gather3A_98, %mul3A_112 : vector<16xf32>
    %max3A_114 = arith.constant 0.000000e+00 : f32
    %max3A_115 = vector.broadcast %max3A_114 : f32 to vector<16xf32>
    %max3A_116 = arith.maximumf %add3A_111, %max3A_115 : vector<16xf32>
    %min3A_117 = arith.constant 1.270000e+02 : f32
    %min3A_118 = vector.broadcast %min3A_117 : f32 to vector<16xf32>
    %min3A_119 = arith.minimumf %max3A_116, %min3A_118 : vector<16xf32>
    %max3A_120 = arith.constant 0.000000e+00 : f32
    %max3A_121 = vector.broadcast %max3A_120 : f32 to vector<16xf32>
    %max3A_122 = arith.maximumf %add3A_113, %max3A_121 : vector<16xf32>
    %min3A_123 = arith.constant 1.270000e+02 : f32
    %min3A_124 = vector.broadcast %min3A_123 : f32 to vector<16xf32>
    %min3A_125 = arith.minimumf %max3A_122, %min3A_124 : vector<16xf32>
    %convert_element_type3A_126 = arith.fptosi %min3A_119 : vector<16xf32> to vector<16xi32>
    %convert_element_type3A_127 = arith.fptosi %min3A_125 : vector<16xf32> to vector<16xi32>
    %convert_element_type3A_128 = arith.sitofp %convert_element_type3A_126 : vector<16xi32> to vector<16xf32>
    %convert_element_type3A_129 = arith.sitofp %convert_element_type3A_127 : vector<16xi32> to vector<16xf32>
    %ge3A_130 = arith.constant 1.270000e+02 : f32
    %ge3A_131 = vector.broadcast %ge3A_130 : f32 to vector<16xf32>
    %ge3A_132 = arith.cmpf oge, %convert_element_type3A_128, %ge3A_131 : vector<16xf32>
    %ge3A_133 = arith.constant 1.270000e+02 : f32
    %ge3A_134 = vector.broadcast %ge3A_133 : f32 to vector<16xf32>
    %ge3A_135 = arith.cmpf oge, %convert_element_type3A_129, %ge3A_134 : vector<16xf32>
    %sub3A_136 = arith.subf %add3A_111, %convert_element_type3A_128 : vector<16xf32>
    %jit3A_137 = arith.constant 0.000000e+00 : f32
    %broadcast_in_dim3A_138 = vector.broadcast %jit3A_137 : f32 to vector<16xf32>
    %select_n3A_139 = arith.select %ge3A_132, %broadcast_in_dim3A_138, %sub3A_136 : vector<16xi1>, vector<16xf32>
    %sub3A_140 = arith.subf %add3A_113, %convert_element_type3A_129 : vector<16xf32>
    %jit3A_141 = arith.constant 0.000000e+00 : f32
    %broadcast_in_dim3A_142 = vector.broadcast %jit3A_141 : f32 to vector<16xf32>
    %select_n3A_143 = arith.select %ge3A_135, %broadcast_in_dim3A_142, %sub3A_140 : vector<16xi1>, vector<16xf32>
    %jit3A_144 = arith.constant 0 : i32
    %jit3A_145 = arith.constant 1 : i32
    %broadcast_in_dim3A_146 = vector.broadcast %jit3A_144 : i32 to vector<16xi32>
    %broadcast_in_dim3A_147 = vector.broadcast %jit3A_145 : i32 to vector<16xi32>
    %select_n3A_148 = arith.select %ge3A_132, %broadcast_in_dim3A_146, %broadcast_in_dim3A_147 : vector<16xi1>, vector<16xi32>
    %jit3A_149 = arith.constant 0 : i32
    %jit3A_150 = arith.constant 128 : i32
    %broadcast_in_dim3A_151 = vector.broadcast %jit3A_149 : i32 to vector<16xi32>
    %broadcast_in_dim3A_152 = vector.broadcast %jit3A_150 : i32 to vector<16xi32>
    %select_n3A_153 = arith.select %ge3A_135, %broadcast_in_dim3A_151, %broadcast_in_dim3A_152 : vector<16xi1>, vector<16xi32>
    %convert_element_type3A_154 = arith.fptosi %gather3A_107 : vector<16xf32> to vector<16xi32>
    %mul3A_155 = arith.constant 128 : i32
    %mul3A_156 = vector.broadcast %mul3A_155 : i32 to vector<16xi32>
    %mul3A_157 = arith.muli %convert_element_type3A_127, %mul3A_156 : vector<16xi32>
    %add3A_158 = arith.addi %convert_element_type3A_154, %mul3A_157 : vector<16xi32>
    %add3A_159 = arith.addi %add3A_158, %convert_element_type3A_126 : vector<16xi32>
    %swap3A_160 = arith.constant 0 : index
    %swap3A_161 = tpu.vector_load %arg9[%swap3A_160] {strides = array<i32>} : memref<64xi32, #tpu.memory_space<vmem>>, vector<16xi32>,
    tpu.vector_store %arg9[%swap3A_160], %add3A_159 {strides = array<i32>} : memref<64xi32, #tpu.memory_space<vmem>>, vector<16xi32>,
    %add3A_162 = arith.addi %add3A_159, %select_n3A_148 : vector<16xi32>
    %swap3A_163 = arith.constant 16 : index
    %swap3A_164 = tpu.vector_load %arg9[%swap3A_163] {strides = array<i32>} : memref<64xi32, #tpu.memory_space<vmem>>, vector<16xi32>,
    tpu.vector_store %arg9[%swap3A_163], %add3A_162 {strides = array<i32>} : memref<64xi32, #tpu.memory_space<vmem>>, vector<16xi32>,
    %add3A_165 = arith.addi %add3A_159, %select_n3A_153 : vector<16xi32>
    %swap3A_166 = arith.constant 32 : index
    %swap3A_167 = tpu.vector_load %arg9[%swap3A_166] {strides = array<i32>} : memref<64xi32, #tpu.memory_space<vmem>>, vector<16xi32>,
    tpu.vector_store %arg9[%swap3A_166], %add3A_165 {strides = array<i32>} : memref<64xi32, #tpu.memory_space<vmem>>, vector<16xi32>,
    %add3A_168 = arith.addi %add3A_159, %select_n3A_153 : vector<16xi32>
    %add3A_169 = arith.addi %add3A_168, %select_n3A_148 : vector<16xi32>
    %swap3A_170 = arith.constant 48 : index
    %swap3A_171 = tpu.vector_load %arg9[%swap3A_170] {strides = array<i32>} : memref<64xi32, #tpu.memory_space<vmem>>, vector<16xi32>,
    tpu.vector_store %arg9[%swap3A_170], %add3A_169 {strides = array<i32>} : memref<64xi32, #tpu.memory_space<vmem>>, vector<16xi32>,
    %swap3A_172 = arith.constant 0 : index
    %swap3A_173 = tpu.vector_load %arg11[%swap3A_172] {strides = array<i32>} : memref<32xf32, #tpu.memory_space<vmem>>, vector<16xf32>,
    tpu.vector_store %arg11[%swap3A_172], %select_n3A_139 {strides = array<i32>} : memref<32xf32, #tpu.memory_space<vmem>>, vector<16xf32>,
    %swap3A_174 = arith.constant 16 : index
    %swap3A_175 = tpu.vector_load %arg11[%swap3A_174] {strides = array<i32>} : memref<32xf32, #tpu.memory_space<vmem>>, vector<16xf32>,
    tpu.vector_store %arg11[%swap3A_174], %select_n3A_143 {strides = array<i32>} : memref<32xf32, #tpu.memory_space<vmem>>, vector<16xf32>,
    %dma_start3A_176 = arith.constant 0 : i32
    %dma_start3A_177 = arith.constant 0 : i32
    %dma_start3A_178 = tpu.memref_slice %arg2[%dma_start3A_176, %dma_start3A_177] : memref<65536x256xbf16, #tpu.memory_space<hbm>> -> memref<65536x256xbf16, #tpu.memory_space<hbm>>
    tpu.enqueue_indirect_dma source(%dma_start3A_178 : memref<65536x256xbf16, #tpu.memory_space<hbm>>) target(%arg13 : memref<64x256xbf16, #tpu.memory_space<vmem>>) offsets(%arg9 : memref<64xi32, #tpu.memory_space<vmem>>) semaphore(%arg17 : memref<!tpu.dma_semaphore, #tpu.memory_space<semaphore_mem>>)
    %dma_wait3A = arith.constant 0 : i32
    %dma_wait3A_179 = arith.constant 0 : i32
    %dma_wait3A_180 = tpu.memref_slice %arg2[%dma_wait3A, %dma_wait3A_179] : memref<65536x256xbf16, #tpu.memory_space<hbm>> -> memref<65536x256xbf16, #tpu.memory_space<hbm>>
    tpu.wait_indirect_dma semaphore(%arg16 : memref<!tpu.dma_semaphore, #tpu.memory_space<semaphore_mem>>) src(%dma_wait3A_180 : memref<65536x256xbf16, #tpu.memory_space<hbm>>) dst(%arg12 : memref<64x256xbf16, #tpu.memory_space<vmem>>)
    %scan3A = arith.constant 0 : i32
    %scan3A_181 = arith.constant 0 : i32
    %scan3A_182 = arith.constant 16 : i32
    %scan3A_183 = arith.addi %scan3A_181, %scan3A_182 : i32
    %scan3A_184 = arith.constant 1 : i32
    %scan3A_185 = scf.for %scan3A_470 = %scan3A_181 to %scan3A_183 step %scan3A_184 iter_args(%scan3A_471 = %scan3A) -> (i32)  : i32 {
      %broadcast_in_dim3A_472 = vector.broadcast %scan3A_470 : i32 to vector<16xi32>
      %gather3A_473 = tpu.vector_load_idx %arg10[%broadcast_in_dim3A_472] : memref<32xf32, #tpu.memory_space<vmem>>[vector<16xi32>], vector<16xf32>,
      %add3A_474 = arith.constant 16 : i32
      %add3A_475 = vector.broadcast %add3A_474 : i32 to vector<16xi32>
      %add3A_476 = arith.addi %broadcast_in_dim3A_472, %add3A_475 : vector<16xi32>
      %gather3A_477 = tpu.vector_load_idx %arg10[%add3A_476] : memref<32xf32, #tpu.memory_space<vmem>>[vector<16xi32>], vector<16xf32>,
      %pack3A = tpu.pack_subelements %gather3A_473, %gather3A_473 {pack_format = #tpu.pack_format<interleaved>, positions = array<i32: 0, 1>} : vector<16xf32>, vector<16xf32> -> vector<32xbf16>
      %pack3A_478 = tpu.pack_subelements %gather3A_477, %gather3A_477 {pack_format = #tpu.pack_format<interleaved>, positions = array<i32: 0, 1>} : vector<16xf32>, vector<16xf32> -> vector<32xbf16>
      %parallel_loop3A = arith.constant 0 : i32
      %parallel_loop3A_479 = arith.constant 8 : i32
      %parallel_loop3A_480 = arith.constant 1 : i32
      scf.for %parallel_loop3A_482 = %parallel_loop3A to %parallel_loop3A_479 step %parallel_loop3A_480  : i32 {
        %parallel_loop3A_483 = arith.constant 32 : i32
        %parallel_loop3A_484 = arith.muli %parallel_loop3A_482, %parallel_loop3A_483 : i32
        %parallel_loop3A_485 = arith.index_cast %scan3A_470 : i32 to index
        %parallel_loop3A_486 = arith.index_cast %parallel_loop3A_484 : i32 to index
        %parallel_loop3A_487 = tpu.vector_load %arg12[%parallel_loop3A_485, %parallel_loop3A_486] {strides = array<i32>} : memref<64x256xbf16, #tpu.memory_space<vmem>>, vector<32xbf16>,
        %parallel_loop3A_488 = arith.constant 16 : i32
        %parallel_loop3A_489 = arith.addi %scan3A_470, %parallel_loop3A_488 : i32
        %parallel_loop3A_490 = arith.index_cast %parallel_loop3A_489 : i32 to index
        %parallel_loop3A_491 = arith.index_cast %parallel_loop3A_484 : i32 to index
        %parallel_loop3A_492 = tpu.vector_load %arg12[%parallel_loop3A_490, %parallel_loop3A_491] {strides = array<i32>} : memref<64x256xbf16, #tpu.memory_space<vmem>>, vector<32xbf16>,
        %parallel_loop3A_493 = arith.constant 32 : i32
        %parallel_loop3A_494 = arith.addi %scan3A_470, %parallel_loop3A_493 : i32
        %parallel_loop3A_495 = arith.index_cast %parallel_loop3A_494 : i32 to index
        %parallel_loop3A_496 = arith.index_cast %parallel_loop3A_484 : i32 to index
        %parallel_loop3A_497 = tpu.vector_load %arg12[%parallel_loop3A_495, %parallel_loop3A_496] {strides = array<i32>} : memref<64x256xbf16, #tpu.memory_space<vmem>>, vector<32xbf16>,
        %parallel_loop3A_498 = arith.constant 48 : i32
        %parallel_loop3A_499 = arith.addi %scan3A_470, %parallel_loop3A_498 : i32
        %parallel_loop3A_500 = arith.index_cast %parallel_loop3A_499 : i32 to index
        %parallel_loop3A_501 = arith.index_cast %parallel_loop3A_484 : i32 to index
        %parallel_loop3A_502 = tpu.vector_load %arg12[%parallel_loop3A_500, %parallel_loop3A_501] {strides = array<i32>} : memref<64x256xbf16, #tpu.memory_space<vmem>>, vector<32xbf16>,
        %parallel_loop3A_503 = arith.subf %parallel_loop3A_492, %parallel_loop3A_487 : vector<32xbf16>
        %parallel_loop3A_504 = arith.mulf %pack3A, %parallel_loop3A_503 : vector<32xbf16>
        %parallel_loop3A_505 = arith.addf %parallel_loop3A_487, %parallel_loop3A_504 : vector<32xbf16>
        %parallel_loop3A_506 = arith.subf %parallel_loop3A_502, %parallel_loop3A_497 : vector<32xbf16>
        %parallel_loop3A_507 = arith.mulf %pack3A, %parallel_loop3A_506 : vector<32xbf16>
        %parallel_loop3A_508 = arith.addf %parallel_loop3A_497, %parallel_loop3A_507 : vector<32xbf16>
        %parallel_loop3A_509 = arith.subf %parallel_loop3A_508, %parallel_loop3A_505 : vector<32xbf16>
        %parallel_loop3A_510 = arith.mulf %pack3A_478, %parallel_loop3A_509 : vector<32xbf16>
        %parallel_loop3A_511 = arith.addf %parallel_loop3A_505, %parallel_loop3A_510 : vector<32xbf16>
        %parallel_loop3A_512 = arith.index_cast %scan3A_470 : i32 to index
        %parallel_loop3A_513 = arith.index_cast %parallel_loop3A_484 : i32 to index
        %parallel_loop3A_514 = tpu.vector_load %arg14[%parallel_loop3A_512, %parallel_loop3A_513] {strides = array<i32>} : memref<16x256xbf16, #tpu.memory_space<vmem>>, vector<32xbf16>,
        tpu.vector_store %arg14[%parallel_loop3A_512, %parallel_loop3A_513], %parallel_loop3A_511 {strides = array<i32>} : memref<16x256xbf16, #tpu.memory_space<vmem>>, vector<32xbf16>,
      } {sc.loop_unroll_factor = 8 : i64, sc.parallel_access}
      %scan3A_481 = arith.constant 0 : i32
      scf.yield %scan3A_481 : i32
    }
    %scan3A_186 = arith.constant 16 : i32
    %add3A_187 = arith.constant 0 : i32
    %add3A_188 = arith.addi %mul3A_2, %add3A_187 : i32
    %dma_start3A_189 = arith.constant 0 : i32
    %dma_start3A_190 = arith.constant 0 : i32
    %dma_start3A_191 = tpu.memref_slice %arg5[%dma_start3A_189, %add3A_188, %dma_start3A_190] : memref<49x2048x256xbf16, #tpu.memory_space<hbm>> -> memref<1x16x256xbf16, #tpu.memory_space<hbm>>
    %dma_start3A_192 = tpu.memref_squeeze %dma_start3A_191 : memref<1x16x256xbf16, #tpu.memory_space<hbm>> -> memref<16x256xbf16, #tpu.memory_space<hbm>>
    %dma_start3A_193 = arith.constant 0 : i32
    %dma_start3A_194 = tpu.memref_slice %arg5[%dma_start3A_189, %add3A_188, %dma_start3A_193] : memref<49x2048x256xbf16, #tpu.memory_space<hbm>> -> memref<1x16x256xbf16, #tpu.memory_space<hbm>>
    %dma_start3A_195 = tpu.memref_squeeze %dma_start3A_194 : memref<1x16x256xbf16, #tpu.memory_space<hbm>> -> memref<16x256xbf16, #tpu.memory_space<hbm>>
    tpu.enqueue_dma source(%arg14 : memref<16x256xbf16, #tpu.memory_space<vmem>>) target(%dma_start3A_195 : memref<16x256xbf16, #tpu.memory_space<hbm>>) target_semaphore(%arg18 : memref<!tpu.dma_semaphore, #tpu.memory_space<semaphore_mem>>)
    %add3A_196 = arith.constant 0 : i32
    %add3A_197 = vector.broadcast %add3A_196 : i32 to vector<16xi32>
    %add3A_198 = arith.addi %add3A_197, %iota3A : vector<16xi32>
    %broadcast_in_dim3A_199 = arith.constant 2 : i32
    %broadcast_in_dim3A_200 = vector.broadcast %broadcast_in_dim3A_199 : i32 to vector<16xi32>
    %gather3A_201 = tpu.vector_load_idx %arg6[%broadcast_in_dim3A_3, %add3A_198] : memref<5x64xf32, #tpu.memory_space<vmem>>[vector<16xi32>, vector<16xi32>], vector<16xf32>,
    %gather3A_202 = tpu.vector_load_idx %arg6[%broadcast_in_dim3A_5, %add3A_198] : memref<5x64xf32, #tpu.memory_space<vmem>>[vector<16xi32>, vector<16xi32>], vector<16xf32>,
    %broadcast_in_dim3A_203 = arith.constant 2 : i32
    %broadcast_in_dim3A_204 = vector.broadcast %broadcast_in_dim3A_203 : i32 to vector<16xi32>
    %gather3A_205 = tpu.vector_load_idx %arg6[%broadcast_in_dim3A_204, %add3A_198] : memref<5x64xf32, #tpu.memory_space<vmem>>[vector<16xi32>, vector<16xi32>], vector<16xf32>,
    %broadcast_in_dim3A_206 = arith.constant 3 : i32
    %broadcast_in_dim3A_207 = vector.broadcast %broadcast_in_dim3A_206 : i32 to vector<16xi32>
    %gather3A_208 = tpu.vector_load_idx %arg6[%broadcast_in_dim3A_207, %add3A_198] : memref<5x64xf32, #tpu.memory_space<vmem>>[vector<16xi32>, vector<16xi32>], vector<16xf32>,
    %broadcast_in_dim3A_209 = arith.constant 4 : i32
    %broadcast_in_dim3A_210 = vector.broadcast %broadcast_in_dim3A_209 : i32 to vector<16xi32>
    %gather3A_211 = tpu.vector_load_idx %arg6[%broadcast_in_dim3A_210, %add3A_198] : memref<5x64xf32, #tpu.memory_space<vmem>>[vector<16xi32>, vector<16xi32>], vector<16xf32>,
    %gather3A_212 = tpu.vector_load_idx %arg7[%broadcast_in_dim3A_3, %broadcast_in_dim3A_200, %add3A_198] : memref<2x49x64xf32, #tpu.memory_space<vmem>>[vector<16xi32>, vector<16xi32>, vector<16xi32>], vector<16xf32>,
    %gather3A_213 = tpu.vector_load_idx %arg7[%broadcast_in_dim3A_5, %broadcast_in_dim3A_200, %add3A_198] : memref<2x49x64xf32, #tpu.memory_space<vmem>>[vector<16xi32>, vector<16xi32>, vector<16xi32>], vector<16xf32>,
    %mul3A_214 = arith.mulf %gather3A_212, %gather3A_205 : vector<16xf32>
    %add3A_215 = arith.addf %gather3A_201, %mul3A_214 : vector<16xf32>
    %mul3A_216 = arith.mulf %gather3A_213, %gather3A_208 : vector<16xf32>
    %add3A_217 = arith.addf %gather3A_202, %mul3A_216 : vector<16xf32>
    %max3A_218 = arith.constant 0.000000e+00 : f32
    %max3A_219 = vector.broadcast %max3A_218 : f32 to vector<16xf32>
    %max3A_220 = arith.maximumf %add3A_215, %max3A_219 : vector<16xf32>
    %min3A_221 = arith.constant 1.270000e+02 : f32
    %min3A_222 = vector.broadcast %min3A_221 : f32 to vector<16xf32>
    %min3A_223 = arith.minimumf %max3A_220, %min3A_222 : vector<16xf32>
    %max3A_224 = arith.constant 0.000000e+00 : f32
    %max3A_225 = vector.broadcast %max3A_224 : f32 to vector<16xf32>
    %max3A_226 = arith.maximumf %add3A_217, %max3A_225 : vector<16xf32>
    %min3A_227 = arith.constant 1.270000e+02 : f32
    %min3A_228 = vector.broadcast %min3A_227 : f32 to vector<16xf32>
    %min3A_229 = arith.minimumf %max3A_226, %min3A_228 : vector<16xf32>
    %convert_element_type3A_230 = arith.fptosi %min3A_223 : vector<16xf32> to vector<16xi32>
    %convert_element_type3A_231 = arith.fptosi %min3A_229 : vector<16xf32> to vector<16xi32>
    %convert_element_type3A_232 = arith.sitofp %convert_element_type3A_230 : vector<16xi32> to vector<16xf32>
    %convert_element_type3A_233 = arith.sitofp %convert_element_type3A_231 : vector<16xi32> to vector<16xf32>
    %ge3A_234 = arith.constant 1.270000e+02 : f32
    %ge3A_235 = vector.broadcast %ge3A_234 : f32 to vector<16xf32>
    %ge3A_236 = arith.cmpf oge, %convert_element_type3A_232, %ge3A_235 : vector<16xf32>
    %ge3A_237 = arith.constant 1.270000e+02 : f32
    %ge3A_238 = vector.broadcast %ge3A_237 : f32 to vector<16xf32>
    %ge3A_239 = arith.cmpf oge, %convert_element_type3A_233, %ge3A_238 : vector<16xf32>
    %sub3A_240 = arith.subf %add3A_215, %convert_element_type3A_232 : vector<16xf32>
    %jit3A_241 = arith.constant 0.000000e+00 : f32
    %broadcast_in_dim3A_242 = vector.broadcast %jit3A_241 : f32 to vector<16xf32>
    %select_n3A_243 = arith.select %ge3A_236, %broadcast_in_dim3A_242, %sub3A_240 : vector<16xi1>, vector<16xf32>
    %sub3A_244 = arith.subf %add3A_217, %convert_element_type3A_233 : vector<16xf32>
    %jit3A_245 = arith.constant 0.000000e+00 : f32
    %broadcast_in_dim3A_246 = vector.broadcast %jit3A_245 : f32 to vector<16xf32>
    %select_n3A_247 = arith.select %ge3A_239, %broadcast_in_dim3A_246, %sub3A_244 : vector<16xi1>, vector<16xf32>
    %jit3A_248 = arith.constant 0 : i32
    %jit3A_249 = arith.constant 1 : i32
    %broadcast_in_dim3A_250 = vector.broadcast %jit3A_248 : i32 to vector<16xi32>
    %broadcast_in_dim3A_251 = vector.broadcast %jit3A_249 : i32 to vector<16xi32>
    %select_n3A_252 = arith.select %ge3A_236, %broadcast_in_dim3A_250, %broadcast_in_dim3A_251 : vector<16xi1>, vector<16xi32>
    %jit3A_253 = arith.constant 0 : i32
    %jit3A_254 = arith.constant 128 : i32
    %broadcast_in_dim3A_255 = vector.broadcast %jit3A_253 : i32 to vector<16xi32>
    %broadcast_in_dim3A_256 = vector.broadcast %jit3A_254 : i32 to vector<16xi32>
    %select_n3A_257 = arith.select %ge3A_239, %broadcast_in_dim3A_255, %broadcast_in_dim3A_256 : vector<16xi1>, vector<16xi32>
    %convert_element_type3A_258 = arith.fptosi %gather3A_211 : vector<16xf32> to vector<16xi32>
    %mul3A_259 = arith.constant 128 : i32
    %mul3A_260 = vector.broadcast %mul3A_259 : i32 to vector<16xi32>
    %mul3A_261 = arith.muli %convert_element_type3A_231, %mul3A_260 : vector<16xi32>
    %add3A_262 = arith.addi %convert_element_type3A_258, %mul3A_261 : vector<16xi32>
    %add3A_263 = arith.addi %add3A_262, %convert_element_type3A_230 : vector<16xi32>
    %swap3A_264 = arith.constant 0 : index
    %swap3A_265 = tpu.vector_load %arg8[%swap3A_264] {strides = array<i32>} : memref<64xi32, #tpu.memory_space<vmem>>, vector<16xi32>,
    tpu.vector_store %arg8[%swap3A_264], %add3A_263 {strides = array<i32>} : memref<64xi32, #tpu.memory_space<vmem>>, vector<16xi32>,
    %add3A_266 = arith.addi %add3A_263, %select_n3A_252 : vector<16xi32>
    %swap3A_267 = arith.constant 16 : index
    %swap3A_268 = tpu.vector_load %arg8[%swap3A_267] {strides = array<i32>} : memref<64xi32, #tpu.memory_space<vmem>>, vector<16xi32>,
    tpu.vector_store %arg8[%swap3A_267], %add3A_266 {strides = array<i32>} : memref<64xi32, #tpu.memory_space<vmem>>, vector<16xi32>,
    %add3A_269 = arith.addi %add3A_263, %select_n3A_257 : vector<16xi32>
    %swap3A_270 = arith.constant 32 : index
    %swap3A_271 = tpu.vector_load %arg8[%swap3A_270] {strides = array<i32>} : memref<64xi32, #tpu.memory_space<vmem>>, vector<16xi32>,
    tpu.vector_store %arg8[%swap3A_270], %add3A_269 {strides = array<i32>} : memref<64xi32, #tpu.memory_space<vmem>>, vector<16xi32>,
    %add3A_272 = arith.addi %add3A_263, %select_n3A_257 : vector<16xi32>
    %add3A_273 = arith.addi %add3A_272, %select_n3A_252 : vector<16xi32>
    %swap3A_274 = arith.constant 48 : index
    %swap3A_275 = tpu.vector_load %arg8[%swap3A_274] {strides = array<i32>} : memref<64xi32, #tpu.memory_space<vmem>>, vector<16xi32>,
    tpu.vector_store %arg8[%swap3A_274], %add3A_273 {strides = array<i32>} : memref<64xi32, #tpu.memory_space<vmem>>, vector<16xi32>,
    %swap3A_276 = arith.constant 0 : index
    %swap3A_277 = tpu.vector_load %arg10[%swap3A_276] {strides = array<i32>} : memref<32xf32, #tpu.memory_space<vmem>>, vector<16xf32>,
    tpu.vector_store %arg10[%swap3A_276], %select_n3A_243 {strides = array<i32>} : memref<32xf32, #tpu.memory_space<vmem>>, vector<16xf32>,
    %swap3A_278 = arith.constant 16 : index
    %swap3A_279 = tpu.vector_load %arg10[%swap3A_278] {strides = array<i32>} : memref<32xf32, #tpu.memory_space<vmem>>, vector<16xf32>,
    tpu.vector_store %arg10[%swap3A_278], %select_n3A_247 {strides = array<i32>} : memref<32xf32, #tpu.memory_space<vmem>>, vector<16xf32>,
    %dma_start3A_280 = arith.constant 0 : i32
    %dma_start3A_281 = arith.constant 0 : i32
    %dma_start3A_282 = tpu.memref_slice %arg2[%dma_start3A_280, %dma_start3A_281] : memref<65536x256xbf16, #tpu.memory_space<hbm>> -> memref<65536x256xbf16, #tpu.memory_space<hbm>>
    tpu.enqueue_indirect_dma source(%dma_start3A_282 : memref<65536x256xbf16, #tpu.memory_space<hbm>>) target(%arg12 : memref<64x256xbf16, #tpu.memory_space<vmem>>) offsets(%arg8 : memref<64xi32, #tpu.memory_space<vmem>>) semaphore(%arg16 : memref<!tpu.dma_semaphore, #tpu.memory_space<semaphore_mem>>)
    %dma_wait3A_283 = arith.constant 0 : i32
    %dma_wait3A_284 = arith.constant 0 : i32
    %dma_wait3A_285 = tpu.memref_slice %arg2[%dma_wait3A_283, %dma_wait3A_284] : memref<65536x256xbf16, #tpu.memory_space<hbm>> -> memref<65536x256xbf16, #tpu.memory_space<hbm>>
    tpu.wait_indirect_dma semaphore(%arg17 : memref<!tpu.dma_semaphore, #tpu.memory_space<semaphore_mem>>) src(%dma_wait3A_285 : memref<65536x256xbf16, #tpu.memory_space<hbm>>) dst(%arg13 : memref<64x256xbf16, #tpu.memory_space<vmem>>)
    %scan3A_286 = arith.constant 0 : i32
    %scan3A_287 = arith.constant 0 : i32
    %scan3A_288 = arith.constant 16 : i32
    %scan3A_289 = arith.addi %scan3A_287, %scan3A_288 : i32
    %scan3A_290 = arith.constant 1 : i32
    %scan3A_291 = scf.for %scan3A_470 = %scan3A_287 to %scan3A_289 step %scan3A_290 iter_args(%scan3A_471 = %scan3A_286) -> (i32)  : i32 {
      %broadcast_in_dim3A_472 = vector.broadcast %scan3A_470 : i32 to vector<16xi32>
      %gather3A_473 = tpu.vector_load_idx %arg11[%broadcast_in_dim3A_472] : memref<32xf32, #tpu.memory_space<vmem>>[vector<16xi32>], vector<16xf32>,
      %add3A_474 = arith.constant 16 : i32
      %add3A_475 = vector.broadcast %add3A_474 : i32 to vector<16xi32>
      %add3A_476 = arith.addi %broadcast_in_dim3A_472, %add3A_475 : vector<16xi32>
      %gather3A_477 = tpu.vector_load_idx %arg11[%add3A_476] : memref<32xf32, #tpu.memory_space<vmem>>[vector<16xi32>], vector<16xf32>,
      %pack3A = tpu.pack_subelements %gather3A_473, %gather3A_473 {pack_format = #tpu.pack_format<interleaved>, positions = array<i32: 0, 1>} : vector<16xf32>, vector<16xf32> -> vector<32xbf16>
      %pack3A_478 = tpu.pack_subelements %gather3A_477, %gather3A_477 {pack_format = #tpu.pack_format<interleaved>, positions = array<i32: 0, 1>} : vector<16xf32>, vector<16xf32> -> vector<32xbf16>
      %parallel_loop3A = arith.constant 0 : i32
      %parallel_loop3A_479 = arith.constant 8 : i32
      %parallel_loop3A_480 = arith.constant 1 : i32
      scf.for %parallel_loop3A_482 = %parallel_loop3A to %parallel_loop3A_479 step %parallel_loop3A_480  : i32 {
        %parallel_loop3A_483 = arith.constant 32 : i32
        %parallel_loop3A_484 = arith.muli %parallel_loop3A_482, %parallel_loop3A_483 : i32
        %parallel_loop3A_485 = arith.index_cast %scan3A_470 : i32 to index
        %parallel_loop3A_486 = arith.index_cast %parallel_loop3A_484 : i32 to index
        %parallel_loop3A_487 = tpu.vector_load %arg13[%parallel_loop3A_485, %parallel_loop3A_486] {strides = array<i32>} : memref<64x256xbf16, #tpu.memory_space<vmem>>, vector<32xbf16>,
        %parallel_loop3A_488 = arith.constant 16 : i32
        %parallel_loop3A_489 = arith.addi %scan3A_470, %parallel_loop3A_488 : i32
        %parallel_loop3A_490 = arith.index_cast %parallel_loop3A_489 : i32 to index
        %parallel_loop3A_491 = arith.index_cast %parallel_loop3A_484 : i32 to index
        %parallel_loop3A_492 = tpu.vector_load %arg13[%parallel_loop3A_490, %parallel_loop3A_491] {strides = array<i32>} : memref<64x256xbf16, #tpu.memory_space<vmem>>, vector<32xbf16>,
        %parallel_loop3A_493 = arith.constant 32 : i32
        %parallel_loop3A_494 = arith.addi %scan3A_470, %parallel_loop3A_493 : i32
        %parallel_loop3A_495 = arith.index_cast %parallel_loop3A_494 : i32 to index
        %parallel_loop3A_496 = arith.index_cast %parallel_loop3A_484 : i32 to index
        %parallel_loop3A_497 = tpu.vector_load %arg13[%parallel_loop3A_495, %parallel_loop3A_496] {strides = array<i32>} : memref<64x256xbf16, #tpu.memory_space<vmem>>, vector<32xbf16>,
        %parallel_loop3A_498 = arith.constant 48 : i32
        %parallel_loop3A_499 = arith.addi %scan3A_470, %parallel_loop3A_498 : i32
        %parallel_loop3A_500 = arith.index_cast %parallel_loop3A_499 : i32 to index
        %parallel_loop3A_501 = arith.index_cast %parallel_loop3A_484 : i32 to index
        %parallel_loop3A_502 = tpu.vector_load %arg13[%parallel_loop3A_500, %parallel_loop3A_501] {strides = array<i32>} : memref<64x256xbf16, #tpu.memory_space<vmem>>, vector<32xbf16>,
        %parallel_loop3A_503 = arith.subf %parallel_loop3A_492, %parallel_loop3A_487 : vector<32xbf16>
        %parallel_loop3A_504 = arith.mulf %pack3A, %parallel_loop3A_503 : vector<32xbf16>
        %parallel_loop3A_505 = arith.addf %parallel_loop3A_487, %parallel_loop3A_504 : vector<32xbf16>
        %parallel_loop3A_506 = arith.subf %parallel_loop3A_502, %parallel_loop3A_497 : vector<32xbf16>
        %parallel_loop3A_507 = arith.mulf %pack3A, %parallel_loop3A_506 : vector<32xbf16>
        %parallel_loop3A_508 = arith.addf %parallel_loop3A_497, %parallel_loop3A_507 : vector<32xbf16>
        %parallel_loop3A_509 = arith.subf %parallel_loop3A_508, %parallel_loop3A_505 : vector<32xbf16>
        %parallel_loop3A_510 = arith.mulf %pack3A_478, %parallel_loop3A_509 : vector<32xbf16>
        %parallel_loop3A_511 = arith.addf %parallel_loop3A_505, %parallel_loop3A_510 : vector<32xbf16>
        %parallel_loop3A_512 = arith.index_cast %scan3A_470 : i32 to index
        %parallel_loop3A_513 = arith.index_cast %parallel_loop3A_484 : i32 to index
        %parallel_loop3A_514 = tpu.vector_load %arg15[%parallel_loop3A_512, %parallel_loop3A_513] {strides = array<i32>} : memref<16x256xbf16, #tpu.memory_space<vmem>>, vector<32xbf16>,
        tpu.vector_store %arg15[%parallel_loop3A_512, %parallel_loop3A_513], %parallel_loop3A_511 {strides = array<i32>} : memref<16x256xbf16, #tpu.memory_space<vmem>>, vector<32xbf16>,
      } {sc.loop_unroll_factor = 8 : i64, sc.parallel_access}
      %scan3A_481 = arith.constant 0 : i32
      scf.yield %scan3A_481 : i32
    }
    %scan3A_292 = arith.constant 16 : i32
    %add3A_293 = arith.constant 0 : i32
    %add3A_294 = arith.addi %mul3A_2, %add3A_293 : i32
    %dma_start3A_295 = arith.constant 1 : i32
    %dma_start3A_296 = arith.constant 0 : i32
    %dma_start3A_297 = tpu.memref_slice %arg5[%dma_start3A_295, %add3A_294, %dma_start3A_296] : memref<49x2048x256xbf16, #tpu.memory_space<hbm>> -> memref<1x16x256xbf16, #tpu.memory_space<hbm>>
    %dma_start3A_298 = tpu.memref_squeeze %dma_start3A_297 : memref<1x16x256xbf16, #tpu.memory_space<hbm>> -> memref<16x256xbf16, #tpu.memory_space<hbm>>
    %dma_start3A_299 = arith.constant 0 : i32
    %dma_start3A_300 = tpu.memref_slice %arg5[%dma_start3A_295, %add3A_294, %dma_start3A_299] : memref<49x2048x256xbf16, #tpu.memory_space<hbm>> -> memref<1x16x256xbf16, #tpu.memory_space<hbm>>
    %dma_start3A_301 = tpu.memref_squeeze %dma_start3A_300 : memref<1x16x256xbf16, #tpu.memory_space<hbm>> -> memref<16x256xbf16, #tpu.memory_space<hbm>>
    tpu.enqueue_dma source(%arg15 : memref<16x256xbf16, #tpu.memory_space<vmem>>) target(%dma_start3A_301 : memref<16x256xbf16, #tpu.memory_space<hbm>>) target_semaphore(%arg19 : memref<!tpu.dma_semaphore, #tpu.memory_space<semaphore_mem>>)
    %scan3A_302 = arith.constant 0 : i32
    %scan3A_303 = arith.constant 1 : i32
    %scan3A_304 = arith.constant 96 : i32
    %scan3A_305 = arith.addi %scan3A_303, %scan3A_304 : i32
    %scan3A_306 = arith.constant 1 : i32
    %scan3A_307 = scf.for %scan3A_470 = %scan3A_303 to %scan3A_305 step %scan3A_306 iter_args(%scan3A_471 = %scan3A_302) -> (i32)  : i32 {
      %mul3A_472 = arith.constant 2 : i32
      %mul3A_473 = arith.muli %mul3A_472, %scan3A_470 : i32
      %add3A_474 = arith.constant 1 : i32
      %add3A_475 = arith.addi %mul3A_473, %add3A_474 : i32
      %jit3A_476 = arith.constant 49 : i32
      %div3A = arith.divsi %add3A_475, %jit3A_476 : i32
      %sign3A = arith.constant 0 : i32
      %sign3A_477 = arith.cmpi sgt, %add3A_475, %sign3A : i32
      %sign3A_478 = arith.extui %sign3A_477 : i1 to i32
      %sign3A_479 = arith.constant 0 : i32
      %sign3A_480 = arith.cmpi slt, %add3A_475, %sign3A_479 : i32
      %sign3A_481 = arith.extui %sign3A_480 : i1 to i32
      %sign3A_482 = arith.subi %sign3A_478, %sign3A_481 : i32
      %sign3A_483 = arith.constant 0 : i32
      %sign3A_484 = arith.cmpi sgt, %jit3A_476, %sign3A_483 : i32
      %sign3A_485 = arith.extui %sign3A_484 : i1 to i32
      %sign3A_486 = arith.constant 0 : i32
      %sign3A_487 = arith.cmpi slt, %jit3A_476, %sign3A_486 : i32
      %sign3A_488 = arith.extui %sign3A_487 : i1 to i32
      %sign3A_489 = arith.subi %sign3A_485, %sign3A_488 : i32
      %ne3A = arith.cmpi ne, %sign3A_482, %sign3A_489 : i32
      %rem3A = arith.remsi %add3A_475, %jit3A_476 : i32
      %ne3A_490 = arith.constant 0 : i32
      %ne3A_491 = arith.cmpi ne, %rem3A, %ne3A_490 : i32
      %and3A = arith.andi %ne3A, %ne3A_491 : i1
      %sub3A_492 = arith.constant 1 : i32
      %sub3A_493 = arith.subi %div3A, %sub3A_492 : i32
      %select_n3A_494 = arith.select %and3A, %sub3A_493, %div3A : i32
      %mul3A_495 = arith.constant 49 : i32
      %mul3A_496 = arith.muli %select_n3A_494, %mul3A_495 : i32
      %sub3A_497 = arith.subi %add3A_475, %mul3A_496 : i32
      %mul3A_498 = arith.constant 16 : i32
      %mul3A_499 = arith.muli %select_n3A_494, %mul3A_498 : i32
      %add3A_500 = vector.broadcast %mul3A_499 : i32 to vector<16xi32>
      %add3A_501 = arith.addi %add3A_500, %iota3A : vector<16xi32>
      %broadcast_in_dim3A_502 = vector.broadcast %sub3A_497 : i32 to vector<16xi32>
      %gather3A_503 = tpu.vector_load_idx %arg6[%broadcast_in_dim3A_3, %add3A_501] : memref<5x64xf32, #tpu.memory_space<vmem>>[vector<16xi32>, vector<16xi32>], vector<16xf32>,
      %gather3A_504 = tpu.vector_load_idx %arg6[%broadcast_in_dim3A_5, %add3A_501] : memref<5x64xf32, #tpu.memory_space<vmem>>[vector<16xi32>, vector<16xi32>], vector<16xf32>,
      %broadcast_in_dim3A_505 = arith.constant 2 : i32
      %broadcast_in_dim3A_506 = vector.broadcast %broadcast_in_dim3A_505 : i32 to vector<16xi32>
      %gather3A_507 = tpu.vector_load_idx %arg6[%broadcast_in_dim3A_506, %add3A_501] : memref<5x64xf32, #tpu.memory_space<vmem>>[vector<16xi32>, vector<16xi32>], vector<16xf32>,
      %broadcast_in_dim3A_508 = arith.constant 3 : i32
      %broadcast_in_dim3A_509 = vector.broadcast %broadcast_in_dim3A_508 : i32 to vector<16xi32>
      %gather3A_510 = tpu.vector_load_idx %arg6[%broadcast_in_dim3A_509, %add3A_501] : memref<5x64xf32, #tpu.memory_space<vmem>>[vector<16xi32>, vector<16xi32>], vector<16xf32>,
      %broadcast_in_dim3A_511 = arith.constant 4 : i32
      %broadcast_in_dim3A_512 = vector.broadcast %broadcast_in_dim3A_511 : i32 to vector<16xi32>
      %gather3A_513 = tpu.vector_load_idx %arg6[%broadcast_in_dim3A_512, %add3A_501] : memref<5x64xf32, #tpu.memory_space<vmem>>[vector<16xi32>, vector<16xi32>], vector<16xf32>,
      %gather3A_514 = tpu.vector_load_idx %arg7[%broadcast_in_dim3A_3, %broadcast_in_dim3A_502, %add3A_501] : memref<2x49x64xf32, #tpu.memory_space<vmem>>[vector<16xi32>, vector<16xi32>, vector<16xi32>], vector<16xf32>,
      %gather3A_515 = tpu.vector_load_idx %arg7[%broadcast_in_dim3A_5, %broadcast_in_dim3A_502, %add3A_501] : memref<2x49x64xf32, #tpu.memory_space<vmem>>[vector<16xi32>, vector<16xi32>, vector<16xi32>], vector<16xf32>,
      %mul3A_516 = arith.mulf %gather3A_514, %gather3A_507 : vector<16xf32>
      %add3A_517 = arith.addf %gather3A_503, %mul3A_516 : vector<16xf32>
      %mul3A_518 = arith.mulf %gather3A_515, %gather3A_510 : vector<16xf32>
      %add3A_519 = arith.addf %gather3A_504, %mul3A_518 : vector<16xf32>
      %max3A_520 = arith.constant 0.000000e+00 : f32
      %max3A_521 = vector.broadcast %max3A_520 : f32 to vector<16xf32>
      %max3A_522 = arith.maximumf %add3A_517, %max3A_521 : vector<16xf32>
      %min3A_523 = arith.constant 1.270000e+02 : f32
      %min3A_524 = vector.broadcast %min3A_523 : f32 to vector<16xf32>
      %min3A_525 = arith.minimumf %max3A_522, %min3A_524 : vector<16xf32>
      %max3A_526 = arith.constant 0.000000e+00 : f32
      %max3A_527 = vector.broadcast %max3A_526 : f32 to vector<16xf32>
      %max3A_528 = arith.maximumf %add3A_519, %max3A_527 : vector<16xf32>
      %min3A_529 = arith.constant 1.270000e+02 : f32
      %min3A_530 = vector.broadcast %min3A_529 : f32 to vector<16xf32>
      %min3A_531 = arith.minimumf %max3A_528, %min3A_530 : vector<16xf32>
      %convert_element_type3A_532 = arith.fptosi %min3A_525 : vector<16xf32> to vector<16xi32>
      %convert_element_type3A_533 = arith.fptosi %min3A_531 : vector<16xf32> to vector<16xi32>
      %convert_element_type3A_534 = arith.sitofp %convert_element_type3A_532 : vector<16xi32> to vector<16xf32>
      %convert_element_type3A_535 = arith.sitofp %convert_element_type3A_533 : vector<16xi32> to vector<16xf32>
      %ge3A_536 = arith.constant 1.270000e+02 : f32
      %ge3A_537 = vector.broadcast %ge3A_536 : f32 to vector<16xf32>
      %ge3A_538 = arith.cmpf oge, %convert_element_type3A_534, %ge3A_537 : vector<16xf32>
      %ge3A_539 = arith.constant 1.270000e+02 : f32
      %ge3A_540 = vector.broadcast %ge3A_539 : f32 to vector<16xf32>
      %ge3A_541 = arith.cmpf oge, %convert_element_type3A_535, %ge3A_540 : vector<16xf32>
      %sub3A_542 = arith.subf %add3A_517, %convert_element_type3A_534 : vector<16xf32>
      %jit3A_543 = arith.constant 0.000000e+00 : f32
      %broadcast_in_dim3A_544 = vector.broadcast %jit3A_543 : f32 to vector<16xf32>
      %select_n3A_545 = arith.select %ge3A_538, %broadcast_in_dim3A_544, %sub3A_542 : vector<16xi1>, vector<16xf32>
      %sub3A_546 = arith.subf %add3A_519, %convert_element_type3A_535 : vector<16xf32>
      %jit3A_547 = arith.constant 0.000000e+00 : f32
      %broadcast_in_dim3A_548 = vector.broadcast %jit3A_547 : f32 to vector<16xf32>
      %select_n3A_549 = arith.select %ge3A_541, %broadcast_in_dim3A_548, %sub3A_546 : vector<16xi1>, vector<16xf32>
      %jit3A_550 = arith.constant 0 : i32
      %jit3A_551 = arith.constant 1 : i32
      %broadcast_in_dim3A_552 = vector.broadcast %jit3A_550 : i32 to vector<16xi32>
      %broadcast_in_dim3A_553 = vector.broadcast %jit3A_551 : i32 to vector<16xi32>
      %select_n3A_554 = arith.select %ge3A_538, %broadcast_in_dim3A_552, %broadcast_in_dim3A_553 : vector<16xi1>, vector<16xi32>
      %jit3A_555 = arith.constant 0 : i32
      %jit3A_556 = arith.constant 128 : i32
      %broadcast_in_dim3A_557 = vector.broadcast %jit3A_555 : i32 to vector<16xi32>
      %broadcast_in_dim3A_558 = vector.broadcast %jit3A_556 : i32 to vector<16xi32>
      %select_n3A_559 = arith.select %ge3A_541, %broadcast_in_dim3A_557, %broadcast_in_dim3A_558 : vector<16xi1>, vector<16xi32>
      %convert_element_type3A_560 = arith.fptosi %gather3A_513 : vector<16xf32> to vector<16xi32>
      %mul3A_561 = arith.constant 128 : i32
      %mul3A_562 = vector.broadcast %mul3A_561 : i32 to vector<16xi32>
      %mul3A_563 = arith.muli %convert_element_type3A_533, %mul3A_562 : vector<16xi32>
      %add3A_564 = arith.addi %convert_element_type3A_560, %mul3A_563 : vector<16xi32>
      %add3A_565 = arith.addi %add3A_564, %convert_element_type3A_532 : vector<16xi32>
      %swap3A_566 = arith.constant 0 : index
      %swap3A_567 = tpu.vector_load %arg9[%swap3A_566] {strides = array<i32>} : memref<64xi32, #tpu.memory_space<vmem>>, vector<16xi32>,
      tpu.vector_store %arg9[%swap3A_566], %add3A_565 {strides = array<i32>} : memref<64xi32, #tpu.memory_space<vmem>>, vector<16xi32>,
      %add3A_568 = arith.addi %add3A_565, %select_n3A_554 : vector<16xi32>
      %swap3A_569 = arith.constant 16 : index
      %swap3A_570 = tpu.vector_load %arg9[%swap3A_569] {strides = array<i32>} : memref<64xi32, #tpu.memory_space<vmem>>, vector<16xi32>,
      tpu.vector_store %arg9[%swap3A_569], %add3A_568 {strides = array<i32>} : memref<64xi32, #tpu.memory_space<vmem>>, vector<16xi32>,
      %add3A_571 = arith.addi %add3A_565, %select_n3A_559 : vector<16xi32>
      %swap3A_572 = arith.constant 32 : index
      %swap3A_573 = tpu.vector_load %arg9[%swap3A_572] {strides = array<i32>} : memref<64xi32, #tpu.memory_space<vmem>>, vector<16xi32>,
      tpu.vector_store %arg9[%swap3A_572], %add3A_571 {strides = array<i32>} : memref<64xi32, #tpu.memory_space<vmem>>, vector<16xi32>,
      %add3A_574 = arith.addi %add3A_565, %select_n3A_559 : vector<16xi32>
      %add3A_575 = arith.addi %add3A_574, %select_n3A_554 : vector<16xi32>
      %swap3A_576 = arith.constant 48 : index
      %swap3A_577 = tpu.vector_load %arg9[%swap3A_576] {strides = array<i32>} : memref<64xi32, #tpu.memory_space<vmem>>, vector<16xi32>,
      tpu.vector_store %arg9[%swap3A_576], %add3A_575 {strides = array<i32>} : memref<64xi32, #tpu.memory_space<vmem>>, vector<16xi32>,
      %swap3A_578 = arith.constant 0 : index
      %swap3A_579 = tpu.vector_load %arg11[%swap3A_578] {strides = array<i32>} : memref<32xf32, #tpu.memory_space<vmem>>, vector<16xf32>,
      tpu.vector_store %arg11[%swap3A_578], %select_n3A_545 {strides = array<i32>} : memref<32xf32, #tpu.memory_space<vmem>>, vector<16xf32>,
      %swap3A_580 = arith.constant 16 : index
      %swap3A_581 = tpu.vector_load %arg11[%swap3A_580] {strides = array<i32>} : memref<32xf32, #tpu.memory_space<vmem>>, vector<16xf32>,
      tpu.vector_store %arg11[%swap3A_580], %select_n3A_549 {strides = array<i32>} : memref<32xf32, #tpu.memory_space<vmem>>, vector<16xf32>,
      %dma_start3A_582 = arith.constant 0 : i32
      %dma_start3A_583 = arith.constant 0 : i32
      %dma_start3A_584 = tpu.memref_slice %arg2[%dma_start3A_582, %dma_start3A_583] : memref<65536x256xbf16, #tpu.memory_space<hbm>> -> memref<65536x256xbf16, #tpu.memory_space<hbm>>
      tpu.enqueue_indirect_dma source(%dma_start3A_584 : memref<65536x256xbf16, #tpu.memory_space<hbm>>) target(%arg13 : memref<64x256xbf16, #tpu.memory_space<vmem>>) offsets(%arg9 : memref<64xi32, #tpu.memory_space<vmem>>) semaphore(%arg17 : memref<!tpu.dma_semaphore, #tpu.memory_space<semaphore_mem>>)
      %dma_wait3A_585 = arith.constant 0 : i32
      %dma_wait3A_586 = arith.constant 0 : i32
      %dma_wait3A_587 = tpu.memref_slice %arg2[%dma_wait3A_585, %dma_wait3A_586] : memref<65536x256xbf16, #tpu.memory_space<hbm>> -> memref<65536x256xbf16, #tpu.memory_space<hbm>>
      tpu.wait_indirect_dma semaphore(%arg16 : memref<!tpu.dma_semaphore, #tpu.memory_space<semaphore_mem>>) src(%dma_wait3A_587 : memref<65536x256xbf16, #tpu.memory_space<hbm>>) dst(%arg12 : memref<64x256xbf16, #tpu.memory_space<vmem>>)
      %dma_wait3A_588 = arith.constant 0 : i32
      %dma_wait3A_589 = arith.constant 0 : i32
      %dma_wait3A_590 = arith.constant 0 : i32
      %dma_wait3A_591 = tpu.memref_slice %arg5[%dma_wait3A_588, %dma_wait3A_589, %dma_wait3A_590] : memref<49x2048x256xbf16, #tpu.memory_space<hbm>> -> memref<1x16x256xbf16, #tpu.memory_space<hbm>>
      %dma_wait3A_592 = tpu.memref_squeeze %dma_wait3A_591 : memref<1x16x256xbf16, #tpu.memory_space<hbm>> -> memref<16x256xbf16, #tpu.memory_space<hbm>>
      %dma_wait3A_593 = arith.constant 0 : i32
      %dma_wait3A_594 = arith.constant 0 : i32
      %dma_wait3A_595 = tpu.memref_slice %arg5[%dma_wait3A_588, %dma_wait3A_593, %dma_wait3A_594] : memref<49x2048x256xbf16, #tpu.memory_space<hbm>> -> memref<1x16x256xbf16, #tpu.memory_space<hbm>>
      %dma_wait3A_596 = tpu.memref_squeeze %dma_wait3A_595 : memref<1x16x256xbf16, #tpu.memory_space<hbm>> -> memref<16x256xbf16, #tpu.memory_space<hbm>>
      tpu.wait_dma2 semaphore(%arg18 : memref<!tpu.dma_semaphore, #tpu.memory_space<semaphore_mem>>) src(%arg14 : memref<16x256xbf16, #tpu.memory_space<vmem>>) dst(%dma_wait3A_596 : memref<16x256xbf16, #tpu.memory_space<hbm>>)
      %scan3A_597 = arith.constant 0 : i32
      %scan3A_598 = arith.constant 0 : i32
      %scan3A_599 = arith.constant 16 : i32
      %scan3A_600 = arith.addi %scan3A_598, %scan3A_599 : i32
      %scan3A_601 = arith.constant 1 : i32
      %scan3A_602 = scf.for %scan3A_814 = %scan3A_598 to %scan3A_600 step %scan3A_601 iter_args(%scan3A_815 = %scan3A_597) -> (i32)  : i32 {
        %broadcast_in_dim3A_816 = vector.broadcast %scan3A_814 : i32 to vector<16xi32>
        %gather3A_817 = tpu.vector_load_idx %arg10[%broadcast_in_dim3A_816] : memref<32xf32, #tpu.memory_space<vmem>>[vector<16xi32>], vector<16xf32>,
        %add3A_818 = arith.constant 16 : i32
        %add3A_819 = vector.broadcast %add3A_818 : i32 to vector<16xi32>
        %add3A_820 = arith.addi %broadcast_in_dim3A_816, %add3A_819 : vector<16xi32>
        %gather3A_821 = tpu.vector_load_idx %arg10[%add3A_820] : memref<32xf32, #tpu.memory_space<vmem>>[vector<16xi32>], vector<16xf32>,
        %pack3A = tpu.pack_subelements %gather3A_817, %gather3A_817 {pack_format = #tpu.pack_format<interleaved>, positions = array<i32: 0, 1>} : vector<16xf32>, vector<16xf32> -> vector<32xbf16>
        %pack3A_822 = tpu.pack_subelements %gather3A_821, %gather3A_821 {pack_format = #tpu.pack_format<interleaved>, positions = array<i32: 0, 1>} : vector<16xf32>, vector<16xf32> -> vector<32xbf16>
        %parallel_loop3A = arith.constant 0 : i32
        %parallel_loop3A_823 = arith.constant 8 : i32
        %parallel_loop3A_824 = arith.constant 1 : i32
        scf.for %parallel_loop3A_826 = %parallel_loop3A to %parallel_loop3A_823 step %parallel_loop3A_824  : i32 {
          %parallel_loop3A_827 = arith.constant 32 : i32
          %parallel_loop3A_828 = arith.muli %parallel_loop3A_826, %parallel_loop3A_827 : i32
          %parallel_loop3A_829 = arith.index_cast %scan3A_814 : i32 to index
          %parallel_loop3A_830 = arith.index_cast %parallel_loop3A_828 : i32 to index
          %parallel_loop3A_831 = tpu.vector_load %arg12[%parallel_loop3A_829, %parallel_loop3A_830] {strides = array<i32>} : memref<64x256xbf16, #tpu.memory_space<vmem>>, vector<32xbf16>,
          %parallel_loop3A_832 = arith.constant 16 : i32
          %parallel_loop3A_833 = arith.addi %scan3A_814, %parallel_loop3A_832 : i32
          %parallel_loop3A_834 = arith.index_cast %parallel_loop3A_833 : i32 to index
          %parallel_loop3A_835 = arith.index_cast %parallel_loop3A_828 : i32 to index
          %parallel_loop3A_836 = tpu.vector_load %arg12[%parallel_loop3A_834, %parallel_loop3A_835] {strides = array<i32>} : memref<64x256xbf16, #tpu.memory_space<vmem>>, vector<32xbf16>,
          %parallel_loop3A_837 = arith.constant 32 : i32
          %parallel_loop3A_838 = arith.addi %scan3A_814, %parallel_loop3A_837 : i32
          %parallel_loop3A_839 = arith.index_cast %parallel_loop3A_838 : i32 to index
          %parallel_loop3A_840 = arith.index_cast %parallel_loop3A_828 : i32 to index
          %parallel_loop3A_841 = tpu.vector_load %arg12[%parallel_loop3A_839, %parallel_loop3A_840] {strides = array<i32>} : memref<64x256xbf16, #tpu.memory_space<vmem>>, vector<32xbf16>,
          %parallel_loop3A_842 = arith.constant 48 : i32
          %parallel_loop3A_843 = arith.addi %scan3A_814, %parallel_loop3A_842 : i32
          %parallel_loop3A_844 = arith.index_cast %parallel_loop3A_843 : i32 to index
          %parallel_loop3A_845 = arith.index_cast %parallel_loop3A_828 : i32 to index
          %parallel_loop3A_846 = tpu.vector_load %arg12[%parallel_loop3A_844, %parallel_loop3A_845] {strides = array<i32>} : memref<64x256xbf16, #tpu.memory_space<vmem>>, vector<32xbf16>,
          %parallel_loop3A_847 = arith.subf %parallel_loop3A_836, %parallel_loop3A_831 : vector<32xbf16>
          %parallel_loop3A_848 = arith.mulf %pack3A, %parallel_loop3A_847 : vector<32xbf16>
          %parallel_loop3A_849 = arith.addf %parallel_loop3A_831, %parallel_loop3A_848 : vector<32xbf16>
          %parallel_loop3A_850 = arith.subf %parallel_loop3A_846, %parallel_loop3A_841 : vector<32xbf16>
          %parallel_loop3A_851 = arith.mulf %pack3A, %parallel_loop3A_850 : vector<32xbf16>
          %parallel_loop3A_852 = arith.addf %parallel_loop3A_841, %parallel_loop3A_851 : vector<32xbf16>
          %parallel_loop3A_853 = arith.subf %parallel_loop3A_852, %parallel_loop3A_849 : vector<32xbf16>
          %parallel_loop3A_854 = arith.mulf %pack3A_822, %parallel_loop3A_853 : vector<32xbf16>
          %parallel_loop3A_855 = arith.addf %parallel_loop3A_849, %parallel_loop3A_854 : vector<32xbf16>
          %parallel_loop3A_856 = arith.index_cast %scan3A_814 : i32 to index
          %parallel_loop3A_857 = arith.index_cast %parallel_loop3A_828 : i32 to index
          %parallel_loop3A_858 = tpu.vector_load %arg14[%parallel_loop3A_856, %parallel_loop3A_857] {strides = array<i32>} : memref<16x256xbf16, #tpu.memory_space<vmem>>, vector<32xbf16>,
          tpu.vector_store %arg14[%parallel_loop3A_856, %parallel_loop3A_857], %parallel_loop3A_855 {strides = array<i32>} : memref<16x256xbf16, #tpu.memory_space<vmem>>, vector<32xbf16>,
        } {sc.loop_unroll_factor = 8 : i64, sc.parallel_access}
        %scan3A_825 = arith.constant 0 : i32
        scf.yield %scan3A_825 : i32
      }
      %scan3A_603 = arith.constant 16 : i32
      %jit3A_604 = arith.constant 49 : i32
      %div3A_605 = arith.divsi %mul3A_473, %jit3A_604 : i32
      %sign3A_606 = arith.constant 0 : i32
      %sign3A_607 = arith.cmpi sgt, %mul3A_473, %sign3A_606 : i32
      %sign3A_608 = arith.extui %sign3A_607 : i1 to i32
      %sign3A_609 = arith.constant 0 : i32
      %sign3A_610 = arith.cmpi slt, %mul3A_473, %sign3A_609 : i32
      %sign3A_611 = arith.extui %sign3A_610 : i1 to i32
      %sign3A_612 = arith.subi %sign3A_608, %sign3A_611 : i32
      %sign3A_613 = arith.constant 0 : i32
      %sign3A_614 = arith.cmpi sgt, %jit3A_604, %sign3A_613 : i32
      %sign3A_615 = arith.extui %sign3A_614 : i1 to i32
      %sign3A_616 = arith.constant 0 : i32
      %sign3A_617 = arith.cmpi slt, %jit3A_604, %sign3A_616 : i32
      %sign3A_618 = arith.extui %sign3A_617 : i1 to i32
      %sign3A_619 = arith.subi %sign3A_615, %sign3A_618 : i32
      %ne3A_620 = arith.cmpi ne, %sign3A_612, %sign3A_619 : i32
      %rem3A_621 = arith.remsi %mul3A_473, %jit3A_604 : i32
      %ne3A_622 = arith.constant 0 : i32
      %ne3A_623 = arith.cmpi ne, %rem3A_621, %ne3A_622 : i32
      %and3A_624 = arith.andi %ne3A_620, %ne3A_623 : i1
      %sub3A_625 = arith.constant 1 : i32
      %sub3A_626 = arith.subi %div3A_605, %sub3A_625 : i32
      %select_n3A_627 = arith.select %and3A_624, %sub3A_626, %div3A_605 : i32
      %mul3A_628 = arith.constant 49 : i32
      %mul3A_629 = arith.muli %select_n3A_627, %mul3A_628 : i32
      %sub3A_630 = arith.subi %mul3A_473, %mul3A_629 : i32
      %mul3A_631 = arith.constant 16 : i32
      %mul3A_632 = arith.muli %select_n3A_627, %mul3A_631 : i32
      %add3A_633 = arith.addi %mul3A_2, %mul3A_632 : i32
      %dma_start3A_634 = arith.constant 0 : i32
      %dma_start3A_635 = tpu.memref_slice %arg5[%sub3A_630, %add3A_633, %dma_start3A_634] : memref<49x2048x256xbf16, #tpu.memory_space<hbm>> -> memref<1x16x256xbf16, #tpu.memory_space<hbm>>
      %dma_start3A_636 = tpu.memref_squeeze %dma_start3A_635 : memref<1x16x256xbf16, #tpu.memory_space<hbm>> -> memref<16x256xbf16, #tpu.memory_space<hbm>>
      %dma_start3A_637 = arith.constant 0 : i32
      %dma_start3A_638 = tpu.memref_slice %arg5[%sub3A_630, %add3A_633, %dma_start3A_637] : memref<49x2048x256xbf16, #tpu.memory_space<hbm>> -> memref<1x16x256xbf16, #tpu.memory_space<hbm>>
      %dma_start3A_639 = tpu.memref_squeeze %dma_start3A_638 : memref<1x16x256xbf16, #tpu.memory_space<hbm>> -> memref<16x256xbf16, #tpu.memory_space<hbm>>
      tpu.enqueue_dma source(%arg14 : memref<16x256xbf16, #tpu.memory_space<vmem>>) target(%dma_start3A_639 : memref<16x256xbf16, #tpu.memory_space<hbm>>) target_semaphore(%arg18 : memref<!tpu.dma_semaphore, #tpu.memory_space<semaphore_mem>>)
      %add3A_640 = arith.constant 2 : i32
      %add3A_641 = arith.addi %mul3A_473, %add3A_640 : i32
      %jit3A_642 = arith.constant 49 : i32
      %div3A_643 = arith.divsi %add3A_641, %jit3A_642 : i32
      %sign3A_644 = arith.constant 0 : i32
      %sign3A_645 = arith.cmpi sgt, %add3A_641, %sign3A_644 : i32
      %sign3A_646 = arith.extui %sign3A_645 : i1 to i32
      %sign3A_647 = arith.constant 0 : i32
      %sign3A_648 = arith.cmpi slt, %add3A_641, %sign3A_647 : i32
      %sign3A_649 = arith.extui %sign3A_648 : i1 to i32
      %sign3A_650 = arith.subi %sign3A_646, %sign3A_649 : i32
      %sign3A_651 = arith.constant 0 : i32
      %sign3A_652 = arith.cmpi sgt, %jit3A_642, %sign3A_651 : i32
      %sign3A_653 = arith.extui %sign3A_652 : i1 to i32
      %sign3A_654 = arith.constant 0 : i32
      %sign3A_655 = arith.cmpi slt, %jit3A_642, %sign3A_654 : i32
      %sign3A_656 = arith.extui %sign3A_655 : i1 to i32
      %sign3A_657 = arith.subi %sign3A_653, %sign3A_656 : i32
      %ne3A_658 = arith.cmpi ne, %sign3A_650, %sign3A_657 : i32
      %rem3A_659 = arith.remsi %add3A_641, %jit3A_642 : i32
      %ne3A_660 = arith.constant 0 : i32
      %ne3A_661 = arith.cmpi ne, %rem3A_659, %ne3A_660 : i32
      %and3A_662 = arith.andi %ne3A_658, %ne3A_661 : i1
      %sub3A_663 = arith.constant 1 : i32
      %sub3A_664 = arith.subi %div3A_643, %sub3A_663 : i32
      %select_n3A_665 = arith.select %and3A_662, %sub3A_664, %div3A_643 : i32
      %mul3A_666 = arith.constant 49 : i32
      %mul3A_667 = arith.muli %select_n3A_665, %mul3A_666 : i32
      %sub3A_668 = arith.subi %add3A_641, %mul3A_667 : i32
      %mul3A_669 = arith.constant 16 : i32
      %mul3A_670 = arith.muli %select_n3A_665, %mul3A_669 : i32
      %add3A_671 = vector.broadcast %mul3A_670 : i32 to vector<16xi32>
      %add3A_672 = arith.addi %add3A_671, %iota3A : vector<16xi32>
      %broadcast_in_dim3A_673 = vector.broadcast %sub3A_668 : i32 to vector<16xi32>
      %gather3A_674 = tpu.vector_load_idx %arg6[%broadcast_in_dim3A_3, %add3A_672] : memref<5x64xf32, #tpu.memory_space<vmem>>[vector<16xi32>, vector<16xi32>], vector<16xf32>,
      %gather3A_675 = tpu.vector_load_idx %arg6[%broadcast_in_dim3A_5, %add3A_672] : memref<5x64xf32, #tpu.memory_space<vmem>>[vector<16xi32>, vector<16xi32>], vector<16xf32>,
      %broadcast_in_dim3A_676 = arith.constant 2 : i32
      %broadcast_in_dim3A_677 = vector.broadcast %broadcast_in_dim3A_676 : i32 to vector<16xi32>
      %gather3A_678 = tpu.vector_load_idx %arg6[%broadcast_in_dim3A_677, %add3A_672] : memref<5x64xf32, #tpu.memory_space<vmem>>[vector<16xi32>, vector<16xi32>], vector<16xf32>,
      %broadcast_in_dim3A_679 = arith.constant 3 : i32
      %broadcast_in_dim3A_680 = vector.broadcast %broadcast_in_dim3A_679 : i32 to vector<16xi32>
      %gather3A_681 = tpu.vector_load_idx %arg6[%broadcast_in_dim3A_680, %add3A_672] : memref<5x64xf32, #tpu.memory_space<vmem>>[vector<16xi32>, vector<16xi32>], vector<16xf32>,
      %broadcast_in_dim3A_682 = arith.constant 4 : i32
      %broadcast_in_dim3A_683 = vector.broadcast %broadcast_in_dim3A_682 : i32 to vector<16xi32>
      %gather3A_684 = tpu.vector_load_idx %arg6[%broadcast_in_dim3A_683, %add3A_672] : memref<5x64xf32, #tpu.memory_space<vmem>>[vector<16xi32>, vector<16xi32>], vector<16xf32>,
      %gather3A_685 = tpu.vector_load_idx %arg7[%broadcast_in_dim3A_3, %broadcast_in_dim3A_673, %add3A_672] : memref<2x49x64xf32, #tpu.memory_space<vmem>>[vector<16xi32>, vector<16xi32>, vector<16xi32>], vector<16xf32>,
      %gather3A_686 = tpu.vector_load_idx %arg7[%broadcast_in_dim3A_5, %broadcast_in_dim3A_673, %add3A_672] : memref<2x49x64xf32, #tpu.memory_space<vmem>>[vector<16xi32>, vector<16xi32>, vector<16xi32>], vector<16xf32>,
      %mul3A_687 = arith.mulf %gather3A_685, %gather3A_678 : vector<16xf32>
      %add3A_688 = arith.addf %gather3A_674, %mul3A_687 : vector<16xf32>
      %mul3A_689 = arith.mulf %gather3A_686, %gather3A_681 : vector<16xf32>
      %add3A_690 = arith.addf %gather3A_675, %mul3A_689 : vector<16xf32>
      %max3A_691 = arith.constant 0.000000e+00 : f32
      %max3A_692 = vector.broadcast %max3A_691 : f32 to vector<16xf32>
      %max3A_693 = arith.maximumf %add3A_688, %max3A_692 : vector<16xf32>
      %min3A_694 = arith.constant 1.270000e+02 : f32
      %min3A_695 = vector.broadcast %min3A_694 : f32 to vector<16xf32>
      %min3A_696 = arith.minimumf %max3A_693, %min3A_695 : vector<16xf32>
      %max3A_697 = arith.constant 0.000000e+00 : f32
      %max3A_698 = vector.broadcast %max3A_697 : f32 to vector<16xf32>
      %max3A_699 = arith.maximumf %add3A_690, %max3A_698 : vector<16xf32>
      %min3A_700 = arith.constant 1.270000e+02 : f32
      %min3A_701 = vector.broadcast %min3A_700 : f32 to vector<16xf32>
      %min3A_702 = arith.minimumf %max3A_699, %min3A_701 : vector<16xf32>
      %convert_element_type3A_703 = arith.fptosi %min3A_696 : vector<16xf32> to vector<16xi32>
      %convert_element_type3A_704 = arith.fptosi %min3A_702 : vector<16xf32> to vector<16xi32>
      %convert_element_type3A_705 = arith.sitofp %convert_element_type3A_703 : vector<16xi32> to vector<16xf32>
      %convert_element_type3A_706 = arith.sitofp %convert_element_type3A_704 : vector<16xi32> to vector<16xf32>
      %ge3A_707 = arith.constant 1.270000e+02 : f32
      %ge3A_708 = vector.broadcast %ge3A_707 : f32 to vector<16xf32>
      %ge3A_709 = arith.cmpf oge, %convert_element_type3A_705, %ge3A_708 : vector<16xf32>
      %ge3A_710 = arith.constant 1.270000e+02 : f32
      %ge3A_711 = vector.broadcast %ge3A_710 : f32 to vector<16xf32>
      %ge3A_712 = arith.cmpf oge, %convert_element_type3A_706, %ge3A_711 : vector<16xf32>
      %sub3A_713 = arith.subf %add3A_688, %convert_element_type3A_705 : vector<16xf32>
      %jit3A_714 = arith.constant 0.000000e+00 : f32
      %broadcast_in_dim3A_715 = vector.broadcast %jit3A_714 : f32 to vector<16xf32>
      %select_n3A_716 = arith.select %ge3A_709, %broadcast_in_dim3A_715, %sub3A_713 : vector<16xi1>, vector<16xf32>
      %sub3A_717 = arith.subf %add3A_690, %convert_element_type3A_706 : vector<16xf32>
      %jit3A_718 = arith.constant 0.000000e+00 : f32
      %broadcast_in_dim3A_719 = vector.broadcast %jit3A_718 : f32 to vector<16xf32>
      %select_n3A_720 = arith.select %ge3A_712, %broadcast_in_dim3A_719, %sub3A_717 : vector<16xi1>, vector<16xf32>
      %jit3A_721 = arith.constant 0 : i32
      %jit3A_722 = arith.constant 1 : i32
      %broadcast_in_dim3A_723 = vector.broadcast %jit3A_721 : i32 to vector<16xi32>
      %broadcast_in_dim3A_724 = vector.broadcast %jit3A_722 : i32 to vector<16xi32>
      %select_n3A_725 = arith.select %ge3A_709, %broadcast_in_dim3A_723, %broadcast_in_dim3A_724 : vector<16xi1>, vector<16xi32>
      %jit3A_726 = arith.constant 0 : i32
      %jit3A_727 = arith.constant 128 : i32
      %broadcast_in_dim3A_728 = vector.broadcast %jit3A_726 : i32 to vector<16xi32>
      %broadcast_in_dim3A_729 = vector.broadcast %jit3A_727 : i32 to vector<16xi32>
      %select_n3A_730 = arith.select %ge3A_712, %broadcast_in_dim3A_728, %broadcast_in_dim3A_729 : vector<16xi1>, vector<16xi32>
      %convert_element_type3A_731 = arith.fptosi %gather3A_684 : vector<16xf32> to vector<16xi32>
      %mul3A_732 = arith.constant 128 : i32
      %mul3A_733 = vector.broadcast %mul3A_732 : i32 to vector<16xi32>
      %mul3A_734 = arith.muli %convert_element_type3A_704, %mul3A_733 : vector<16xi32>
      %add3A_735 = arith.addi %convert_element_type3A_731, %mul3A_734 : vector<16xi32>
      %add3A_736 = arith.addi %add3A_735, %convert_element_type3A_703 : vector<16xi32>
      %swap3A_737 = arith.constant 0 : index
      %swap3A_738 = tpu.vector_load %arg8[%swap3A_737] {strides = array<i32>} : memref<64xi32, #tpu.memory_space<vmem>>, vector<16xi32>,
      tpu.vector_store %arg8[%swap3A_737], %add3A_736 {strides = array<i32>} : memref<64xi32, #tpu.memory_space<vmem>>, vector<16xi32>,
      %add3A_739 = arith.addi %add3A_736, %select_n3A_725 : vector<16xi32>
      %swap3A_740 = arith.constant 16 : index
      %swap3A_741 = tpu.vector_load %arg8[%swap3A_740] {strides = array<i32>} : memref<64xi32, #tpu.memory_space<vmem>>, vector<16xi32>,
      tpu.vector_store %arg8[%swap3A_740], %add3A_739 {strides = array<i32>} : memref<64xi32, #tpu.memory_space<vmem>>, vector<16xi32>,
      %add3A_742 = arith.addi %add3A_736, %select_n3A_730 : vector<16xi32>
      %swap3A_743 = arith.constant 32 : index
      %swap3A_744 = tpu.vector_load %arg8[%swap3A_743] {strides = array<i32>} : memref<64xi32, #tpu.memory_space<vmem>>, vector<16xi32>,
      tpu.vector_store %arg8[%swap3A_743], %add3A_742 {strides = array<i32>} : memref<64xi32, #tpu.memory_space<vmem>>, vector<16xi32>,
      %add3A_745 = arith.addi %add3A_736, %select_n3A_730 : vector<16xi32>
      %add3A_746 = arith.addi %add3A_745, %select_n3A_725 : vector<16xi32>
      %swap3A_747 = arith.constant 48 : index
      %swap3A_748 = tpu.vector_load %arg8[%swap3A_747] {strides = array<i32>} : memref<64xi32, #tpu.memory_space<vmem>>, vector<16xi32>,
      tpu.vector_store %arg8[%swap3A_747], %add3A_746 {strides = array<i32>} : memref<64xi32, #tpu.memory_space<vmem>>, vector<16xi32>,
      %swap3A_749 = arith.constant 0 : index
      %swap3A_750 = tpu.vector_load %arg10[%swap3A_749] {strides = array<i32>} : memref<32xf32, #tpu.memory_space<vmem>>, vector<16xf32>,
      tpu.vector_store %arg10[%swap3A_749], %select_n3A_716 {strides = array<i32>} : memref<32xf32, #tpu.memory_space<vmem>>, vector<16xf32>,
      %swap3A_751 = arith.constant 16 : index
      %swap3A_752 = tpu.vector_load %arg10[%swap3A_751] {strides = array<i32>} : memref<32xf32, #tpu.memory_space<vmem>>, vector<16xf32>,
      tpu.vector_store %arg10[%swap3A_751], %select_n3A_720 {strides = array<i32>} : memref<32xf32, #tpu.memory_space<vmem>>, vector<16xf32>,
      %dma_start3A_753 = arith.constant 0 : i32
      %dma_start3A_754 = arith.constant 0 : i32
      %dma_start3A_755 = tpu.memref_slice %arg2[%dma_start3A_753, %dma_start3A_754] : memref<65536x256xbf16, #tpu.memory_space<hbm>> -> memref<65536x256xbf16, #tpu.memory_space<hbm>>
      tpu.enqueue_indirect_dma source(%dma_start3A_755 : memref<65536x256xbf16, #tpu.memory_space<hbm>>) target(%arg12 : memref<64x256xbf16, #tpu.memory_space<vmem>>) offsets(%arg8 : memref<64xi32, #tpu.memory_space<vmem>>) semaphore(%arg16 : memref<!tpu.dma_semaphore, #tpu.memory_space<semaphore_mem>>)
      %dma_wait3A_756 = arith.constant 0 : i32
      %dma_wait3A_757 = arith.constant 0 : i32
      %dma_wait3A_758 = tpu.memref_slice %arg2[%dma_wait3A_756, %dma_wait3A_757] : memref<65536x256xbf16, #tpu.memory_space<hbm>> -> memref<65536x256xbf16, #tpu.memory_space<hbm>>
      tpu.wait_indirect_dma semaphore(%arg17 : memref<!tpu.dma_semaphore, #tpu.memory_space<semaphore_mem>>) src(%dma_wait3A_758 : memref<65536x256xbf16, #tpu.memory_space<hbm>>) dst(%arg13 : memref<64x256xbf16, #tpu.memory_space<vmem>>)
      %dma_wait3A_759 = arith.constant 0 : i32
      %dma_wait3A_760 = arith.constant 0 : i32
      %dma_wait3A_761 = arith.constant 0 : i32
      %dma_wait3A_762 = tpu.memref_slice %arg5[%dma_wait3A_759, %dma_wait3A_760, %dma_wait3A_761] : memref<49x2048x256xbf16, #tpu.memory_space<hbm>> -> memref<1x16x256xbf16, #tpu.memory_space<hbm>>
      %dma_wait3A_763 = tpu.memref_squeeze %dma_wait3A_762 : memref<1x16x256xbf16, #tpu.memory_space<hbm>> -> memref<16x256xbf16, #tpu.memory_space<hbm>>
      %dma_wait3A_764 = arith.constant 0 : i32
      %dma_wait3A_765 = arith.constant 0 : i32
      %dma_wait3A_766 = tpu.memref_slice %arg5[%dma_wait3A_759, %dma_wait3A_764, %dma_wait3A_765] : memref<49x2048x256xbf16, #tpu.memory_space<hbm>> -> memref<1x16x256xbf16, #tpu.memory_space<hbm>>
      %dma_wait3A_767 = tpu.memref_squeeze %dma_wait3A_766 : memref<1x16x256xbf16, #tpu.memory_space<hbm>> -> memref<16x256xbf16, #tpu.memory_space<hbm>>
      tpu.wait_dma2 semaphore(%arg19 : memref<!tpu.dma_semaphore, #tpu.memory_space<semaphore_mem>>) src(%arg15 : memref<16x256xbf16, #tpu.memory_space<vmem>>) dst(%dma_wait3A_767 : memref<16x256xbf16, #tpu.memory_space<hbm>>)
      %add3A_768 = arith.constant 1 : i32
      %add3A_769 = arith.addi %mul3A_473, %add3A_768 : i32
      %scan3A_770 = arith.constant 0 : i32
      %scan3A_771 = arith.constant 0 : i32
      %scan3A_772 = arith.constant 16 : i32
      %scan3A_773 = arith.addi %scan3A_771, %scan3A_772 : i32
      %scan3A_774 = arith.constant 1 : i32
      %scan3A_775 = scf.for %scan3A_814 = %scan3A_771 to %scan3A_773 step %scan3A_774 iter_args(%scan3A_815 = %scan3A_770) -> (i32)  : i32 {
        %broadcast_in_dim3A_816 = vector.broadcast %scan3A_814 : i32 to vector<16xi32>
        %gather3A_817 = tpu.vector_load_idx %arg11[%broadcast_in_dim3A_816] : memref<32xf32, #tpu.memory_space<vmem>>[vector<16xi32>], vector<16xf32>,
        %add3A_818 = arith.constant 16 : i32
        %add3A_819 = vector.broadcast %add3A_818 : i32 to vector<16xi32>
        %add3A_820 = arith.addi %broadcast_in_dim3A_816, %add3A_819 : vector<16xi32>
        %gather3A_821 = tpu.vector_load_idx %arg11[%add3A_820] : memref<32xf32, #tpu.memory_space<vmem>>[vector<16xi32>], vector<16xf32>,
        %pack3A = tpu.pack_subelements %gather3A_817, %gather3A_817 {pack_format = #tpu.pack_format<interleaved>, positions = array<i32: 0, 1>} : vector<16xf32>, vector<16xf32> -> vector<32xbf16>
        %pack3A_822 = tpu.pack_subelements %gather3A_821, %gather3A_821 {pack_format = #tpu.pack_format<interleaved>, positions = array<i32: 0, 1>} : vector<16xf32>, vector<16xf32> -> vector<32xbf16>
        %parallel_loop3A = arith.constant 0 : i32
        %parallel_loop3A_823 = arith.constant 8 : i32
        %parallel_loop3A_824 = arith.constant 1 : i32
        scf.for %parallel_loop3A_826 = %parallel_loop3A to %parallel_loop3A_823 step %parallel_loop3A_824  : i32 {
          %parallel_loop3A_827 = arith.constant 32 : i32
          %parallel_loop3A_828 = arith.muli %parallel_loop3A_826, %parallel_loop3A_827 : i32
          %parallel_loop3A_829 = arith.index_cast %scan3A_814 : i32 to index
          %parallel_loop3A_830 = arith.index_cast %parallel_loop3A_828 : i32 to index
          %parallel_loop3A_831 = tpu.vector_load %arg13[%parallel_loop3A_829, %parallel_loop3A_830] {strides = array<i32>} : memref<64x256xbf16, #tpu.memory_space<vmem>>, vector<32xbf16>,
          %parallel_loop3A_832 = arith.constant 16 : i32
          %parallel_loop3A_833 = arith.addi %scan3A_814, %parallel_loop3A_832 : i32
          %parallel_loop3A_834 = arith.index_cast %parallel_loop3A_833 : i32 to index
          %parallel_loop3A_835 = arith.index_cast %parallel_loop3A_828 : i32 to index
          %parallel_loop3A_836 = tpu.vector_load %arg13[%parallel_loop3A_834, %parallel_loop3A_835] {strides = array<i32>} : memref<64x256xbf16, #tpu.memory_space<vmem>>, vector<32xbf16>,
          %parallel_loop3A_837 = arith.constant 32 : i32
          %parallel_loop3A_838 = arith.addi %scan3A_814, %parallel_loop3A_837 : i32
          %parallel_loop3A_839 = arith.index_cast %parallel_loop3A_838 : i32 to index
          %parallel_loop3A_840 = arith.index_cast %parallel_loop3A_828 : i32 to index
          %parallel_loop3A_841 = tpu.vector_load %arg13[%parallel_loop3A_839, %parallel_loop3A_840] {strides = array<i32>} : memref<64x256xbf16, #tpu.memory_space<vmem>>, vector<32xbf16>,
          %parallel_loop3A_842 = arith.constant 48 : i32
          %parallel_loop3A_843 = arith.addi %scan3A_814, %parallel_loop3A_842 : i32
          %parallel_loop3A_844 = arith.index_cast %parallel_loop3A_843 : i32 to index
          %parallel_loop3A_845 = arith.index_cast %parallel_loop3A_828 : i32 to index
          %parallel_loop3A_846 = tpu.vector_load %arg13[%parallel_loop3A_844, %parallel_loop3A_845] {strides = array<i32>} : memref<64x256xbf16, #tpu.memory_space<vmem>>, vector<32xbf16>,
          %parallel_loop3A_847 = arith.subf %parallel_loop3A_836, %parallel_loop3A_831 : vector<32xbf16>
          %parallel_loop3A_848 = arith.mulf %pack3A, %parallel_loop3A_847 : vector<32xbf16>
          %parallel_loop3A_849 = arith.addf %parallel_loop3A_831, %parallel_loop3A_848 : vector<32xbf16>
          %parallel_loop3A_850 = arith.subf %parallel_loop3A_846, %parallel_loop3A_841 : vector<32xbf16>
          %parallel_loop3A_851 = arith.mulf %pack3A, %parallel_loop3A_850 : vector<32xbf16>
          %parallel_loop3A_852 = arith.addf %parallel_loop3A_841, %parallel_loop3A_851 : vector<32xbf16>
          %parallel_loop3A_853 = arith.subf %parallel_loop3A_852, %parallel_loop3A_849 : vector<32xbf16>
          %parallel_loop3A_854 = arith.mulf %pack3A_822, %parallel_loop3A_853 : vector<32xbf16>
          %parallel_loop3A_855 = arith.addf %parallel_loop3A_849, %parallel_loop3A_854 : vector<32xbf16>
          %parallel_loop3A_856 = arith.index_cast %scan3A_814 : i32 to index
          %parallel_loop3A_857 = arith.index_cast %parallel_loop3A_828 : i32 to index
          %parallel_loop3A_858 = tpu.vector_load %arg15[%parallel_loop3A_856, %parallel_loop3A_857] {strides = array<i32>} : memref<16x256xbf16, #tpu.memory_space<vmem>>, vector<32xbf16>,
          tpu.vector_store %arg15[%parallel_loop3A_856, %parallel_loop3A_857], %parallel_loop3A_855 {strides = array<i32>} : memref<16x256xbf16, #tpu.memory_space<vmem>>, vector<32xbf16>,
        } {sc.loop_unroll_factor = 8 : i64, sc.parallel_access}
        %scan3A_825 = arith.constant 0 : i32
        scf.yield %scan3A_825 : i32
      }
      %scan3A_776 = arith.constant 16 : i32
      %jit3A_777 = arith.constant 49 : i32
      %div3A_778 = arith.divsi %add3A_769, %jit3A_777 : i32
      %sign3A_779 = arith.constant 0 : i32
      %sign3A_780 = arith.cmpi sgt, %add3A_769, %sign3A_779 : i32
      %sign3A_781 = arith.extui %sign3A_780 : i1 to i32
      %sign3A_782 = arith.constant 0 : i32
      %sign3A_783 = arith.cmpi slt, %add3A_769, %sign3A_782 : i32
      %sign3A_784 = arith.extui %sign3A_783 : i1 to i32
      %sign3A_785 = arith.subi %sign3A_781, %sign3A_784 : i32
      %sign3A_786 = arith.constant 0 : i32
      %sign3A_787 = arith.cmpi sgt, %jit3A_777, %sign3A_786 : i32
      %sign3A_788 = arith.extui %sign3A_787 : i1 to i32
      %sign3A_789 = arith.constant 0 : i32
      %sign3A_790 = arith.cmpi slt, %jit3A_777, %sign3A_789 : i32
      %sign3A_791 = arith.extui %sign3A_790 : i1 to i32
      %sign3A_792 = arith.subi %sign3A_788, %sign3A_791 : i32
      %ne3A_793 = arith.cmpi ne, %sign3A_785, %sign3A_792 : i32
      %rem3A_794 = arith.remsi %add3A_769, %jit3A_777 : i32
      %ne3A_795 = arith.constant 0 : i32
      %ne3A_796 = arith.cmpi ne, %rem3A_794, %ne3A_795 : i32
      %and3A_797 = arith.andi %ne3A_793, %ne3A_796 : i1
      %sub3A_798 = arith.constant 1 : i32
      %sub3A_799 = arith.subi %div3A_778, %sub3A_798 : i32
      %select_n3A_800 = arith.select %and3A_797, %sub3A_799, %div3A_778 : i32
      %mul3A_801 = arith.constant 49 : i32
      %mul3A_802 = arith.muli %select_n3A_800, %mul3A_801 : i32
      %sub3A_803 = arith.subi %add3A_769, %mul3A_802 : i32
      %mul3A_804 = arith.constant 16 : i32
      %mul3A_805 = arith.muli %select_n3A_800, %mul3A_804 : i32
      %add3A_806 = arith.addi %mul3A_2, %mul3A_805 : i32
      %dma_start3A_807 = arith.constant 0 : i32
      %dma_start3A_808 = tpu.memref_slice %arg5[%sub3A_803, %add3A_806, %dma_start3A_807] : memref<49x2048x256xbf16, #tpu.memory_space<hbm>> -> memref<1x16x256xbf16, #tpu.memory_space<hbm>>
      %dma_start3A_809 = tpu.memref_squeeze %dma_start3A_808 : memref<1x16x256xbf16, #tpu.memory_space<hbm>> -> memref<16x256xbf16, #tpu.memory_space<hbm>>
      %dma_start3A_810 = arith.constant 0 : i32
      %dma_start3A_811 = tpu.memref_slice %arg5[%sub3A_803, %add3A_806, %dma_start3A_810] : memref<49x2048x256xbf16, #tpu.memory_space<hbm>> -> memref<1x16x256xbf16, #tpu.memory_space<hbm>>
      %dma_start3A_812 = tpu.memref_squeeze %dma_start3A_811 : memref<1x16x256xbf16, #tpu.memory_space<hbm>> -> memref<16x256xbf16, #tpu.memory_space<hbm>>
      tpu.enqueue_dma source(%arg15 : memref<16x256xbf16, #tpu.memory_space<vmem>>) target(%dma_start3A_812 : memref<16x256xbf16, #tpu.memory_space<hbm>>) target_semaphore(%arg19 : memref<!tpu.dma_semaphore, #tpu.memory_space<semaphore_mem>>)
      %scan3A_813 = arith.constant 0 : i32
      scf.yield %scan3A_813 : i32
    }
    %scan3A_308 = arith.constant 96 : i32
    %add3A_309 = arith.constant 48 : i32
    %add3A_310 = vector.broadcast %add3A_309 : i32 to vector<16xi32>
    %add3A_311 = arith.addi %add3A_310, %iota3A : vector<16xi32>
    %broadcast_in_dim3A_312 = arith.constant 48 : i32
    %broadcast_in_dim3A_313 = vector.broadcast %broadcast_in_dim3A_312 : i32 to vector<16xi32>
    %gather3A_314 = tpu.vector_load_idx %arg6[%broadcast_in_dim3A_3, %add3A_311] : memref<5x64xf32, #tpu.memory_space<vmem>>[vector<16xi32>, vector<16xi32>], vector<16xf32>,
    %gather3A_315 = tpu.vector_load_idx %arg6[%broadcast_in_dim3A_5, %add3A_311] : memref<5x64xf32, #tpu.memory_space<vmem>>[vector<16xi32>, vector<16xi32>], vector<16xf32>,
    %broadcast_in_dim3A_316 = arith.constant 2 : i32
    %broadcast_in_dim3A_317 = vector.broadcast %broadcast_in_dim3A_316 : i32 to vector<16xi32>
    %gather3A_318 = tpu.vector_load_idx %arg6[%broadcast_in_dim3A_317, %add3A_311] : memref<5x64xf32, #tpu.memory_space<vmem>>[vector<16xi32>, vector<16xi32>], vector<16xf32>,
    %broadcast_in_dim3A_319 = arith.constant 3 : i32
    %broadcast_in_dim3A_320 = vector.broadcast %broadcast_in_dim3A_319 : i32 to vector<16xi32>
    %gather3A_321 = tpu.vector_load_idx %arg6[%broadcast_in_dim3A_320, %add3A_311] : memref<5x64xf32, #tpu.memory_space<vmem>>[vector<16xi32>, vector<16xi32>], vector<16xf32>,
    %broadcast_in_dim3A_322 = arith.constant 4 : i32
    %broadcast_in_dim3A_323 = vector.broadcast %broadcast_in_dim3A_322 : i32 to vector<16xi32>
    %gather3A_324 = tpu.vector_load_idx %arg6[%broadcast_in_dim3A_323, %add3A_311] : memref<5x64xf32, #tpu.memory_space<vmem>>[vector<16xi32>, vector<16xi32>], vector<16xf32>,
    %gather3A_325 = tpu.vector_load_idx %arg7[%broadcast_in_dim3A_3, %broadcast_in_dim3A_313, %add3A_311] : memref<2x49x64xf32, #tpu.memory_space<vmem>>[vector<16xi32>, vector<16xi32>, vector<16xi32>], vector<16xf32>,
    %gather3A_326 = tpu.vector_load_idx %arg7[%broadcast_in_dim3A_5, %broadcast_in_dim3A_313, %add3A_311] : memref<2x49x64xf32, #tpu.memory_space<vmem>>[vector<16xi32>, vector<16xi32>, vector<16xi32>], vector<16xf32>,
    %mul3A_327 = arith.mulf %gather3A_325, %gather3A_318 : vector<16xf32>
    %add3A_328 = arith.addf %gather3A_314, %mul3A_327 : vector<16xf32>
    %mul3A_329 = arith.mulf %gather3A_326, %gather3A_321 : vector<16xf32>
    %add3A_330 = arith.addf %gather3A_315, %mul3A_329 : vector<16xf32>
    %max3A_331 = arith.constant 0.000000e+00 : f32
    %max3A_332 = vector.broadcast %max3A_331 : f32 to vector<16xf32>
    %max3A_333 = arith.maximumf %add3A_328, %max3A_332 : vector<16xf32>
    %min3A_334 = arith.constant 1.270000e+02 : f32
    %min3A_335 = vector.broadcast %min3A_334 : f32 to vector<16xf32>
    %min3A_336 = arith.minimumf %max3A_333, %min3A_335 : vector<16xf32>
    %max3A_337 = arith.constant 0.000000e+00 : f32
    %max3A_338 = vector.broadcast %max3A_337 : f32 to vector<16xf32>
    %max3A_339 = arith.maximumf %add3A_330, %max3A_338 : vector<16xf32>
    %min3A_340 = arith.constant 1.270000e+02 : f32
    %min3A_341 = vector.broadcast %min3A_340 : f32 to vector<16xf32>
    %min3A_342 = arith.minimumf %max3A_339, %min3A_341 : vector<16xf32>
    %convert_element_type3A_343 = arith.fptosi %min3A_336 : vector<16xf32> to vector<16xi32>
    %convert_element_type3A_344 = arith.fptosi %min3A_342 : vector<16xf32> to vector<16xi32>
    %convert_element_type3A_345 = arith.sitofp %convert_element_type3A_343 : vector<16xi32> to vector<16xf32>
    %convert_element_type3A_346 = arith.sitofp %convert_element_type3A_344 : vector<16xi32> to vector<16xf32>
    %ge3A_347 = arith.constant 1.270000e+02 : f32
    %ge3A_348 = vector.broadcast %ge3A_347 : f32 to vector<16xf32>
    %ge3A_349 = arith.cmpf oge, %convert_element_type3A_345, %ge3A_348 : vector<16xf32>
    %ge3A_350 = arith.constant 1.270000e+02 : f32
    %ge3A_351 = vector.broadcast %ge3A_350 : f32 to vector<16xf32>
    %ge3A_352 = arith.cmpf oge, %convert_element_type3A_346, %ge3A_351 : vector<16xf32>
    %sub3A_353 = arith.subf %add3A_328, %convert_element_type3A_345 : vector<16xf32>
    %jit3A_354 = arith.constant 0.000000e+00 : f32
    %broadcast_in_dim3A_355 = vector.broadcast %jit3A_354 : f32 to vector<16xf32>
    %select_n3A_356 = arith.select %ge3A_349, %broadcast_in_dim3A_355, %sub3A_353 : vector<16xi1>, vector<16xf32>
    %sub3A_357 = arith.subf %add3A_330, %convert_element_type3A_346 : vector<16xf32>
    %jit3A_358 = arith.constant 0.000000e+00 : f32
    %broadcast_in_dim3A_359 = vector.broadcast %jit3A_358 : f32 to vector<16xf32>
    %select_n3A_360 = arith.select %ge3A_352, %broadcast_in_dim3A_359, %sub3A_357 : vector<16xi1>, vector<16xf32>
    %jit3A_361 = arith.constant 0 : i32
    %jit3A_362 = arith.constant 1 : i32
    %broadcast_in_dim3A_363 = vector.broadcast %jit3A_361 : i32 to vector<16xi32>
    %broadcast_in_dim3A_364 = vector.broadcast %jit3A_362 : i32 to vector<16xi32>
    %select_n3A_365 = arith.select %ge3A_349, %broadcast_in_dim3A_363, %broadcast_in_dim3A_364 : vector<16xi1>, vector<16xi32>
    %jit3A_366 = arith.constant 0 : i32
    %jit3A_367 = arith.constant 128 : i32
    %broadcast_in_dim3A_368 = vector.broadcast %jit3A_366 : i32 to vector<16xi32>
    %broadcast_in_dim3A_369 = vector.broadcast %jit3A_367 : i32 to vector<16xi32>
    %select_n3A_370 = arith.select %ge3A_352, %broadcast_in_dim3A_368, %broadcast_in_dim3A_369 : vector<16xi1>, vector<16xi32>
    %convert_element_type3A_371 = arith.fptosi %gather3A_324 : vector<16xf32> to vector<16xi32>
    %mul3A_372 = arith.constant 128 : i32
    %mul3A_373 = vector.broadcast %mul3A_372 : i32 to vector<16xi32>
    %mul3A_374 = arith.muli %convert_element_type3A_344, %mul3A_373 : vector<16xi32>
    %add3A_375 = arith.addi %convert_element_type3A_371, %mul3A_374 : vector<16xi32>
    %add3A_376 = arith.addi %add3A_375, %convert_element_type3A_343 : vector<16xi32>
    %swap3A_377 = arith.constant 0 : index
    %swap3A_378 = tpu.vector_load %arg9[%swap3A_377] {strides = array<i32>} : memref<64xi32, #tpu.memory_space<vmem>>, vector<16xi32>,
    tpu.vector_store %arg9[%swap3A_377], %add3A_376 {strides = array<i32>} : memref<64xi32, #tpu.memory_space<vmem>>, vector<16xi32>,
    %add3A_379 = arith.addi %add3A_376, %select_n3A_365 : vector<16xi32>
    %swap3A_380 = arith.constant 16 : index
    %swap3A_381 = tpu.vector_load %arg9[%swap3A_380] {strides = array<i32>} : memref<64xi32, #tpu.memory_space<vmem>>, vector<16xi32>,
    tpu.vector_store %arg9[%swap3A_380], %add3A_379 {strides = array<i32>} : memref<64xi32, #tpu.memory_space<vmem>>, vector<16xi32>,
    %add3A_382 = arith.addi %add3A_376, %select_n3A_370 : vector<16xi32>
    %swap3A_383 = arith.constant 32 : index
    %swap3A_384 = tpu.vector_load %arg9[%swap3A_383] {strides = array<i32>} : memref<64xi32, #tpu.memory_space<vmem>>, vector<16xi32>,
    tpu.vector_store %arg9[%swap3A_383], %add3A_382 {strides = array<i32>} : memref<64xi32, #tpu.memory_space<vmem>>, vector<16xi32>,
    %add3A_385 = arith.addi %add3A_376, %select_n3A_370 : vector<16xi32>
    %add3A_386 = arith.addi %add3A_385, %select_n3A_365 : vector<16xi32>
    %swap3A_387 = arith.constant 48 : index
    %swap3A_388 = tpu.vector_load %arg9[%swap3A_387] {strides = array<i32>} : memref<64xi32, #tpu.memory_space<vmem>>, vector<16xi32>,
    tpu.vector_store %arg9[%swap3A_387], %add3A_386 {strides = array<i32>} : memref<64xi32, #tpu.memory_space<vmem>>, vector<16xi32>,
    %swap3A_389 = arith.constant 0 : index
    %swap3A_390 = tpu.vector_load %arg11[%swap3A_389] {strides = array<i32>} : memref<32xf32, #tpu.memory_space<vmem>>, vector<16xf32>,
    tpu.vector_store %arg11[%swap3A_389], %select_n3A_356 {strides = array<i32>} : memref<32xf32, #tpu.memory_space<vmem>>, vector<16xf32>,
    %swap3A_391 = arith.constant 16 : index
    %swap3A_392 = tpu.vector_load %arg11[%swap3A_391] {strides = array<i32>} : memref<32xf32, #tpu.memory_space<vmem>>, vector<16xf32>,
    tpu.vector_store %arg11[%swap3A_391], %select_n3A_360 {strides = array<i32>} : memref<32xf32, #tpu.memory_space<vmem>>, vector<16xf32>,
    %dma_start3A_393 = arith.constant 0 : i32
    %dma_start3A_394 = arith.constant 0 : i32
    %dma_start3A_395 = tpu.memref_slice %arg2[%dma_start3A_393, %dma_start3A_394] : memref<65536x256xbf16, #tpu.memory_space<hbm>> -> memref<65536x256xbf16, #tpu.memory_space<hbm>>
    tpu.enqueue_indirect_dma source(%dma_start3A_395 : memref<65536x256xbf16, #tpu.memory_space<hbm>>) target(%arg13 : memref<64x256xbf16, #tpu.memory_space<vmem>>) offsets(%arg9 : memref<64xi32, #tpu.memory_space<vmem>>) semaphore(%arg17 : memref<!tpu.dma_semaphore, #tpu.memory_space<semaphore_mem>>)
    %dma_wait3A_396 = arith.constant 0 : i32
    %dma_wait3A_397 = arith.constant 0 : i32
    %dma_wait3A_398 = tpu.memref_slice %arg2[%dma_wait3A_396, %dma_wait3A_397] : memref<65536x256xbf16, #tpu.memory_space<hbm>> -> memref<65536x256xbf16, #tpu.memory_space<hbm>>
    tpu.wait_indirect_dma semaphore(%arg16 : memref<!tpu.dma_semaphore, #tpu.memory_space<semaphore_mem>>) src(%dma_wait3A_398 : memref<65536x256xbf16, #tpu.memory_space<hbm>>) dst(%arg12 : memref<64x256xbf16, #tpu.memory_space<vmem>>)
    %dma_wait3A_399 = arith.constant 0 : i32
    %dma_wait3A_400 = arith.constant 0 : i32
    %dma_wait3A_401 = arith.constant 0 : i32
    %dma_wait3A_402 = tpu.memref_slice %arg5[%dma_wait3A_399, %dma_wait3A_400, %dma_wait3A_401] : memref<49x2048x256xbf16, #tpu.memory_space<hbm>> -> memref<1x16x256xbf16, #tpu.memory_space<hbm>>
    %dma_wait3A_403 = tpu.memref_squeeze %dma_wait3A_402 : memref<1x16x256xbf16, #tpu.memory_space<hbm>> -> memref<16x256xbf16, #tpu.memory_space<hbm>>
    %dma_wait3A_404 = arith.constant 0 : i32
    %dma_wait3A_405 = arith.constant 0 : i32
    %dma_wait3A_406 = tpu.memref_slice %arg5[%dma_wait3A_399, %dma_wait3A_404, %dma_wait3A_405] : memref<49x2048x256xbf16, #tpu.memory_space<hbm>> -> memref<1x16x256xbf16, #tpu.memory_space<hbm>>
    %dma_wait3A_407 = tpu.memref_squeeze %dma_wait3A_406 : memref<1x16x256xbf16, #tpu.memory_space<hbm>> -> memref<16x256xbf16, #tpu.memory_space<hbm>>
    tpu.wait_dma2 semaphore(%arg18 : memref<!tpu.dma_semaphore, #tpu.memory_space<semaphore_mem>>) src(%arg14 : memref<16x256xbf16, #tpu.memory_space<vmem>>) dst(%dma_wait3A_407 : memref<16x256xbf16, #tpu.memory_space<hbm>>)
    %scan3A_408 = arith.constant 0 : i32
    %scan3A_409 = arith.constant 0 : i32
    %scan3A_410 = arith.constant 16 : i32
    %scan3A_411 = arith.addi %scan3A_409, %scan3A_410 : i32
    %scan3A_412 = arith.constant 1 : i32
    %scan3A_413 = scf.for %scan3A_470 = %scan3A_409 to %scan3A_411 step %scan3A_412 iter_args(%scan3A_471 = %scan3A_408) -> (i32)  : i32 {
      %broadcast_in_dim3A_472 = vector.broadcast %scan3A_470 : i32 to vector<16xi32>
      %gather3A_473 = tpu.vector_load_idx %arg10[%broadcast_in_dim3A_472] : memref<32xf32, #tpu.memory_space<vmem>>[vector<16xi32>], vector<16xf32>,
      %add3A_474 = arith.constant 16 : i32
      %add3A_475 = vector.broadcast %add3A_474 : i32 to vector<16xi32>
      %add3A_476 = arith.addi %broadcast_in_dim3A_472, %add3A_475 : vector<16xi32>
      %gather3A_477 = tpu.vector_load_idx %arg10[%add3A_476] : memref<32xf32, #tpu.memory_space<vmem>>[vector<16xi32>], vector<16xf32>,
      %pack3A = tpu.pack_subelements %gather3A_473, %gather3A_473 {pack_format = #tpu.pack_format<interleaved>, positions = array<i32: 0, 1>} : vector<16xf32>, vector<16xf32> -> vector<32xbf16>
      %pack3A_478 = tpu.pack_subelements %gather3A_477, %gather3A_477 {pack_format = #tpu.pack_format<interleaved>, positions = array<i32: 0, 1>} : vector<16xf32>, vector<16xf32> -> vector<32xbf16>
      %parallel_loop3A = arith.constant 0 : i32
      %parallel_loop3A_479 = arith.constant 8 : i32
      %parallel_loop3A_480 = arith.constant 1 : i32
      scf.for %parallel_loop3A_482 = %parallel_loop3A to %parallel_loop3A_479 step %parallel_loop3A_480  : i32 {
        %parallel_loop3A_483 = arith.constant 32 : i32
        %parallel_loop3A_484 = arith.muli %parallel_loop3A_482, %parallel_loop3A_483 : i32
        %parallel_loop3A_485 = arith.index_cast %scan3A_470 : i32 to index
        %parallel_loop3A_486 = arith.index_cast %parallel_loop3A_484 : i32 to index
        %parallel_loop3A_487 = tpu.vector_load %arg12[%parallel_loop3A_485, %parallel_loop3A_486] {strides = array<i32>} : memref<64x256xbf16, #tpu.memory_space<vmem>>, vector<32xbf16>,
        %parallel_loop3A_488 = arith.constant 16 : i32
        %parallel_loop3A_489 = arith.addi %scan3A_470, %parallel_loop3A_488 : i32
        %parallel_loop3A_490 = arith.index_cast %parallel_loop3A_489 : i32 to index
        %parallel_loop3A_491 = arith.index_cast %parallel_loop3A_484 : i32 to index
        %parallel_loop3A_492 = tpu.vector_load %arg12[%parallel_loop3A_490, %parallel_loop3A_491] {strides = array<i32>} : memref<64x256xbf16, #tpu.memory_space<vmem>>, vector<32xbf16>,
        %parallel_loop3A_493 = arith.constant 32 : i32
        %parallel_loop3A_494 = arith.addi %scan3A_470, %parallel_loop3A_493 : i32
        %parallel_loop3A_495 = arith.index_cast %parallel_loop3A_494 : i32 to index
        %parallel_loop3A_496 = arith.index_cast %parallel_loop3A_484 : i32 to index
        %parallel_loop3A_497 = tpu.vector_load %arg12[%parallel_loop3A_495, %parallel_loop3A_496] {strides = array<i32>} : memref<64x256xbf16, #tpu.memory_space<vmem>>, vector<32xbf16>,
        %parallel_loop3A_498 = arith.constant 48 : i32
        %parallel_loop3A_499 = arith.addi %scan3A_470, %parallel_loop3A_498 : i32
        %parallel_loop3A_500 = arith.index_cast %parallel_loop3A_499 : i32 to index
        %parallel_loop3A_501 = arith.index_cast %parallel_loop3A_484 : i32 to index
        %parallel_loop3A_502 = tpu.vector_load %arg12[%parallel_loop3A_500, %parallel_loop3A_501] {strides = array<i32>} : memref<64x256xbf16, #tpu.memory_space<vmem>>, vector<32xbf16>,
        %parallel_loop3A_503 = arith.subf %parallel_loop3A_492, %parallel_loop3A_487 : vector<32xbf16>
        %parallel_loop3A_504 = arith.mulf %pack3A, %parallel_loop3A_503 : vector<32xbf16>
        %parallel_loop3A_505 = arith.addf %parallel_loop3A_487, %parallel_loop3A_504 : vector<32xbf16>
        %parallel_loop3A_506 = arith.subf %parallel_loop3A_502, %parallel_loop3A_497 : vector<32xbf16>
        %parallel_loop3A_507 = arith.mulf %pack3A, %parallel_loop3A_506 : vector<32xbf16>
        %parallel_loop3A_508 = arith.addf %parallel_loop3A_497, %parallel_loop3A_507 : vector<32xbf16>
        %parallel_loop3A_509 = arith.subf %parallel_loop3A_508, %parallel_loop3A_505 : vector<32xbf16>
        %parallel_loop3A_510 = arith.mulf %pack3A_478, %parallel_loop3A_509 : vector<32xbf16>
        %parallel_loop3A_511 = arith.addf %parallel_loop3A_505, %parallel_loop3A_510 : vector<32xbf16>
        %parallel_loop3A_512 = arith.index_cast %scan3A_470 : i32 to index
        %parallel_loop3A_513 = arith.index_cast %parallel_loop3A_484 : i32 to index
        %parallel_loop3A_514 = tpu.vector_load %arg14[%parallel_loop3A_512, %parallel_loop3A_513] {strides = array<i32>} : memref<16x256xbf16, #tpu.memory_space<vmem>>, vector<32xbf16>,
        tpu.vector_store %arg14[%parallel_loop3A_512, %parallel_loop3A_513], %parallel_loop3A_511 {strides = array<i32>} : memref<16x256xbf16, #tpu.memory_space<vmem>>, vector<32xbf16>,
      } {sc.loop_unroll_factor = 8 : i64, sc.parallel_access}
      %scan3A_481 = arith.constant 0 : i32
      scf.yield %scan3A_481 : i32
    }
    %scan3A_414 = arith.constant 16 : i32
    %add3A_415 = arith.constant 48 : i32
    %add3A_416 = arith.addi %mul3A_2, %add3A_415 : i32
    %dma_start3A_417 = arith.constant 47 : i32
    %dma_start3A_418 = arith.constant 0 : i32
    %dma_start3A_419 = tpu.memref_slice %arg5[%dma_start3A_417, %add3A_416, %dma_start3A_418] : memref<49x2048x256xbf16, #tpu.memory_space<hbm>> -> memref<1x16x256xbf16, #tpu.memory_space<hbm>>
    %dma_start3A_420 = tpu.memref_squeeze %dma_start3A_419 : memref<1x16x256xbf16, #tpu.memory_space<hbm>> -> memref<16x256xbf16, #tpu.memory_space<hbm>>
    %dma_start3A_421 = arith.constant 0 : i32
    %dma_start3A_422 = tpu.memref_slice %arg5[%dma_start3A_417, %add3A_416, %dma_start3A_421] : memref<49x2048x256xbf16, #tpu.memory_space<hbm>> -> memref<1x16x256xbf16, #tpu.memory_space<hbm>>
    %dma_start3A_423 = tpu.memref_squeeze %dma_start3A_422 : memref<1x16x256xbf16, #tpu.memory_space<hbm>> -> memref<16x256xbf16, #tpu.memory_space<hbm>>
    tpu.enqueue_dma source(%arg14 : memref<16x256xbf16, #tpu.memory_space<vmem>>) target(%dma_start3A_423 : memref<16x256xbf16, #tpu.memory_space<hbm>>) target_semaphore(%arg18 : memref<!tpu.dma_semaphore, #tpu.memory_space<semaphore_mem>>)
    %dma_wait3A_424 = arith.constant 0 : i32
    %dma_wait3A_425 = arith.constant 0 : i32
    %dma_wait3A_426 = tpu.memref_slice %arg2[%dma_wait3A_424, %dma_wait3A_425] : memref<65536x256xbf16, #tpu.memory_space<hbm>> -> memref<65536x256xbf16, #tpu.memory_space<hbm>>
    tpu.wait_indirect_dma semaphore(%arg17 : memref<!tpu.dma_semaphore, #tpu.memory_space<semaphore_mem>>) src(%dma_wait3A_426 : memref<65536x256xbf16, #tpu.memory_space<hbm>>) dst(%arg13 : memref<64x256xbf16, #tpu.memory_space<vmem>>)
    %dma_wait3A_427 = arith.constant 0 : i32
    %dma_wait3A_428 = arith.constant 0 : i32
    %dma_wait3A_429 = arith.constant 0 : i32
    %dma_wait3A_430 = tpu.memref_slice %arg5[%dma_wait3A_427, %dma_wait3A_428, %dma_wait3A_429] : memref<49x2048x256xbf16, #tpu.memory_space<hbm>> -> memref<1x16x256xbf16, #tpu.memory_space<hbm>>
    %dma_wait3A_431 = tpu.memref_squeeze %dma_wait3A_430 : memref<1x16x256xbf16, #tpu.memory_space<hbm>> -> memref<16x256xbf16, #tpu.memory_space<hbm>>
    %dma_wait3A_432 = arith.constant 0 : i32
    %dma_wait3A_433 = arith.constant 0 : i32
    %dma_wait3A_434 = tpu.memref_slice %arg5[%dma_wait3A_427, %dma_wait3A_432, %dma_wait3A_433] : memref<49x2048x256xbf16, #tpu.memory_space<hbm>> -> memref<1x16x256xbf16, #tpu.memory_space<hbm>>
    %dma_wait3A_435 = tpu.memref_squeeze %dma_wait3A_434 : memref<1x16x256xbf16, #tpu.memory_space<hbm>> -> memref<16x256xbf16, #tpu.memory_space<hbm>>
    tpu.wait_dma2 semaphore(%arg19 : memref<!tpu.dma_semaphore, #tpu.memory_space<semaphore_mem>>) src(%arg15 : memref<16x256xbf16, #tpu.memory_space<vmem>>) dst(%dma_wait3A_435 : memref<16x256xbf16, #tpu.memory_space<hbm>>)
    %scan3A_436 = arith.constant 0 : i32
    %scan3A_437 = arith.constant 0 : i32
    %scan3A_438 = arith.constant 16 : i32
    %scan3A_439 = arith.addi %scan3A_437, %scan3A_438 : i32
    %scan3A_440 = arith.constant 1 : i32
    %scan3A_441 = scf.for %scan3A_470 = %scan3A_437 to %scan3A_439 step %scan3A_440 iter_args(%scan3A_471 = %scan3A_436) -> (i32)  : i32 {
      %broadcast_in_dim3A_472 = vector.broadcast %scan3A_470 : i32 to vector<16xi32>
      %gather3A_473 = tpu.vector_load_idx %arg11[%broadcast_in_dim3A_472] : memref<32xf32, #tpu.memory_space<vmem>>[vector<16xi32>], vector<16xf32>,
      %add3A_474 = arith.constant 16 : i32
      %add3A_475 = vector.broadcast %add3A_474 : i32 to vector<16xi32>
      %add3A_476 = arith.addi %broadcast_in_dim3A_472, %add3A_475 : vector<16xi32>
      %gather3A_477 = tpu.vector_load_idx %arg11[%add3A_476] : memref<32xf32, #tpu.memory_space<vmem>>[vector<16xi32>], vector<16xf32>,
      %pack3A = tpu.pack_subelements %gather3A_473, %gather3A_473 {pack_format = #tpu.pack_format<interleaved>, positions = array<i32: 0, 1>} : vector<16xf32>, vector<16xf32> -> vector<32xbf16>
      %pack3A_478 = tpu.pack_subelements %gather3A_477, %gather3A_477 {pack_format = #tpu.pack_format<interleaved>, positions = array<i32: 0, 1>} : vector<16xf32>, vector<16xf32> -> vector<32xbf16>
      %parallel_loop3A = arith.constant 0 : i32
      %parallel_loop3A_479 = arith.constant 8 : i32
      %parallel_loop3A_480 = arith.constant 1 : i32
      scf.for %parallel_loop3A_482 = %parallel_loop3A to %parallel_loop3A_479 step %parallel_loop3A_480  : i32 {
        %parallel_loop3A_483 = arith.constant 32 : i32
        %parallel_loop3A_484 = arith.muli %parallel_loop3A_482, %parallel_loop3A_483 : i32
        %parallel_loop3A_485 = arith.index_cast %scan3A_470 : i32 to index
        %parallel_loop3A_486 = arith.index_cast %parallel_loop3A_484 : i32 to index
        %parallel_loop3A_487 = tpu.vector_load %arg13[%parallel_loop3A_485, %parallel_loop3A_486] {strides = array<i32>} : memref<64x256xbf16, #tpu.memory_space<vmem>>, vector<32xbf16>,
        %parallel_loop3A_488 = arith.constant 16 : i32
        %parallel_loop3A_489 = arith.addi %scan3A_470, %parallel_loop3A_488 : i32
        %parallel_loop3A_490 = arith.index_cast %parallel_loop3A_489 : i32 to index
        %parallel_loop3A_491 = arith.index_cast %parallel_loop3A_484 : i32 to index
        %parallel_loop3A_492 = tpu.vector_load %arg13[%parallel_loop3A_490, %parallel_loop3A_491] {strides = array<i32>} : memref<64x256xbf16, #tpu.memory_space<vmem>>, vector<32xbf16>,
        %parallel_loop3A_493 = arith.constant 32 : i32
        %parallel_loop3A_494 = arith.addi %scan3A_470, %parallel_loop3A_493 : i32
        %parallel_loop3A_495 = arith.index_cast %parallel_loop3A_494 : i32 to index
        %parallel_loop3A_496 = arith.index_cast %parallel_loop3A_484 : i32 to index
        %parallel_loop3A_497 = tpu.vector_load %arg13[%parallel_loop3A_495, %parallel_loop3A_496] {strides = array<i32>} : memref<64x256xbf16, #tpu.memory_space<vmem>>, vector<32xbf16>,
        %parallel_loop3A_498 = arith.constant 48 : i32
        %parallel_loop3A_499 = arith.addi %scan3A_470, %parallel_loop3A_498 : i32
        %parallel_loop3A_500 = arith.index_cast %parallel_loop3A_499 : i32 to index
        %parallel_loop3A_501 = arith.index_cast %parallel_loop3A_484 : i32 to index
        %parallel_loop3A_502 = tpu.vector_load %arg13[%parallel_loop3A_500, %parallel_loop3A_501] {strides = array<i32>} : memref<64x256xbf16, #tpu.memory_space<vmem>>, vector<32xbf16>,
        %parallel_loop3A_503 = arith.subf %parallel_loop3A_492, %parallel_loop3A_487 : vector<32xbf16>
        %parallel_loop3A_504 = arith.mulf %pack3A, %parallel_loop3A_503 : vector<32xbf16>
        %parallel_loop3A_505 = arith.addf %parallel_loop3A_487, %parallel_loop3A_504 : vector<32xbf16>
        %parallel_loop3A_506 = arith.subf %parallel_loop3A_502, %parallel_loop3A_497 : vector<32xbf16>
        %parallel_loop3A_507 = arith.mulf %pack3A, %parallel_loop3A_506 : vector<32xbf16>
        %parallel_loop3A_508 = arith.addf %parallel_loop3A_497, %parallel_loop3A_507 : vector<32xbf16>
        %parallel_loop3A_509 = arith.subf %parallel_loop3A_508, %parallel_loop3A_505 : vector<32xbf16>
        %parallel_loop3A_510 = arith.mulf %pack3A_478, %parallel_loop3A_509 : vector<32xbf16>
        %parallel_loop3A_511 = arith.addf %parallel_loop3A_505, %parallel_loop3A_510 : vector<32xbf16>
        %parallel_loop3A_512 = arith.index_cast %scan3A_470 : i32 to index
        %parallel_loop3A_513 = arith.index_cast %parallel_loop3A_484 : i32 to index
        %parallel_loop3A_514 = tpu.vector_load %arg15[%parallel_loop3A_512, %parallel_loop3A_513] {strides = array<i32>} : memref<16x256xbf16, #tpu.memory_space<vmem>>, vector<32xbf16>,
        tpu.vector_store %arg15[%parallel_loop3A_512, %parallel_loop3A_513], %parallel_loop3A_511 {strides = array<i32>} : memref<16x256xbf16, #tpu.memory_space<vmem>>, vector<32xbf16>,
      } {sc.loop_unroll_factor = 8 : i64, sc.parallel_access}
      %scan3A_481 = arith.constant 0 : i32
      scf.yield %scan3A_481 : i32
    }
    %scan3A_442 = arith.constant 16 : i32
    %add3A_443 = arith.constant 48 : i32
    %add3A_444 = arith.addi %mul3A_2, %add3A_443 : i32
    %dma_start3A_445 = arith.constant 48 : i32
    %dma_start3A_446 = arith.constant 0 : i32
    %dma_start3A_447 = tpu.memref_slice %arg5[%dma_start3A_445, %add3A_444, %dma_start3A_446] : memref<49x2048x256xbf16, #tpu.memory_space<hbm>> -> memref<1x16x256xbf16, #tpu.memory_space<hbm>>
    %dma_start3A_448 = tpu.memref_squeeze %dma_start3A_447 : memref<1x16x256xbf16, #tpu.memory_space<hbm>> -> memref<16x256xbf16, #tpu.memory_space<hbm>>
    %dma_start3A_449 = arith.constant 0 : i32
    %dma_start3A_450 = tpu.memref_slice %arg5[%dma_start3A_445, %add3A_444, %dma_start3A_449] : memref<49x2048x256xbf16, #tpu.memory_space<hbm>> -> memref<1x16x256xbf16, #tpu.memory_space<hbm>>
    %dma_start3A_451 = tpu.memref_squeeze %dma_start3A_450 : memref<1x16x256xbf16, #tpu.memory_space<hbm>> -> memref<16x256xbf16, #tpu.memory_space<hbm>>
    tpu.enqueue_dma source(%arg15 : memref<16x256xbf16, #tpu.memory_space<vmem>>) target(%dma_start3A_451 : memref<16x256xbf16, #tpu.memory_space<hbm>>) target_semaphore(%arg19 : memref<!tpu.dma_semaphore, #tpu.memory_space<semaphore_mem>>)
    %dma_wait3A_452 = arith.constant 0 : i32
    %dma_wait3A_453 = arith.constant 0 : i32
    %dma_wait3A_454 = arith.constant 0 : i32
    %dma_wait3A_455 = tpu.memref_slice %arg5[%dma_wait3A_452, %dma_wait3A_453, %dma_wait3A_454] : memref<49x2048x256xbf16, #tpu.memory_space<hbm>> -> memref<1x16x256xbf16, #tpu.memory_space<hbm>>
    %dma_wait3A_456 = tpu.memref_squeeze %dma_wait3A_455 : memref<1x16x256xbf16, #tpu.memory_space<hbm>> -> memref<16x256xbf16, #tpu.memory_space<hbm>>
    %dma_wait3A_457 = arith.constant 0 : i32
    %dma_wait3A_458 = arith.constant 0 : i32
    %dma_wait3A_459 = tpu.memref_slice %arg5[%dma_wait3A_452, %dma_wait3A_457, %dma_wait3A_458] : memref<49x2048x256xbf16, #tpu.memory_space<hbm>> -> memref<1x16x256xbf16, #tpu.memory_space<hbm>>
    %dma_wait3A_460 = tpu.memref_squeeze %dma_wait3A_459 : memref<1x16x256xbf16, #tpu.memory_space<hbm>> -> memref<16x256xbf16, #tpu.memory_space<hbm>>
    tpu.wait_dma2 semaphore(%arg18 : memref<!tpu.dma_semaphore, #tpu.memory_space<semaphore_mem>>) src(%arg14 : memref<16x256xbf16, #tpu.memory_space<vmem>>) dst(%dma_wait3A_460 : memref<16x256xbf16, #tpu.memory_space<hbm>>)
    %dma_wait3A_461 = arith.constant 0 : i32
    %dma_wait3A_462 = arith.constant 0 : i32
    %dma_wait3A_463 = arith.constant 0 : i32
    %dma_wait3A_464 = tpu.memref_slice %arg5[%dma_wait3A_461, %dma_wait3A_462, %dma_wait3A_463] : memref<49x2048x256xbf16, #tpu.memory_space<hbm>> -> memref<1x16x256xbf16, #tpu.memory_space<hbm>>
    %dma_wait3A_465 = tpu.memref_squeeze %dma_wait3A_464 : memref<1x16x256xbf16, #tpu.memory_space<hbm>> -> memref<16x256xbf16, #tpu.memory_space<hbm>>
    %dma_wait3A_466 = arith.constant 0 : i32
    %dma_wait3A_467 = arith.constant 0 : i32
    %dma_wait3A_468 = tpu.memref_slice %arg5[%dma_wait3A_461, %dma_wait3A_466, %dma_wait3A_467] : memref<49x2048x256xbf16, #tpu.memory_space<hbm>> -> memref<1x16x256xbf16, #tpu.memory_space<hbm>>
    %dma_wait3A_469 = tpu.memref_squeeze %dma_wait3A_468 : memref<1x16x256xbf16, #tpu.memory_space<hbm>> -> memref<16x256xbf16, #tpu.memory_space<hbm>>
    tpu.wait_dma2 semaphore(%arg19 : memref<!tpu.dma_semaphore, #tpu.memory_space<semaphore_mem>>) src(%arg15 : memref<16x256xbf16, #tpu.memory_space<vmem>>) dst(%dma_wait3A_469 : memref<16x256xbf16, #tpu.memory_space<hbm>>)
    return
  }
}

</mosaic_0001>

<sc_bundles>
// kernel: kernel.3.cloned.1.call-start
scs
__scs_entry_jumppad:
0x0: {  	(pc) =	sbr.rel $0x88, $3  }
0x1: {  	(tag) =	ssettag $0x0;
	lr =	simm.s32 $0x1  }
0x2: {  	[smem:$0x3F9C] =	sst lr;
	_ =	strace $0xD0000000  }
0x3: {  	_ = 	snop  }
0x4: {  	_ = 	snop  }
0x5: {  	_ = 	snop  }
0x6: {  	_ = 	snop  }
0x7: {  	_ = 	snop  }
__scs_overlays_trampoline_lowered:
0x8: {  	[smem:$0x3FAB] =	sst s0  }
0x9: {  	[smem:$0x3FAC] =	sst s1  }
0xa: {  	[smem:$0x3FAD] =	sst s2  }
0xb: {  	[smem:$0x3FAE] =	sst s3  }
0xc: {  	[smem:$0x3FAF] =	sst s4  }
0xd: {  	[smem:$0x3FB0] =	sst s5  }
0xe: {  	[smem:$0x3FB1] =	sst s6  }
0xf: {  	[smem:$0x3FB2] =	sst s7  }
0x10: {  	[smem:$0x3FB3] =	sst s8  }
0x11: {  	[smem:$0x3FB4] =	sst s9;
	s0 =	simm.s32 @!p0 $0x0  }
0x12: {  	s1 =	sld [smem:$0x3F9A];
	s0 =	simm.s32 @p0 $0x1  }
0x13: {  	[smem:$0x3FB5] =	sst s0;
	s0 =	simm.s32 @!p1 $0x0  }
0x14: {  	s2 =	sld [smem:$0x3F99];
	s0 =	simm.s32 @p1 $0x1  }
0x15: {  	[smem:$0x3FB6] =	sst s0;
	s0 =	simm.s32 @!p2 $0x0  }
0x16: {  	s3 =	sld [smem:$0x3FDB];
	s0 =	simm.s32 @p2 $0x1  }
0x17: {  	s4 =	simm.s32 $0x1BF5;
	[smem:$0x3FB8] =	sst s0  }
0x18: {  	s0 =	sld [smem:$0x3F9B];
	_ =	swait.ge [sflag:s4], $0x0  }
0x19: {  	s7 =	sld [smem:$0x3F9C]  }
0x1a: {  	s8 =	sadd.s32 $0xFFFFE003, lr  }
0x1b: {  	s9 =	sadd.s32 $0xFFFFFEF7, lr;
	s5 =	simm.s32 $0xFFFFFFFF;
	p2 =	slt.u32 s8, $0xFFFFF086  }
0x1c: {  	p1 =	slt.u32 s9, $0xF7A;
	s5 =	simm.s32 @!p2 $0x0  }
0x1d: {  	s5 =	simm.s32 @p1 $0x1;
	p0 =	seq.s32 s7, s2  }
0x1e: {  	s7 =	smul.u32 @!p0 $0xF7A, s2;
	p2 =	seq.s32 @!p0 s5, $0x0  }
0x1f: {  	s9 =	smul.u32 $0xF7A, s1;
	s8 =	simm.s32 @!p0 $0x1BF5;
	p2 =	por !p2, p0  }
0x20: {  	[sflag:s8] =	ssyncset.s32 @!p0 $0xFFFFF086;
	s6 =	sadd.s32 @!p0 s3, s7;
	s7 =	simm.s32 @!p0 $0x108  }
0x21: {  	s3 =	sadd.s32 s3, s9;
	s6 =	sadd.s32 @!p0 $0x88, s6;
	s7 =	simm.s32 @p2 $0x1082  }
0x22: {  	[simem:s7], [sflag:s8] =	dma.local @!p0 [hbm:s6], $0xF7A  }
0x23: {  	s9 =	sor.u32 $0xD0000000, s2;
	s6 =	simm.s32 $0x108;
	_ =	swait.ge @!p0 [sflag:s8], $0x0  }
0x24: {  	s3 =	sadd.s32 $0x88, s3;
	s6 =	simm.s32 @!p1 $0x1082;
	[sflag:s4] =	ssyncset.s32 $0xFFFFF086  }
0x25: {  	[simem:s6], [sflag:s4] =	dma.local [hbm:s3], $0xF7A  }
0x26: {  	[smem:$0x3F9C] =	sst s1;
	(tag) =	ssettag s2;
	_ =	strace s9  }
0x27: {  	s1 =	sld [smem:$0x3FAC]  }
0x28: {  	s2 =	sld [smem:$0x3FAD]  }
0x29: {  	s4 =	sld [smem:$0x3FAF]  }
0x2a: {  	p0 =	seq.s32 s5, $0x0;
	s5 =	sld [smem:$0x3FB0]  }
0x2b: {  	s6 =	sld [smem:$0x3FB1]  }
0x2c: {  	s7 =	sld [smem:$0x3FB2]  }
0x2d: {  	s3 =	simm.s32 $0x108;
	s8 =	sld [smem:$0x3FB3]  }
0x2e: {  	s3 =	simm.s32 @!p0 $0x1082;
	s9 =	sld [smem:$0x3FB4]  }
0x2f: {  	lr =	sadd.s32 s0, s3;
	s0 =	sld [smem:$0x3FAB]  }
0x30: {  	s3 =	sld [smem:$0x3FAE]  }
0x31: {  	[smem:$0x3FB7] =	sst s10  }
0x32: {  	s10 =	sld [smem:$0x3FB5];
	_ =	sdelay $0x3  }
0x33: {  	p0 =	seq.s32 s10, $0x1;
	s10 =	sld [smem:$0x3FB7];
	_ =	sdelay $0x3  }
0x34: {  	[smem:$0x3FB7] =	sst s10  }
0x35: {  	s10 =	sld [smem:$0x3FB6];
	_ =	sdelay $0x3  }
0x36: {  	p1 =	seq.s32 s10, $0x1;
	s10 =	sld [smem:$0x3FB7];
	_ =	sdelay $0x3  }
0x37: {  	[smem:$0x3FB7] =	sst s10  }
0x38: {  	s10 =	sld [smem:$0x3FB8]  }
0x39: {  	_ = 	snop;
	(pc) =	sbr.ind lr, $3  }
0x3a: {  	_ = 	snop  }
0x3b: {  	_ = 	snop  }
0x3c: {  	p2 =	seq.s32 s10, $0x1;
	s10 =	sld [smem:$0x3FB7]  }
0x3d: {  	_ =	shalt  }
0x3e: {  	_ =	shalt  }
0x3f: {  	_ =	shalt  }
0x40: {  	_ =	shalt  }
0x41: {  	_ =	shalt  }
0x42: {  	_ =	shalt  }
0x43: {  	_ =	shalt  }
0x44: {  	_ =	shalt  }
0x45: {  	_ =	shalt  }
0x46: {  	_ =	shalt  }
0x47: {  	_ =	shalt  }
0x48: {  	_ =	shalt  }
0x49: {  	_ =	shalt  }
0x4a: {  	_ =	shalt  }
0x4b: {  	_ =	shalt  }
0x4c: {  	_ =	shalt  }
0x4d: {  	_ =	shalt  }
0x4e: {  	_ =	shalt  }
0x4f: {  	_ =	shalt  }
0x50: {  	_ =	shalt  }
0x51: {  	_ =	shalt  }
0x52: {  	_ =	shalt  }
0x53: {  	_ =	shalt  }
0x54: {  	_ =	shalt  }
0x55: {  	_ =	shalt  }
0x56: {  	_ =	shalt  }
0x57: {  	_ =	shalt  }
0x58: {  	_ =	shalt  }
0x59: {  	_ =	shalt  }
0x5a: {  	_ =	shalt  }
0x5b: {  	_ =	shalt  }
0x5c: {  	_ =	shalt  }
0x5d: {  	_ =	shalt  }
0x5e: {  	_ =	shalt  }
0x5f: {  	_ =	shalt  }
0x60: {  	_ =	shalt  }
0x61: {  	_ =	shalt  }
0x62: {  	_ =	shalt  }
0x63: {  	_ =	shalt  }
0x64: {  	_ =	shalt  }
0x65: {  	_ =	shalt  }
0x66: {  	_ =	shalt  }
0x67: {  	_ =	shalt  }
0x68: {  	_ =	shalt  }
0x69: {  	_ =	shalt  }
0x6a: {  	_ =	shalt  }
0x6b: {  	_ =	shalt  }
0x6c: {  	_ =	shalt  }
0x6d: {  	_ =	shalt  }
0x6e: {  	_ =	shalt  }
0x6f: {  	_ =	shalt  }
0x70: {  	_ =	shalt  }
0x71: {  	_ =	shalt  }
0x72: {  	_ =	shalt  }
0x73: {  	_ =	shalt  }
0x74: {  	_ =	shalt  }
0x75: {  	_ =	shalt  }
0x76: {  	_ =	shalt  }
0x77: {  	_ =	shalt  }
0x78: {  	_ =	shalt  }
0x79: {  	_ =	shalt  }
0x7a: {  	_ =	shalt  }
0x7b: {  	_ =	shalt  }
0x7c: {  	_ =	shalt  }
0x7d: {  	_ =	shalt  }
0x7e: {  	_ =	shalt  }
0x7f: {  	_ =	shalt  }
0x80: {  	_ =	shalt  }
0x81: {  	_ =	shalt  }
0x82: {  	_ =	shalt  }
0x83: {  	_ =	shalt  }
0x84: {  	_ =	shalt  }
0x85: {  	_ =	shalt  }
0x86: {  	_ =	shalt  }
0x87: {  	_ =	shalt  }
.Lfunc_end0:
.L_simem_size_0:
called_computation.2_lowered:
.L_overlay_start_0:
0x88: {  	s2 =	sld [smem:$0x3FD9]  }
0x89: {  	s3 =	sld [smem:$0x3FFE];
	_ =	sdelay $0x1  }
0x8a: {  	s1 =	srdreg.scid  }
0x8b: {  	s0 =	sand.u32 $0x1, s1  }
0x8c: {  	s16 =	sshll.u32 s0, $0xA;
	s2 =	sadd.s32 s3, s2  }
0x8d: {  	s2 =	sadd.s32 s2, s16  }
0x8e: {  	[smem:$0x3FC3] =	sst s2  }
0x8f: {  	_ = 	snop  }
0x90: {  	(tm) =	ssettm $0x1  }
0x91: {  	s17 =	sld [smem:$0x3FFB];
	_ =	sdelay $0x3  }
0x92: {  	_ =	strace s17  }
0x93: {  	s2 =	sld [smem:$0x3FFC];
	_ =	sdelay $0x3  }
0x94: {  	_ =	strace s2  }
0x95: {  	s2 =	sld [smem:$0x3FFD];
	_ =	sdelay $0x3  }
0x96: {  	_ =	strace s2  }
0x97: {  	_ =	strace $0x8FFFFFFF  }
0x98: {  	s18 =	sld [smem:$0x3FDB];
	_ =	sdelay $0x1  }
0x99: {  	s19 =	simm.s32 $_scs_section_size  }
0x9a: {  	s4 =	simm.s32 $_size__tile_overlayer_lowered;
	s5 =	simm.s32 $_tile_overlayer_lowered  }
0x9b: {  	s22 =	simm.s32 $0x1BFF;
	s21 =	sshll.u32 s5, $0x1;
	s2 =	sadd.s32 s19, s18  }
0x9c: {  	s6 =	simm.s32 $0x0;
	s20 =	sshll.u32 s4, $0x1;
	s4 =	sadd.s32 s21, s2  }
0x9d: {  	[timem:s6], [sflag:s22] =	dma.local [hbm:s4], s20  }
0x9e: {  	_ =	swait.ge [sflag:s22], s20  }
0x9f: {  	s3 =	ssub.s32 $0x0, s20;
	[sflag:s22] =	ssyncset.done $0x0  }
0xa0: {  	[sflag:s22] =	ssyncadd.s32 s3;
	_ =	sdelay $0x1  }
0xa1: {  	s23 =	simm.s32 $0x1B8B  }
0xa2: {  	_ =	swait.ge [sflag:s23], $0x1  }
0xa3: {  	[sflag:s23] =	ssyncset.done $0x0  }
0xa4: {  	s25 =	simm.s32 $0x1B8E;
	s24 =	sld [smem:$0x3FFE];
	[sflag:s23] =	ssyncadd.s32 $0xFFFFFFFF  }
0xa5: {  	s26 =	simm.s32 $execute0_lowered;
	[smem:$0x3FD2] =	sst s25  }
0xa6: {  	s4 =	sshll.u32 s26, $0x1;
	_ =	strace $0x8000004C;
	[dreg:$0x1] =	wrdreg $0xFFFFFFFF  }
0xa7: {  	s28 =	simm.s32 $_size_execute0_lowered;
	s2 =	sadd.s32 s2, s4;
	[dreg:$0x0] =	wrdreg $0x0  }
0xa8: {  	s4 =	sshll.u32 s28, $0x1;
	[dreg:$0x2] =	wrdreg s2  }
0xa9: {  	[dreg:$0x3] =	wrdreg s4  }
0xaa: {  	[dreg:$0x4] =	wrdreg $0xC0  }
0xab: {  	_ =	task [dreg:s6], $0x5FFFF  }
0xac: {  	[dreg:$0x1] =	wrdreg $0xFFFFFFFF  }
0xad: {  	[dreg:$0x0] =	wrdreg $0x60  }
0xae: {  	[dreg:$0x2] =	wrdreg s24  }
0xaf: {  	[dreg:$0x3] =	wrdreg $0x9  }
0xb0: {  	_ =	task.clear_ibuf [dreg:s6], $0x4FFFF;
	_ =	strace $0x9000004C  }
0xb1: {  	s29 =	simm.s32 $0x9;
	_ =	strace $0x8000004E  }
0xb2: {  	_ =	swait.ge [sflag:s29], $0x1  }
0xb3: {  	[sflag:s29] =	ssyncadd.s32 $0xFFFFFFFF  }
0xb4: {  	_ =	strace $0x9000004E  }
0xb5: {  	_ =	sfence  }
0xb6: {  	s30 =	sld [smem:$0x0];
	_ =	sdelay $0x2  }
0xb7: {  	s31 =	sshll.u32 s1, $0xD;
	s1 =	sshrl.u32 s1, $0x2  }
0xb8: {  	s3 =	sand.u32 $0x4000, s31;
	s1 =	sadd.s32 s1, s30  }
0xb9: {  	s0 =	sor.u32 s3, s0;
	s1 =	sshll.u32 s1, $0x11  }
0xba: {  	s0 =	sor.u32 s1, s0  }
0xbb: {  	s0 =	sadd.s32 $0x8F2B, s0  }
0xbc: {  	[sflag:s0] =	ssyncadd.remote.s32 $0x1  }
0xbd: {  	_ =	sfence.sel $0xFFFF  }
0xbe: {  	[dreg:$0x0] =	wrdreg $0xFFFFFFFF;
	(pc) =	sbr.abs _section_cstart, $3  }
0xbf: {  	[dreg:$0x1] =	wrdreg $0xFFFFFFFF  }
0xc0: {  	_ =	task.clear_ibuf [dreg:s6], $0x2FFFF;
	_ =	strace $0x9FFFFFFF  }
0xc1: {  	(tm) =	ssettm $0x7FFFFFFF  }
tec
execute0_lowered:
.L_overlay_start_1:
0x0: {  	(tag) =	ssettag $0x1  }
0x1: {  	s0 =	srdreg.scid  }
0x2: {  	s2 =	stileid.u32;
	s1 =	rddreg [dreg:$0x0]  }
0x3: {  	s14 =	simm.s32 $0x40;
	s16 =	simm.s32 $0x5;
	s17 =	simm.s32 $0x140  }
0x4: {  	s18 =	simm.s32 $0x19C0;
	s19 =	simm.s32 $0x1A80;
	s20 =	simm.s32 $0x1A00  }
0x5: {  	s21 =	simm.s32 $0x3A80;
	s28 =	simm.s32 $0x6280;
	s29 =	simm.s32 $0x3  }
0x6: {  	s30 =	simm.s32 $0x4;
	s0 =	sand.u32 $0x1, s0;
	s3 =	sshll.u32 s2, $0x7  }
0x7: {  	s2 =	simm.s32 $0x0;
	s4 =	sshll.u32 s0, $0x6;
	s0 =	ssub.s32 $0x2, s0  }
0x8: {  	[smem:$0x7FF] =	sst s2;
	s3 =	sor.u32 s4, s3;
	s8 =	sshrl.u32 s0, $0x1  }
0x9: {  	_ =	strace $0x8000004D;
	s5 =	sshrl.u32 s3, $0x3;
	s0 =	ssub.s32 s0, s8  }
0xa: {  	s22 =	sshll.u32 s3, $0x4;
	s6 =	sadd.s32 s5, s1;
	s0 =	smax.u32 s0, $0x1  }
0xb: {  	s5 =	sadd.s32 $0x107A00, s1;
	s7 =	sadd.s32 $0x101200, s6;
	[dreg:$0x7] =	wrdreg s0  }
0xc: {  	s23 =	sadd.s32 $0x101800, s6;
	[dreg:$0x2] =	wrdreg s7;
	s7 =	sadd.s32 s5, s22  }
0xd: {  	s31 =	simm.s32 $0x0;
	[dreg:$0x3] =	wrdreg s23;
	s24 =	sadd.s32 $0x8000, s7  }
0xe: {  	v0 =	vlaneseq.u32;
	s4 =	sadd.s32 $0x1200, s1;
	s25 =	sadd.s32 $0x178300, s7;
	[dreg:$0x4] =	wrdreg s24  }
0xf: {  	v6 =	vimm.s32 $0x0;
	v7 =	vimm.s32 $0x80;
	v1 =	vor.u32 $0x40, v0;
	s10 =	sshll.u32 s3, $0x8;
	s26 =	sadd.s32 $0x180300, s7;
	[dreg:$0x5] =	wrdreg s25  }
0x10: {  	v2 =	vor.u32 $0x80, v0;
	v3 =	vor.u32 $0xC0, v0;
	v4 =	vor.u32 $0x100, v0;
	s22 =	simm.s32 $0x1;
	s23 =	simm.s32 $0x1A40;
	[dreg:$0x6] =	wrdreg s26  }
0x11: {  	v5 =	vor.u32 $0xC40, v0;
	v8 =	vor.u32 $0xC80, v0;
	v9 =	vor.u32 $0xCC0, v0;
	s24 =	simm.s32 $0x5A80;
	s25 =	simm.s32 $0x2;
	s26 =	simm.s32 $0x1A60  }
.LBB2_1:
0x12: {  	s0 =	rddreg [dreg:$0x2];
	s1 =	simm.s32 $0x800  }
0x13: {  	[tilespmem:s2], [sflag:$0x5] =	stream.strided.gather [hbm4b:s0+s14], $0x140, s1, s14, $0x38;
	[tilespmem:$0x6A80] =	vst v63  }
0x14: {  	_ =	swait.ge [sflag:s16], $0x140  }
0x15: {  	[sflag:s16] =	ssyncset.done $0x0  }
0x16: {  	s15 =	rddreg [dreg:$0x3];
	[sflag:s16] =	ssyncadd.s32 $0xFFFFFEC0  }
0x17: {  	[tilespmem:s17], [sflag:$0x5] =	stream.strided.gather [hbm4b:s15+s14], $0x1880, s1, s14, $0x38;
	[tilespmem:$0x6A80] =	vst v63  }
0x18: {  	_ =	swait.ge [sflag:s16], $0x1880  }
0x19: {  	[sflag:s16] =	ssyncset.done $0x0  }
0x1a: {  	[sflag:s16] =	ssyncadd.s32 $0xFFFFE780  }
0x1b: {  	v10 =	vld.idx.msk [tilespmem:v0+s2+$0x0], $0xffff  }
0x1c: {  	v11 =	vld.idx.msk [tilespmem:v2+s2+$0x0], $0xffff  }
0x1d: {  	v12 =	vld.idx.msk [tilespmem:v0+s17+$0x0], $0xffff  }
0x1e: {  	v13 =	vld.idx.msk [tilespmem:v3+s2+$0x0], $0xffff  }
0x1f: {  	v14 =	vld.idx.msk [tilespmem:v5+s17+$0x0], $0xffff;
	_ =	sdelay $0x1  }
0x20: {  	v15 =	vld.idx.msk [tilespmem:v1+s2+$0x0], $0xffff  }
0x21: {  	v11 =	vmul.f32 v12, v11;
	_ =	sdelay $0x1  }
0x22: {  	v12 =	vld.idx.msk [tilespmem:v4+s2+$0x0], $0xffff;
	v10 =	vadd.f32 v11, v10;
	v11 =	vmul.f32 v14, v13;
	_ =	sdelay $0x1  }
0x23: {  	v11 =	vadd.f32 v11, v15  }
0x24: {  	v13 =	vmax.f32 v10, $0.0e+00  }
0x25: {  	v13 =	vmin.f32 v13, $1.270000000e+02;
	v14 =	vmax.f32 v11, $0.0e+00  }
0x26: {  	v12 =	vtrunc.f32 v12;
	v13 =	vtrunc.f32 v13;
	v14 =	vmin.f32 v14, $1.270000000e+02  }
0x27: {  	v13 =	vcvt.f32.s32 v13;
	v14 =	vtrunc.f32 v14  }
0x28: {  	v12 =	vcvt.f32.s32 v12;
	v14 =	vcvt.f32.s32 v14  }
0x29: {  	v15 =	vcvt.s32.f32 v13;
	vm0 =	vlt.s32 v13, $0x7F  }
0x2a: {  	v12 =	vadd.s32 v12, v13;
	v13 =	vsel vm0, $0x1, v6;
	v16 =	vshll.u32 v14, $0x7  }
0x2b: {  	vm1 =	vgt.s32 v14, $0x7E;
	v14 =	vcvt.s32.f32 v14;
	v12 =	vadd.s32 v16, v12  }
0x2c: {  	v10 =	vsub.f32 v10, v15;
	v16 =	vsel vm1, $0x0, v7;
	[tilespmem:$0x19C0] =	vst v12;
	v17 =	vadd.s32 v13, v12  }
0x2d: {  	v12 =	vadd.s32 v16, v12;
	[tilespmem:$0x19D0] =	vst v17  }
0x2e: {  	v11 =	vsub.f32 v11, v14;
	v10 =	vnsel vm0, $0x0, v10;
	[tilespmem:$0x19E0] =	vst v12  }
0x2f: {  	v12 =	vadd.s32 v13, v12;
	[tilespmem:$0x1A40] =	vst v10  }
0x30: {  	[tilespmem:$0x19F0] =	vst v12;
	v11 =	vsel vm1, $0x0, v11  }
0x31: {  	[tilespmem:$0x1A50] =	vst v11  }
0x32: {  	[tilespmem:s19], [sflag:$0x1] =	stream.indirect.gather [hbm4b:s4+s14], $0x80, s18, s14, $0xb8;
	[tilespmem:$0x6A80] =	vst v63  }
0x33: {  	v10 =	vld.idx.msk [tilespmem:v0+s2+$0x0], $0xffff  }
0x34: {  	v11 =	vld.idx.msk [tilespmem:v2+s2+$0x0], $0xffff  }
0x35: {  	v12 =	vld.idx.msk [tilespmem:v1+s17+$0x0], $0xffff  }
0x36: {  	v13 =	vld.idx.msk [tilespmem:v3+s2+$0x0], $0xffff  }
0x37: {  	v14 =	vld.idx.msk [tilespmem:v8+s17+$0x0], $0xffff;
	_ =	sdelay $0x1  }
0x38: {  	v15 =	vld.idx.msk [tilespmem:v1+s2+$0x0], $0xffff  }
0x39: {  	v11 =	vmul.f32 v12, v11;
	_ =	sdelay $0x1  }
0x3a: {  	v12 =	vld.idx.msk [tilespmem:v4+s2+$0x0], $0xffff;
	v10 =	vadd.f32 v11, v10;
	v11 =	vmul.f32 v14, v13;
	_ =	sdelay $0x1  }
0x3b: {  	v11 =	vadd.f32 v11, v15  }
0x3c: {  	v13 =	vmax.f32 v10, $0.0e+00  }
0x3d: {  	v13 =	vmin.f32 v13, $1.270000000e+02;
	v14 =	vmax.f32 v11, $0.0e+00  }
0x3e: {  	v12 =	vtrunc.f32 v12;
	v13 =	vtrunc.f32 v13;
	v14 =	vmin.f32 v14, $1.270000000e+02  }
0x3f: {  	v13 =	vcvt.f32.s32 v13;
	v14 =	vtrunc.f32 v14  }
0x40: {  	v12 =	vcvt.f32.s32 v12;
	v14 =	vcvt.f32.s32 v14  }
0x41: {  	v15 =	vcvt.s32.f32 v13;
	vm14 =	vlt.s32 v13, $0x7F  }
0x42: {  	v12 =	vadd.s32 v12, v13;
	v13 =	vsel vm14, $0x1, v6;
	v16 =	vshll.u32 v14, $0x7  }
0x43: {  	vm15 =	vgt.s32 v14, $0x7E;
	v14 =	vcvt.s32.f32 v14;
	v12 =	vadd.s32 v16, v12  }
0x44: {  	v10 =	vsub.f32 v10, v15;
	v16 =	vsel vm15, $0x0, v7;
	[tilespmem:$0x1A00] =	vst v12;
	v17 =	vadd.s32 v13, v12  }
0x45: {  	v12 =	vadd.s32 v16, v12;
	[tilespmem:$0x1A10] =	vst v17  }
0x46: {  	v11 =	vsub.f32 v11, v14;
	v10 =	vnsel vm14, $0x0, v10;
	[tilespmem:$0x1A20] =	vst v12  }
0x47: {  	v12 =	vadd.s32 v13, v12;
	[tilespmem:$0x1A60] =	vst v10  }
0x48: {  	[tilespmem:$0x1A30] =	vst v12;
	v11 =	vsel vm15, $0x0, v11  }
0x49: {  	[tilespmem:$0x1A70] =	vst v11  }
0x4a: {  	[tilespmem:s21], [sflag:$0x2] =	stream.indirect.gather [hbm4b:s4+s14], $0x80, s20, s14, $0xb8;
	[tilespmem:$0x6A80] =	vst v63  }
0x4b: {  	_ =	swait.ge [sflag:s22], $0x2000  }
0x4c: {  	[sflag:s22] =	ssyncset.done $0x0  }
0x4d: {  	s0 =	simm.s32 $0x2A80;
	[sflag:s22] =	ssyncadd.s32 $0xFFFFE000  }
0x4e: {  	v17 =	vld [tilespmem:s0+$0x0]  }
0x4f: {  	v12 =	vld [tilespmem:s0+$0xFFFFF000]  }
0x50: {  	v14 =	vld [tilespmem:s0+$0xFFFFF800]  }
0x51: {  	v19 =	vld [tilespmem:s0+$0x800]  }
0x52: {  	v16 =	vld [tilespmem:s0+$0x820]  }
0x53: {  	v23 =	vld [tilespmem:s0+$0x20]  }
0x54: {  	v22 =	vld [tilespmem:s0+$0xFFFFF820]  }
0x55: {  	v18 =	vld [tilespmem:s0+$0x850]  }
0x56: {  	v11 =	vld [tilespmem:s0+$0x50]  }
0x57: {  	v20 =	vld [tilespmem:s0+$0xFFFFF850]  }
0x58: {  	v21 =	vld [tilespmem:s0+$0xFFFFF870]  }
0x59: {  	v28 =	vld [tilespmem:s0+$0xFFFFF050]  }
0x5a: {  	v24 =	vld [tilespmem:s0+$0x810]  }
0x5b: {  	v10 =	vld [tilespmem:s0+$0x10]  }
0x5c: {  	v29 =	vld [tilespmem:s0+$0xFFFFF070]  }
0x5d: {  	v25 =	vld [tilespmem:s0+$0xFFFFF830]  }
0x5e: {  	v26 =	vmov s2;
	v27 =	vld [tilespmem:s0+$0xFFFFF810]  }
0x5f: {  	v30 =	vld [tilespmem:s0+$0xFFFFF010]  }
0x60: {  	v31 =	vld [tilespmem:s0+$0x870]  }
0x61: {  	v13 =	vld [tilespmem:s0+$0x70]  }
0x62: {  	v32 =	vld [tilespmem:s0+$0xFFFFF860]  }
0x63: {  	v33 =	vld.idx.msk [tilespmem:v26+s23+$0x0], $0xffff  }
0x64: {  	v15 =	vld [tilespmem:s0+$0xFFFFF060]  }
0x65: {  	v35 =	vld [tilespmem:s0+$0xFFFFF840];
	v26 =	vor.u32 $0x10, v26  }
0x66: {  	v38 =	vld [tilespmem:s0+$0xFFFFF040];
	v34 =	vsub.bf16 v16, v23  }
0x67: {  	v41 =	vld [tilespmem:s0+$0xFFFFF020];
	v36 =	vsub.bf16 v14, v12;
	v37 =	vsub.bf16 v18, v11  }
0x68: {  	v39 =	vsub.bf16 v20, v28;
	v16 =	vld [tilespmem:s0+$0xFFFFF030];
	v40 =	vsub.bf16 v21, v29  }
0x69: {  	v20 =	vsub.bf16 v31, v13;
	v21 =	vsub.bf16 v27, v30;
	v31 =	vld [tilespmem:s0+$0x830]  }
0x6a: {  	v14 =	vsub.bf16 v24, v10;
	v18 =	vpack.i.f32.bf16 v33, v33;
	v24 =	vsub.bf16 v32, v15;
	v56 =	vld.idx.msk [tilespmem:v26+s23+$0x0], $0xffff  }
0x6b: {  	v19 =	vsub.bf16 v19, v17;
	v27 =	vmul.bf16 v36, v18;
	v26 =	vmul.bf16 v21, v18;
	v21 =	vld [tilespmem:s0+$0x30]  }
0x6c: {  	v57 =	vsub.bf16 v35, v38;
	v22 =	vsub.bf16 v22, v41;
	v20 =	vmul.bf16 v20, v18  }
0x6d: {  	v42 =	vld [tilespmem:s0+$0x860];
	v19 =	vmul.bf16 v19, v18;
	v59 =	vmul.bf16 v39, v18;
	v27 =	vadd.bf16 v27, v12  }
0x6e: {  	v60 =	vmul.bf16 v22, v18;
	v12 =	vadd.bf16 v26, v30;
	v58 =	vsub.bf16 v25, v16;
	v25 =	vld [tilespmem:s0+$0x60]  }
0x6f: {  	v30 =	vmul.bf16 v40, v18;
	v19 =	vadd.bf16 v19, v17;
	v22 =	vadd.bf16 v59, v28;
	v28 =	vld [tilespmem:s0+$0x40]  }
0x70: {  	v24 =	vmul.bf16 v24, v18;
	v62 =	vmul.bf16 v34, v18;
	v63 =	vsub.bf16 v31, v21;
	v31 =	vld [tilespmem:s0+$0x840]  }
0x71: {  	v61 =	vmul.bf16 v57, v18;
	v17 =	vadd.bf16 v30, v29;
	v29 =	vsub.bf16 v19, v27  }
0x72: {  	v26 =	vmul.bf16 v37, v18;
	v35 =	vadd.bf16 v62, v23;
	v19 =	vpack.i.f32.bf16 v56, v56  }
0x73: {  	v23 =	vadd.bf16 v61, v38;
	v33 =	vmul.bf16 v29, v19;
	v34 =	vsub.bf16 v42, v25  }
0x74: {  	s6 =	simm.s32 $0x5AC0;
	s8 =	simm.s32 $0x1;
	s1 =	simm.s32 $0x5AC0;
	v30 =	vmul.bf16 v58, v18;
	v29 =	vadd.bf16 v60, v41;
	v32 =	vmul.bf16 v63, v18  }
.LBB2_2:
0x75: {  	p0 =	sne.s32 s8, $0xF;
	v27 =	vadd.bf16 v33, v27;
	v31 =	vsub.bf16 v31, v28;
	v33 =	vmul.bf16 v34, v18;
	s0 =	sadd.s32 $0x80, s0;
	s6 =	sadd.s32 $0x80, s6  }
0x76: {  	v14 =	vmul.bf16 v14, v18;
	v15 =	vadd.bf16 v24, v15;
	s9 =	smov.u32 s8;
	s8 =	sadd.s32 $0x1, s8;
	v34 =	vsub.bf16 v35, v29  }
0x77: {  	v13 =	vadd.bf16 v20, v13;
	[tilespmem:s1+$0xFFFFFFC0] =	vst v27;
	v18 =	vmul.bf16 v31, v18;
	v24 =	vadd.bf16 v33, v25  }
0x78: {  	v16 =	vadd.bf16 v30, v16;
	v11 =	vadd.bf16 v26, v11;
	v20 =	vmul.bf16 v34, v19  }
0x79: {  	v21 =	vadd.bf16 v32, v21;
	v18 =	vadd.bf16 v18, v28  }
0x7a: {  	v11 =	vsub.bf16 v11, v22;
	v26 =	vld [tilespmem:s0+$0x0];
	v20 =	vadd.bf16 v20, v29  }
0x7b: {  	v24 =	vsub.bf16 v24, v15;
	v25 =	vld [tilespmem:s0+$0xFFFFF000];
	v18 =	vsub.bf16 v18, v23  }
0x7c: {  	v10 =	vadd.bf16 v14, v10;
	v13 =	vsub.bf16 v13, v17;
	v11 =	vmul.bf16 v11, v19;
	v27 =	vld [tilespmem:s0+$0xFFFFF800]  }
0x7d: {  	v14 =	vsub.bf16 v21, v16;
	v28 =	vld [tilespmem:s0+$0x800];
	[tilespmem:s1+$0xFFFFFFE0] =	vst v20;
	v18 =	vmul.bf16 v18, v19;
	v20 =	vmul.bf16 v24, v19  }
0x7e: {  	v13 =	vmul.bf16 v13, v19;
	v11 =	vadd.bf16 v11, v22;
	v21 =	vld [tilespmem:s0+$0x820]  }
0x7f: {  	v10 =	vsub.bf16 v10, v12;
	v14 =	vmul.bf16 v14, v19;
	v32 =	vld [tilespmem:s0+$0x20];
	v15 =	vadd.bf16 v20, v15  }
0x80: {  	v13 =	vadd.bf16 v13, v17;
	v18 =	vadd.bf16 v18, v23;
	v22 =	vld [tilespmem:s0+$0xFFFFF820];
	[tilespmem:s1+$0x10] =	vst v11  }
0x81: {  	v10 =	vmul.bf16 v10, v19;
	v14 =	vadd.bf16 v14, v16;
	v17 =	vld [tilespmem:s0+$0x850];
	[tilespmem:s1+$0x20] =	vst v15  }
0x82: {  	v11 =	vld [tilespmem:s0+$0x50];
	[tilespmem:s1+$0x30] =	vst v13  }
0x83: {  	v10 =	vadd.bf16 v10, v12;
	v13 =	vld [tilespmem:s0+$0xFFFFF850];
	[tilespmem:s1+$0x0] =	vst v18  }
0x84: {  	v19 =	vsub.bf16 v21, v32;
	v12 =	vld [tilespmem:s0+$0xFFFFF870];
	[tilespmem:s1+$0xFFFFFFF0] =	vst v14  }
0x85: {  	v20 =	vsub.bf16 v27, v25;
	v23 =	vld [tilespmem:s0+$0xFFFFF050];
	[tilespmem:s1+$0xFFFFFFD0] =	vst v10;
	s1 =	smov.u32 s6  }
0x86: {  	v14 =	vld [tilespmem:s0+$0x810]  }
0x87: {  	v10 =	vld [tilespmem:s0+$0x10];
	v17 =	vsub.bf16 v17, v11  }
0x88: {  	v29 =	vld [tilespmem:s0+$0xFFFFF070]  }
0x89: {  	v30 =	vld [tilespmem:s0+$0xFFFFF830]  }
0x8a: {  	v15 =	vmov s9;
	v18 =	vld [tilespmem:s0+$0xFFFFF810]  }
0x8b: {  	v21 =	vor.u32 $0x10, v15;
	v33 =	vsub.bf16 v13, v23;
	v31 =	vld [tilespmem:s0+$0xFFFFF010]  }
0x8c: {  	v14 =	vsub.bf16 v14, v10;
	v16 =	vld [tilespmem:s0+$0x870]  }
0x8d: {  	v13 =	vld [tilespmem:s0+$0x70];
	v34 =	vsub.bf16 v12, v29  }
0x8e: {  	v12 =	vld [tilespmem:s0+$0xFFFFF860]  }
0x8f: {  	v24 =	vld.idx.msk [tilespmem:v15+s23+$0x0], $0xffff  }
0x90: {  	v15 =	vld [tilespmem:s0+$0xFFFFF060]  }
0x91: {  	v27 =	vld [tilespmem:s0+$0xFFFFF840]  }
0x92: {  	v36 =	vld [tilespmem:s0+$0xFFFFF040];
	v35 =	vsub.bf16 v16, v13  }
0x93: {  	v16 =	vld [tilespmem:s0+$0xFFFFF030]  }
0x94: {  	v37 =	vsub.bf16 v18, v31;
	v38 =	vld [tilespmem:s0+$0xFFFFF020]  }
0x95: {  	v28 =	vsub.bf16 v28, v26;
	v18 =	vpack.i.f32.bf16 v24, v24;
	v39 =	vld [tilespmem:s0+$0x860];
	v12 =	vsub.bf16 v12, v15  }
0x96: {  	v40 =	vmul.bf16 v20, v18;
	v20 =	vmul.bf16 v35, v18;
	v41 =	vld [tilespmem:s0+$0x830]  }
0x97: {  	v37 =	vmul.bf16 v37, v18;
	v35 =	vld.idx.msk [tilespmem:v21+s23+$0x0], $0xffff;
	v42 =	vsub.bf16 v27, v36;
	v24 =	vmul.bf16 v12, v18  }
0x98: {  	v28 =	vmul.bf16 v28, v18;
	v27 =	vadd.bf16 v40, v25;
	v21 =	vld [tilespmem:s0+$0x30];
	v30 =	vsub.bf16 v30, v16  }
0x99: {  	v34 =	vmul.bf16 v34, v18;
	v12 =	vadd.bf16 v37, v31;
	v22 =	vsub.bf16 v22, v38;
	v25 =	vld [tilespmem:s0+$0x60]  }
0x9a: {  	v33 =	vmul.bf16 v33, v18;
	v37 =	vadd.bf16 v28, v26;
	v26 =	vmul.bf16 v17, v18;
	v31 =	vld [tilespmem:s0+$0x840]  }
.Ltmp0:
0x9b: {  	v17 =	vadd.bf16 v34, v29;
	v42 =	vmul.bf16 v42, v18;
	v40 =	vmul.bf16 v22, v18;
	v28 =	vld [tilespmem:s0+$0x40];
	(pc) =	sbr.rel @p0 .LBB2_2-.Ltmp0, $4  }
0x9c: {  	v29 =	vsub.bf16 v37, v27;
	v37 =	vmul.bf16 v19, v18;
	v30 =	vmul.bf16 v30, v18  }
0x9d: {  	v22 =	vadd.bf16 v33, v23;
	v19 =	vpack.i.f32.bf16 v35, v35;
	v41 =	vsub.bf16 v41, v21  }
0x9e: {  	v33 =	vmul.bf16 v29, v19;
	v29 =	vadd.bf16 v40, v38;
	v34 =	vsub.bf16 v39, v25  }
0x9f: {  	v23 =	vadd.bf16 v42, v36;
	v35 =	vadd.bf16 v37, v32;
	v32 =	vmul.bf16 v41, v18  }
0xa0: {  	v27 =	vadd.bf16 v33, v27;
	v31 =	vsub.bf16 v31, v28  }
0xa1: {  	v50 =	vmul.bf16 v34, v18;
	v15 =	vadd.bf16 v24, v15;
	v11 =	vadd.bf16 v26, v11  }
0xa2: {  	v13 =	vadd.bf16 v20, v13;
	v16 =	vadd.bf16 v30, v16  }
0xa3: {  	v14 =	vmul.bf16 v14, v18;
	v51 =	vsub.bf16 v35, v29;
	v24 =	vadd.bf16 v50, v25  }
0xa4: {  	v21 =	vadd.bf16 v32, v21;
	v25 =	vmul.bf16 v31, v18;
	v11 =	vsub.bf16 v11, v22  }
0xa5: {  	v10 =	vadd.bf16 v14, v10;
	v20 =	vmul.bf16 v51, v19;
	v24 =	vsub.bf16 v24, v15  }
0xa6: {  	v13 =	vsub.bf16 v13, v17;
	v18 =	vadd.bf16 v25, v28;
	v11 =	vmul.bf16 v11, v19  }
0xa7: {  	v10 =	vsub.bf16 v10, v12;
	v20 =	vadd.bf16 v20, v29;
	v14 =	vmul.bf16 v24, v19  }
0xa8: {  	[tilespmem:s1+$0xFFFFFFC0] =	vst v27;
	v13 =	vmul.bf16 v13, v19;
	v18 =	vsub.bf16 v18, v23;
	v11 =	vadd.bf16 v11, v22  }
0xa9: {  	v21 =	vsub.bf16 v21, v16;
	v10 =	vmul.bf16 v10, v19;
	[tilespmem:s1+$0xFFFFFFE0] =	vst v20;
	v14 =	vadd.bf16 v14, v15  }
0xaa: {  	v18 =	vmul.bf16 v18, v19;
	[tilespmem:s1+$0x10] =	vst v11;
	v11 =	vadd.bf16 v13, v17  }
0xab: {  	v15 =	vmul.bf16 v21, v19;
	v10 =	vadd.bf16 v10, v12;
	[tilespmem:s1+$0x20] =	vst v14  }
0xac: {  	v13 =	vadd.bf16 v18, v23;
	[tilespmem:s1+$0x30] =	vst v11  }
0xad: {  	v14 =	vadd.bf16 v15, v16;
	[tilespmem:s1+$0xFFFFFFD0] =	vst v10  }
0xae: {  	[tilespmem:s1+$0x0] =	vst v13  }
0xaf: {  	s15 =	simm.s32 $0x0;
	[tilespmem:s1+$0xFFFFFFF0] =	vst v14  }
0xb0: {  	[hbm4b:s7+s15] =	stream.linear.scatter [tilespmem:s24], [sflag:$0x3], $0x800, $0x38;
	[tilespmem:$0x6A80] =	vst v63  }
0xb1: {  	v10 =	vld.idx.msk [tilespmem:v0+s15+$0x0], $0xffff  }
0xb2: {  	v11 =	vld.idx.msk [tilespmem:v2+s15+$0x0], $0xffff  }
0xb3: {  	v12 =	vld.idx.msk [tilespmem:v2+s17+$0x0], $0xffff  }
0xb4: {  	v13 =	vld.idx.msk [tilespmem:v3+s15+$0x0], $0xffff  }
0xb5: {  	v14 =	vld.idx.msk [tilespmem:v9+s17+$0x0], $0xffff;
	_ =	sdelay $0x1  }
0xb6: {  	v15 =	vld.idx.msk [tilespmem:v1+s15+$0x0], $0xffff  }
0xb7: {  	v11 =	vmul.f32 v12, v11;
	_ =	sdelay $0x1  }
0xb8: {  	v12 =	vld.idx.msk [tilespmem:v4+s15+$0x0], $0xffff;
	v10 =	vadd.f32 v11, v10;
	v11 =	vmul.f32 v14, v13;
	_ =	sdelay $0x1  }
0xb9: {  	v11 =	vadd.f32 v11, v15  }
0xba: {  	v13 =	vmax.f32 v10, $0.0e+00  }
0xbb: {  	v13 =	vmin.f32 v13, $1.270000000e+02;
	v14 =	vmax.f32 v11, $0.0e+00  }
0xbc: {  	v12 =	vtrunc.f32 v12;
	v13 =	vtrunc.f32 v13;
	v14 =	vmin.f32 v14, $1.270000000e+02  }
0xbd: {  	v13 =	vcvt.f32.s32 v13;
	v14 =	vtrunc.f32 v14  }
0xbe: {  	v12 =	vcvt.f32.s32 v12;
	v14 =	vcvt.f32.s32 v14  }
0xbf: {  	v15 =	vcvt.s32.f32 v13;
	vm0 =	vlt.s32 v13, $0x7F  }
0xc0: {  	v12 =	vadd.s32 v12, v13;
	v13 =	vsel vm0, $0x1, v6;
	v16 =	vshll.u32 v14, $0x7  }
0xc1: {  	vm1 =	vgt.s32 v14, $0x7E;
	v14 =	vcvt.s32.f32 v14;
	v12 =	vadd.s32 v16, v12  }
0xc2: {  	v10 =	vsub.f32 v10, v15;
	v16 =	vsel vm1, $0x0, v7;
	[tilespmem:$0x19C0] =	vst v12;
	v17 =	vadd.s32 v13, v12  }
0xc3: {  	v12 =	vadd.s32 v16, v12;
	[tilespmem:$0x19D0] =	vst v17  }
0xc4: {  	v11 =	vsub.f32 v11, v14;
	v10 =	vnsel vm0, $0x0, v10;
	[tilespmem:$0x19E0] =	vst v12  }
0xc5: {  	v12 =	vadd.s32 v13, v12;
	[tilespmem:$0x1A40] =	vst v10  }
0xc6: {  	[tilespmem:$0x19F0] =	vst v12;
	v11 =	vsel vm1, $0x0, v11  }
0xc7: {  	[tilespmem:$0x1A50] =	vst v11  }
0xc8: {  	[tilespmem:s19], [sflag:$0x1] =	stream.indirect.gather [hbm4b:s4+s14], $0x80, s18, s14, $0xb8;
	[tilespmem:$0x6A80] =	vst v63  }
0xc9: {  	_ =	swait.ge [sflag:s25], $0x2000  }
0xca: {  	[sflag:s25] =	ssyncset.done $0x0  }
0xcb: {  	s0 =	simm.s32 $0x4A80;
	[sflag:s25] =	ssyncadd.s32 $0xFFFFE000  }
0xcc: {  	v17 =	vld [tilespmem:s0+$0x0]  }
0xcd: {  	v12 =	vld [tilespmem:s0+$0xFFFFF000]  }
0xce: {  	v14 =	vld [tilespmem:s0+$0xFFFFF800]  }
0xcf: {  	v19 =	vld [tilespmem:s0+$0x800]  }
0xd0: {  	v16 =	vld [tilespmem:s0+$0x820]  }
0xd1: {  	v23 =	vld [tilespmem:s0+$0x20]  }
0xd2: {  	v22 =	vld [tilespmem:s0+$0xFFFFF820]  }
0xd3: {  	v18 =	vld [tilespmem:s0+$0x850]  }
0xd4: {  	v11 =	vld [tilespmem:s0+$0x50]  }
0xd5: {  	v20 =	vld [tilespmem:s0+$0xFFFFF850]  }
0xd6: {  	v21 =	vld [tilespmem:s0+$0xFFFFF870]  }
0xd7: {  	v28 =	vld [tilespmem:s0+$0xFFFFF050]  }
0xd8: {  	v24 =	vld [tilespmem:s0+$0x810]  }
0xd9: {  	v10 =	vld [tilespmem:s0+$0x10]  }
0xda: {  	v29 =	vld [tilespmem:s0+$0xFFFFF070]  }
0xdb: {  	v25 =	vld [tilespmem:s0+$0xFFFFF830]  }
0xdc: {  	v26 =	vmov s15;
	v27 =	vld [tilespmem:s0+$0xFFFFF810]  }
0xdd: {  	v30 =	vld [tilespmem:s0+$0xFFFFF010]  }
0xde: {  	v31 =	vld [tilespmem:s0+$0x870]  }
0xdf: {  	v13 =	vld [tilespmem:s0+$0x70]  }
0xe0: {  	v52 =	vld [tilespmem:s0+$0xFFFFF860]  }
0xe1: {  	v53 =	vld.idx.msk [tilespmem:v26+s26+$0x0], $0xffff  }
0xe2: {  	v15 =	vld [tilespmem:s0+$0xFFFFF060]  }
0xe3: {  	v55 =	vld [tilespmem:s0+$0xFFFFF840];
	v26 =	vor.u32 $0x10, v26  }
0xe4: {  	v38 =	vld [tilespmem:s0+$0xFFFFF040];
	v54 =	vsub.bf16 v16, v23  }
0xe5: {  	v41 =	vld [tilespmem:s0+$0xFFFFF020];
	v36 =	vsub.bf16 v14, v12;
	v37 =	vsub.bf16 v18, v11  }
0xe6: {  	v39 =	vsub.bf16 v20, v28;
	v16 =	vld [tilespmem:s0+$0xFFFFF030];
	v40 =	vsub.bf16 v21, v29  }
0xe7: {  	v20 =	vsub.bf16 v31, v13;
	v21 =	vsub.bf16 v27, v30;
	v31 =	vld [tilespmem:s0+$0x830]  }
0xe8: {  	v14 =	vsub.bf16 v24, v10;
	v18 =	vpack.i.f32.bf16 v53, v53;
	v24 =	vsub.bf16 v52, v15;
	v56 =	vld.idx.msk [tilespmem:v26+s26+$0x0], $0xffff  }
0xe9: {  	v19 =	vsub.bf16 v19, v17;
	v27 =	vmul.bf16 v36, v18;
	v26 =	vmul.bf16 v21, v18;
	v21 =	vld [tilespmem:s0+$0x30]  }
0xea: {  	v57 =	vsub.bf16 v55, v38;
	v22 =	vsub.bf16 v22, v41;
	v20 =	vmul.bf16 v20, v18  }
0xeb: {  	v42 =	vld [tilespmem:s0+$0x860];
	v19 =	vmul.bf16 v19, v18;
	v59 =	vmul.bf16 v39, v18;
	v27 =	vadd.bf16 v27, v12  }
0xec: {  	v60 =	vmul.bf16 v22, v18;
	v12 =	vadd.bf16 v26, v30;
	v58 =	vsub.bf16 v25, v16;
	v25 =	vld [tilespmem:s0+$0x60]  }
0xed: {  	v30 =	vmul.bf16 v40, v18;
	v19 =	vadd.bf16 v19, v17;
	v22 =	vadd.bf16 v59, v28;
	v28 =	vld [tilespmem:s0+$0x40]  }
0xee: {  	v24 =	vmul.bf16 v24, v18;
	v62 =	vmul.bf16 v54, v18;
	v63 =	vsub.bf16 v31, v21;
	v31 =	vld [tilespmem:s0+$0x840]  }
0xef: {  	v61 =	vmul.bf16 v57, v18;
	v17 =	vadd.bf16 v30, v29;
	v29 =	vsub.bf16 v19, v27  }
0xf0: {  	v26 =	vmul.bf16 v37, v18;
	v35 =	vadd.bf16 v62, v23;
	v19 =	vpack.i.f32.bf16 v56, v56  }
0xf1: {  	v23 =	vadd.bf16 v61, v38;
	v33 =	vmul.bf16 v29, v19;
	v34 =	vsub.bf16 v42, v25  }
0xf2: {  	s6 =	simm.s32 $0x62C0;
	s8 =	simm.s32 $0x1;
	s1 =	simm.s32 $0x62C0;
	v30 =	vmul.bf16 v58, v18;
	v29 =	vadd.bf16 v60, v41;
	v32 =	vmul.bf16 v63, v18  }
.LBB2_4:
0xf3: {  	p0 =	sne.s32 s8, $0xF;
	v27 =	vadd.bf16 v33, v27;
	v31 =	vsub.bf16 v31, v28;
	v33 =	vmul.bf16 v34, v18;
	s0 =	sadd.s32 $0x80, s0;
	s6 =	sadd.s32 $0x80, s6  }
0xf4: {  	v14 =	vmul.bf16 v14, v18;
	v15 =	vadd.bf16 v24, v15;
	s9 =	smov.u32 s8;
	s8 =	sadd.s32 $0x1, s8;
	v34 =	vsub.bf16 v35, v29  }
0xf5: {  	v13 =	vadd.bf16 v20, v13;
	[tilespmem:s1+$0xFFFFFFC0] =	vst v27;
	v18 =	vmul.bf16 v31, v18;
	v24 =	vadd.bf16 v33, v25  }
0xf6: {  	v16 =	vadd.bf16 v30, v16;
	v11 =	vadd.bf16 v26, v11;
	v20 =	vmul.bf16 v34, v19  }
0xf7: {  	v21 =	vadd.bf16 v32, v21;
	v18 =	vadd.bf16 v18, v28  }
0xf8: {  	v11 =	vsub.bf16 v11, v22;
	v26 =	vld [tilespmem:s0+$0x0];
	v20 =	vadd.bf16 v20, v29  }
0xf9: {  	v24 =	vsub.bf16 v24, v15;
	v25 =	vld [tilespmem:s0+$0xFFFFF000];
	v18 =	vsub.bf16 v18, v23  }
0xfa: {  	v10 =	vadd.bf16 v14, v10;
	v13 =	vsub.bf16 v13, v17;
	v11 =	vmul.bf16 v11, v19;
	v27 =	vld [tilespmem:s0+$0xFFFFF800]  }
0xfb: {  	v14 =	vsub.bf16 v21, v16;
	v28 =	vld [tilespmem:s0+$0x800];
	[tilespmem:s1+$0xFFFFFFE0] =	vst v20;
	v18 =	vmul.bf16 v18, v19;
	v20 =	vmul.bf16 v24, v19  }
0xfc: {  	v13 =	vmul.bf16 v13, v19;
	v11 =	vadd.bf16 v11, v22;
	v21 =	vld [tilespmem:s0+$0x820]  }
0xfd: {  	v10 =	vsub.bf16 v10, v12;
	v14 =	vmul.bf16 v14, v19;
	v32 =	vld [tilespmem:s0+$0x20];
	v15 =	vadd.bf16 v20, v15  }
0xfe: {  	v13 =	vadd.bf16 v13, v17;
	v18 =	vadd.bf16 v18, v23;
	v22 =	vld [tilespmem:s0+$0xFFFFF820];
	[tilespmem:s1+$0x10] =	vst v11  }
0xff: {  	v10 =	vmul.bf16 v10, v19;
	v14 =	vadd.bf16 v14, v16;
	v17 =	vld [tilespmem:s0+$0x850];
	[tilespmem:s1+$0x20] =	vst v15  }
0x100: {  	v11 =	vld [tilespmem:s0+$0x50];
	[tilespmem:s1+$0x30] =	vst v13  }
0x101: {  	v10 =	vadd.bf16 v10, v12;
	v13 =	vld [tilespmem:s0+$0xFFFFF850];
	[tilespmem:s1+$0x0] =	vst v18  }
0x102: {  	v19 =	vsub.bf16 v21, v32;
	v12 =	vld [tilespmem:s0+$0xFFFFF870];
	[tilespmem:s1+$0xFFFFFFF0] =	vst v14  }
0x103: {  	v20 =	vsub.bf16 v27, v25;
	v23 =	vld [tilespmem:s0+$0xFFFFF050];
	[tilespmem:s1+$0xFFFFFFD0] =	vst v10;
	s1 =	smov.u32 s6  }
0x104: {  	v14 =	vld [tilespmem:s0+$0x810]  }
0x105: {  	v10 =	vld [tilespmem:s0+$0x10];
	v17 =	vsub.bf16 v17, v11  }
0x106: {  	v29 =	vld [tilespmem:s0+$0xFFFFF070]  }
0x107: {  	v30 =	vld [tilespmem:s0+$0xFFFFF830]  }
0x108: {  	v15 =	vmov s9;
	v18 =	vld [tilespmem:s0+$0xFFFFF810]  }
0x109: {  	v21 =	vor.u32 $0x10, v15;
	v33 =	vsub.bf16 v13, v23;
	v31 =	vld [tilespmem:s0+$0xFFFFF010]  }
0x10a: {  	v14 =	vsub.bf16 v14, v10;
	v16 =	vld [tilespmem:s0+$0x870]  }
0x10b: {  	v13 =	vld [tilespmem:s0+$0x70];
	v34 =	vsub.bf16 v12, v29  }
0x10c: {  	v12 =	vld [tilespmem:s0+$0xFFFFF860]  }
0x10d: {  	v24 =	vld.idx.msk [tilespmem:v15+s26+$0x0], $0xffff  }
0x10e: {  	v15 =	vld [tilespmem:s0+$0xFFFFF060]  }
0x10f: {  	v27 =	vld [tilespmem:s0+$0xFFFFF840]  }
0x110: {  	v36 =	vld [tilespmem:s0+$0xFFFFF040];
	v35 =	vsub.bf16 v16, v13  }
0x111: {  	v16 =	vld [tilespmem:s0+$0xFFFFF030]  }
0x112: {  	v37 =	vsub.bf16 v18, v31;
	v38 =	vld [tilespmem:s0+$0xFFFFF020]  }
0x113: {  	v28 =	vsub.bf16 v28, v26;
	v18 =	vpack.i.f32.bf16 v24, v24;
	v39 =	vld [tilespmem:s0+$0x860];
	v12 =	vsub.bf16 v12, v15  }
0x114: {  	v40 =	vmul.bf16 v20, v18;
	v20 =	vmul.bf16 v35, v18;
	v41 =	vld [tilespmem:s0+$0x830]  }
0x115: {  	v37 =	vmul.bf16 v37, v18;
	v35 =	vld.idx.msk [tilespmem:v21+s26+$0x0], $0xffff;
	v42 =	vsub.bf16 v27, v36;
	v24 =	vmul.bf16 v12, v18  }
0x116: {  	v28 =	vmul.bf16 v28, v18;
	v27 =	vadd.bf16 v40, v25;
	v21 =	vld [tilespmem:s0+$0x30];
	v30 =	vsub.bf16 v30, v16  }
0x117: {  	v34 =	vmul.bf16 v34, v18;
	v12 =	vadd.bf16 v37, v31;
	v22 =	vsub.bf16 v22, v38;
	v25 =	vld [tilespmem:s0+$0x60]  }
0x118: {  	v33 =	vmul.bf16 v33, v18;
	v37 =	vadd.bf16 v28, v26;
	v26 =	vmul.bf16 v17, v18;
	v31 =	vld [tilespmem:s0+$0x840]  }
.Ltmp1:
0x119: {  	v17 =	vadd.bf16 v34, v29;
	v42 =	vmul.bf16 v42, v18;
	v40 =	vmul.bf16 v22, v18;
	v28 =	vld [tilespmem:s0+$0x40];
	(pc) =	sbr.rel @p0 .LBB2_4-.Ltmp1, $4  }
0x11a: {  	v29 =	vsub.bf16 v37, v27;
	v37 =	vmul.bf16 v19, v18;
	v30 =	vmul.bf16 v30, v18  }
0x11b: {  	v22 =	vadd.bf16 v33, v23;
	v19 =	vpack.i.f32.bf16 v35, v35;
	v41 =	vsub.bf16 v41, v21  }
0x11c: {  	v33 =	vmul.bf16 v29, v19;
	v29 =	vadd.bf16 v40, v38;
	v34 =	vsub.bf16 v39, v25  }
0x11d: {  	v23 =	vadd.bf16 v42, v36;
	v35 =	vadd.bf16 v37, v32;
	v32 =	vmul.bf16 v41, v18  }
0x11e: {  	v27 =	vadd.bf16 v33, v27;
	v31 =	vsub.bf16 v31, v28  }
0x11f: {  	v15 =	vadd.bf16 v24, v15;
	v11 =	vadd.bf16 v26, v11  }
0x120: {  	v54 =	vmul.bf16 v34, v18;
	v13 =	vadd.bf16 v20, v13;
	v16 =	vadd.bf16 v30, v16  }
0x121: {  	v14 =	vmul.bf16 v14, v18;
	v55 =	vsub.bf16 v35, v29;
	v21 =	vadd.bf16 v32, v21  }
0x122: {  	v56 =	vadd.bf16 v54, v25;
	v57 =	vmul.bf16 v31, v18;
	v11 =	vsub.bf16 v11, v22  }
0x123: {  	v13 =	vsub.bf16 v13, v17;
	v58 =	vmul.bf16 v55, v19;
	v21 =	vsub.bf16 v21, v16  }
0x124: {  	v10 =	vadd.bf16 v14, v10;
	v24 =	vsub.bf16 v56, v15;
	v11 =	vmul.bf16 v11, v19  }
0x125: {  	v59 =	vadd.bf16 v57, v28;
	v20 =	vadd.bf16 v58, v29;
	v61 =	vmul.bf16 v21, v19  }
0x126: {  	[tilespmem:s1+$0xFFFFFFC0] =	vst v27;
	v10 =	vsub.bf16 v10, v12;
	v60 =	vmul.bf16 v24, v19;
	v11 =	vadd.bf16 v11, v22  }
0x127: {  	v13 =	vmul.bf16 v13, v19;
	v18 =	vsub.bf16 v59, v23;
	[tilespmem:s1+$0xFFFFFFE0] =	vst v20;
	v63 =	vadd.bf16 v61, v16  }
0x128: {  	v10 =	vmul.bf16 v10, v19;
	v14 =	vadd.bf16 v60, v15;
	[tilespmem:s1+$0x10] =	vst v11  }
0x129: {  	v18 =	vmul.bf16 v18, v19;
	v11 =	vadd.bf16 v13, v17;
	[tilespmem:s1+$0xFFFFFFF0] =	vst v63  }
0x12a: {  	v10 =	vadd.bf16 v10, v12;
	[tilespmem:s1+$0x20] =	vst v14  }
0x12b: {  	v62 =	vadd.bf16 v18, v23;
	[tilespmem:s1+$0x30] =	vst v11  }
0x12c: {  	[tilespmem:s1+$0xFFFFFFD0] =	vst v10  }
0x12d: {  	s0 =	rddreg [dreg:$0x4];
	[tilespmem:s1+$0x0] =	vst v62;
	s1 =	simm.s32 $0x1  }
0x12e: {  	[hbm4b:s0+s2] =	stream.linear.scatter [tilespmem:s28], [sflag:$0x4], $0x800, $0x38;
	[tilespmem:$0x6A80] =	vst v63  }
.LBB2_6:
0x12f: {  	s0 =	sshllo.u32 s1, $0x1  }
0x130: {  	s6 =	smul.u32 $0x4F, s0;
	_ =	sdelay $0x1  }
0x131: {  	s6 =	sshrl.u32 s6, $0x8  }
0x132: {  	s8 =	ssub.s32 s0, s6  }
0x133: {  	s8 =	sand.u32 $0xFE, s8  }
0x134: {  	s8 =	sshrl.u32 s8, $0x1  }
0x135: {  	s6 =	sadd.s32 s6, s8  }
0x136: {  	s6 =	sand.u32 $0xE0, s6  }
0x137: {  	s6 =	sshrl.u32 s6, $0x5  }
0x138: {  	s12 =	smul.u32 $0xFFFFFFCF, s6;
	_ =	sdelay $0x1  }
0x139: {  	s0 =	sadd.s32 s0, s12  }
0x13a: {  	s8 =	sshll.u32 s0, $0x6  }
0x13b: {  	s15 =	sshll.u32 s6, $0x4;
	v10 =	vmov s8  }
0x13c: {  	v11 =	vshrl.u32 v0, $0x3;
	v10 =	vadd.s32 s15, v10  }
0x13d: {  	v11 =	vmul.u32 $0x8, v11;
	v10 =	vbroadcast v10, $0x0  }
0x13e: {  	v13 =	vor.u32 s15, v0  }
0x13f: {  	v12 =	vand.u32 $0x7, v0;
	v14 =	vor.u32 s15, v2;
	v15 =	vor.u32 v11, v10  }
0x140: {  	v16 =	vor.u32 v12, v15  }
0x141: {  	v17 =	vadd.s32 s15, v3;
	v10 =	vor.u32 $0xC40, v12  }
0x142: {  	s13 =	simm.s32 $0x0;
	v15 =	vadd.s32 v10, v15  }
0x143: {  	v13 =	vld.idx.msk [tilespmem:v13+s13+$0x0], $0xffff  }
0x144: {  	v18 =	vadd.s32 s15, v1;
	v14 =	vld.idx.msk [tilespmem:v14+s13+$0x0], $0xffff  }
0x145: {  	v16 =	vld.idx.msk [tilespmem:v16+s17+$0x0], $0xffff  }
0x146: {  	v17 =	vld.idx.msk [tilespmem:v17+s13+$0x0], $0xffff  }
0x147: {  	v15 =	vld.idx.msk [tilespmem:v15+s17+$0x0], $0xffff  }
0x148: {  	v19 =	vor.u32 s15, v4  }
0x149: {  	v18 =	vld.idx.msk [tilespmem:v18+s13+$0x0], $0xffff  }
0x14a: {  	v14 =	vmul.f32 v16, v14;
	_ =	sdelay $0x1  }
0x14b: {  	v13 =	vadd.f32 v14, v13;
	v14 =	vmul.f32 v15, v17  }
0x14c: {  	v15 =	vld.idx.msk [tilespmem:v19+s13+$0x0], $0xffff  }
0x14d: {  	v14 =	vadd.f32 v14, v18;
	v16 =	vmax.f32 v13, $0.0e+00  }
0x14e: {  	v16 =	vmin.f32 v16, $1.270000000e+02  }
0x14f: {  	v17 =	vmax.f32 v14, $0.0e+00;
	v16 =	vtrunc.f32 v16  }
0x150: {  	v17 =	vmin.f32 v17, $1.270000000e+02;
	v16 =	vcvt.f32.s32 v16  }
0x151: {  	v15 =	vtrunc.f32 v15;
	v17 =	vtrunc.f32 v17  }
0x152: {  	v15 =	vcvt.f32.s32 v15;
	v17 =	vcvt.f32.s32 v17  }
0x153: {  	v18 =	vcvt.s32.f32 v16;
	vm0 =	vlt.s32 v16, $0x7F  }
0x154: {  	v15 =	vadd.s32 v15, v16;
	v16 =	vsel vm0, $0x1, v6;
	v19 =	vshll.u32 v17, $0x7  }
0x155: {  	vm1 =	vgt.s32 v17, $0x7E;
	v17 =	vcvt.s32.f32 v17;
	v15 =	vadd.s32 v19, v15  }
0x156: {  	v13 =	vsub.f32 v13, v18;
	v19 =	vsel vm1, $0x0, v7;
	[tilespmem:$0x1A00] =	vst v15;
	v20 =	vadd.s32 v16, v15  }
0x157: {  	v15 =	vadd.s32 v19, v15;
	[tilespmem:$0x1A10] =	vst v20  }
0x158: {  	v14 =	vsub.f32 v14, v17;
	v13 =	vnsel vm0, $0x0, v13;
	[tilespmem:$0x1A20] =	vst v15  }
0x159: {  	v15 =	vadd.s32 v16, v15;
	[tilespmem:$0x1A60] =	vst v13  }
0x15a: {  	[tilespmem:$0x1A30] =	vst v15;
	v14 =	vsel vm1, $0x0, v14  }
0x15b: {  	[tilespmem:$0x1A70] =	vst v14  }
0x15c: {  	[tilespmem:s21], [sflag:$0x2] =	stream.indirect.gather [hbm4b:s4+s14], $0x80, s20, s14, $0xb8;
	[tilespmem:$0x6A80] =	vst v63  }
0x15d: {  	_ =	swait.ge [sflag:s22], $0x2000  }
0x15e: {  	[sflag:s22] =	ssyncset.done $0x0  }
0x15f: {  	[sflag:s22] =	ssyncadd.s32 $0xFFFFE000  }
0x160: {  	_ =	swait.ge [sflag:s29], $0x800  }
0x161: {  	[sflag:s29] =	ssyncset.done $0x0  }
0x162: {  	s6 =	simm.s32 $0x2A80;
	[sflag:s29] =	ssyncadd.s32 $0xFFFFF800  }
0x163: {  	v18 =	vld [tilespmem:s6+$0x0]  }
0x164: {  	v15 =	vld [tilespmem:s6+$0xFFFFF000]  }
0x165: {  	v17 =	vld [tilespmem:s6+$0xFFFFF800]  }
0x166: {  	v20 =	vld [tilespmem:s6+$0x800]  }
0x167: {  	v19 =	vld [tilespmem:s6+$0x820]  }
0x168: {  	v24 =	vld [tilespmem:s6+$0x20]  }
0x169: {  	v26 =	vld [tilespmem:s6+$0xFFFFF820]  }
0x16a: {  	v22 =	vld [tilespmem:s6+$0x850]  }
0x16b: {  	v14 =	vld [tilespmem:s6+$0x50]  }
0x16c: {  	v23 =	vld [tilespmem:s6+$0xFFFFF850]  }
0x16d: {  	v25 =	vld [tilespmem:s6+$0xFFFFF870]  }
0x16e: {  	v31 =	vld [tilespmem:s6+$0xFFFFF050]  }
0x16f: {  	v27 =	vld [tilespmem:s6+$0x810]  }
0x170: {  	v13 =	vld [tilespmem:s6+$0x10]  }
0x171: {  	v32 =	vld [tilespmem:s6+$0xFFFFF070]  }
0x172: {  	v28 =	vld [tilespmem:s6+$0xFFFFF830]  }
0x173: {  	v29 =	vmov s13;
	v30 =	vld [tilespmem:s6+$0xFFFFF810]  }
0x174: {  	v33 =	vld [tilespmem:s6+$0xFFFFF010]  }
0x175: {  	v34 =	vld [tilespmem:s6+$0x870]  }
0x176: {  	v16 =	vld [tilespmem:s6+$0x70]  }
0x177: {  	v35 =	vld [tilespmem:s6+$0xFFFFF860]  }
0x178: {  	v36 =	vld.idx.msk [tilespmem:v29+s23+$0x0], $0xffff  }
0x179: {  	v21 =	vld [tilespmem:s6+$0xFFFFF060]  }
0x17a: {  	v38 =	vld [tilespmem:s6+$0xFFFFF840];
	v37 =	vsub.bf16 v19, v24  }
0x17b: {  	v29 =	vor.u32 $0x10, v29;
	v55 =	vld [tilespmem:s6+$0xFFFFF020];
	v39 =	vsub.bf16 v17, v15;
	v40 =	vsub.bf16 v22, v14  }
0x17c: {  	v41 =	vld [tilespmem:s6+$0xFFFFF040];
	v42 =	vsub.bf16 v23, v31;
	v17 =	vsub.bf16 v27, v13  }
0x17d: {  	v19 =	vld [tilespmem:s6+$0xFFFFF030];
	v43 =	vsub.bf16 v25, v32;
	v23 =	vsub.bf16 v34, v16  }
0x17e: {  	v44 =	vld [tilespmem:s6+$0x860];
	v25 =	vsub.bf16 v30, v33;
	v22 =	vpack.i.f32.bf16 v36, v36;
	v27 =	vsub.bf16 v35, v21  }
0x17f: {  	v56 =	vld [tilespmem:s6+$0x830];
	v20 =	vsub.bf16 v20, v18;
	v30 =	vmul.bf16 v39, v22;
	v23 =	vmul.bf16 v23, v22  }
0x180: {  	v57 =	vld.idx.msk [tilespmem:v29+s23+$0x0], $0xffff;
	v26 =	vsub.bf16 v26, v55;
	v29 =	vmul.bf16 v25, v22;
	v27 =	vmul.bf16 v27, v22  }
0x181: {  	v38 =	vsub.bf16 v38, v41;
	v20 =	vmul.bf16 v20, v22;
	v25 =	vld [tilespmem:s6+$0x30];
	v59 =	vmul.bf16 v43, v22  }
0x182: {  	v42 =	vmul.bf16 v42, v22;
	v60 =	vmul.bf16 v26, v22;
	v58 =	vsub.bf16 v28, v19;
	v28 =	vld [tilespmem:s6+$0x60]  }
0x183: {  	v35 =	vld [tilespmem:s6+$0x840];
	v61 =	vmul.bf16 v38, v22;
	v30 =	vadd.bf16 v30, v15;
	v20 =	vadd.bf16 v20, v18  }
0x184: {  	v37 =	vmul.bf16 v37, v22;
	v15 =	vadd.bf16 v29, v33;
	v26 =	vadd.bf16 v42, v31;
	v31 =	vld [tilespmem:s6+$0x40]  }
0x185: {  	v29 =	vmul.bf16 v40, v22;
	v18 =	vadd.bf16 v59, v32;
	v62 =	vsub.bf16 v20, v30  }
0x186: {  	v33 =	vadd.bf16 v60, v55;
	v20 =	vpack.i.f32.bf16 v57, v57;
	v63 =	vsub.bf16 v56, v25  }
0x187: {  	s9 =	sshll.u32 s1, $0x1;
	v37 =	vadd.bf16 v37, v24;
	v36 =	vmul.bf16 v62, v20;
	v38 =	vsub.bf16 v44, v28  }
0x188: {  	s11 =	simm.s32 $0x5AC0;
	s12 =	simm.s32 $0x1;
	s8 =	simm.s32 $0x5AC0;
	v24 =	vadd.bf16 v61, v41;
	v32 =	vmul.bf16 v58, v22;
	v34 =	vmul.bf16 v63, v22  }
.LBB2_7:
0x189: {  	p0 =	sne.s32 s12, $0xF;
	v30 =	vadd.bf16 v36, v30;
	v35 =	vsub.bf16 v35, v31;
	v36 =	vmul.bf16 v38, v22;
	s6 =	sadd.s32 $0x80, s6;
	s11 =	sadd.s32 $0x80, s11  }
0x18a: {  	v17 =	vmul.bf16 v17, v22;
	v21 =	vadd.bf16 v27, v21;
	s13 =	smov.u32 s12;
	s12 =	sadd.s32 $0x1, s12;
	v37 =	vsub.bf16 v37, v33  }
0x18b: {  	v16 =	vadd.bf16 v23, v16;
	[tilespmem:s8+$0xFFFFFFC0] =	vst v30;
	v22 =	vmul.bf16 v35, v22;
	v27 =	vadd.bf16 v36, v28  }
0x18c: {  	v19 =	vadd.bf16 v32, v19;
	v14 =	vadd.bf16 v29, v14;
	v23 =	vmul.bf16 v37, v20  }
0x18d: {  	v25 =	vadd.bf16 v34, v25;
	v22 =	vadd.bf16 v22, v31  }
0x18e: {  	v14 =	vsub.bf16 v14, v26;
	v29 =	vld [tilespmem:s6+$0x0];
	v23 =	vadd.bf16 v23, v33  }
0x18f: {  	v27 =	vsub.bf16 v27, v21;
	v28 =	vld [tilespmem:s6+$0xFFFFF000];
	v22 =	vsub.bf16 v22, v24  }
0x190: {  	v13 =	vadd.bf16 v17, v13;
	v16 =	vsub.bf16 v16, v18;
	v14 =	vmul.bf16 v14, v20;
	v30 =	vld [tilespmem:s6+$0xFFFFF800]  }
0x191: {  	v17 =	vsub.bf16 v25, v19;
	v31 =	vld [tilespmem:s6+$0x800];
	[tilespmem:s8+$0xFFFFFFE0] =	vst v23;
	v22 =	vmul.bf16 v22, v20;
	v23 =	vmul.bf16 v27, v20  }
0x192: {  	v16 =	vmul.bf16 v16, v20;
	v14 =	vadd.bf16 v14, v26;
	v25 =	vld [tilespmem:s6+$0x820]  }
0x193: {  	v13 =	vsub.bf16 v13, v15;
	v17 =	vmul.bf16 v17, v20;
	v34 =	vld [tilespmem:s6+$0x20];
	v21 =	vadd.bf16 v23, v21  }
0x194: {  	v16 =	vadd.bf16 v16, v18;
	v22 =	vadd.bf16 v22, v24;
	v26 =	vld [tilespmem:s6+$0xFFFFF820];
	[tilespmem:s8+$0x10] =	vst v14  }
0x195: {  	v13 =	vmul.bf16 v13, v20;
	v17 =	vadd.bf16 v17, v19;
	v18 =	vld [tilespmem:s6+$0x850];
	[tilespmem:s8+$0x20] =	vst v21  }
0x196: {  	v14 =	vld [tilespmem:s6+$0x50];
	[tilespmem:s8+$0x30] =	vst v16  }
0x197: {  	v13 =	vadd.bf16 v13, v15;
	v16 =	vld [tilespmem:s6+$0xFFFFF850];
	[tilespmem:s8+$0x0] =	vst v22  }
0x198: {  	v20 =	vsub.bf16 v25, v34;
	v15 =	vld [tilespmem:s6+$0xFFFFF870];
	[tilespmem:s8+$0xFFFFFFF0] =	vst v17  }
0x199: {  	v23 =	vsub.bf16 v30, v28;
	v24 =	vld [tilespmem:s6+$0xFFFFF050];
	[tilespmem:s8+$0xFFFFFFD0] =	vst v13;
	s8 =	smov.u32 s11  }
0x19a: {  	v17 =	vld [tilespmem:s6+$0x810]  }
0x19b: {  	v13 =	vld [tilespmem:s6+$0x10];
	v18 =	vsub.bf16 v18, v14  }
0x19c: {  	v32 =	vld [tilespmem:s6+$0xFFFFF070]  }
0x19d: {  	v33 =	vld [tilespmem:s6+$0xFFFFF830]  }
0x19e: {  	v19 =	vmov s13;
	v22 =	vld [tilespmem:s6+$0xFFFFF810]  }
0x19f: {  	v25 =	vor.u32 $0x10, v19;
	v36 =	vsub.bf16 v16, v24;
	v35 =	vld [tilespmem:s6+$0xFFFFF010]  }
0x1a0: {  	v17 =	vsub.bf16 v17, v13;
	v27 =	vld [tilespmem:s6+$0x870]  }
0x1a1: {  	v16 =	vld [tilespmem:s6+$0x70];
	v37 =	vsub.bf16 v15, v32  }
0x1a2: {  	v15 =	vld [tilespmem:s6+$0xFFFFF860]  }
0x1a3: {  	v30 =	vld.idx.msk [tilespmem:v19+s23+$0x0], $0xffff  }
0x1a4: {  	v21 =	vld [tilespmem:s6+$0xFFFFF060]  }
0x1a5: {  	v38 =	vld [tilespmem:s6+$0xFFFFF840]  }
0x1a6: {  	v39 =	vld [tilespmem:s6+$0xFFFFF040];
	v27 =	vsub.bf16 v27, v16  }
0x1a7: {  	v19 =	vld [tilespmem:s6+$0xFFFFF030]  }
0x1a8: {  	v40 =	vsub.bf16 v22, v35;
	v41 =	vld [tilespmem:s6+$0xFFFFF020]  }
0x1a9: {  	v31 =	vsub.bf16 v31, v29;
	v22 =	vpack.i.f32.bf16 v30, v30;
	v42 =	vld [tilespmem:s6+$0x860];
	v15 =	vsub.bf16 v15, v21  }
0x1aa: {  	v30 =	vmul.bf16 v23, v22;
	v23 =	vmul.bf16 v27, v22;
	v43 =	vld [tilespmem:s6+$0x830]  }
0x1ab: {  	v40 =	vmul.bf16 v40, v22;
	v44 =	vld.idx.msk [tilespmem:v25+s23+$0x0], $0xffff;
	v38 =	vsub.bf16 v38, v39;
	v27 =	vmul.bf16 v15, v22  }
0x1ac: {  	v31 =	vmul.bf16 v31, v22;
	v30 =	vadd.bf16 v30, v28;
	v25 =	vld [tilespmem:s6+$0x30];
	v33 =	vsub.bf16 v33, v19  }
0x1ad: {  	v37 =	vmul.bf16 v37, v22;
	v15 =	vadd.bf16 v40, v35;
	v26 =	vsub.bf16 v26, v41;
	v28 =	vld [tilespmem:s6+$0x60]  }
0x1ae: {  	v36 =	vmul.bf16 v36, v22;
	v40 =	vadd.bf16 v31, v29;
	v29 =	vmul.bf16 v18, v22;
	v35 =	vld [tilespmem:s6+$0x840]  }
.Ltmp2:
0x1af: {  	v18 =	vadd.bf16 v37, v32;
	v46 =	vmul.bf16 v38, v22;
	v45 =	vmul.bf16 v26, v22;
	v31 =	vld [tilespmem:s6+$0x40];
	(pc) =	sbr.rel @p0 .LBB2_7-.Ltmp2, $4  }
0x1b0: {  	v37 =	vsub.bf16 v40, v30;
	v40 =	vmul.bf16 v20, v22;
	v32 =	vmul.bf16 v33, v22  }
0x1b1: {  	v26 =	vadd.bf16 v36, v24;
	v20 =	vpack.i.f32.bf16 v44, v44;
	v43 =	vsub.bf16 v43, v25  }
0x1b2: {  	v36 =	vmul.bf16 v37, v20;
	v33 =	vadd.bf16 v45, v41;
	v38 =	vsub.bf16 v42, v28  }
0x1b3: {  	v24 =	vadd.bf16 v46, v39;
	v37 =	vadd.bf16 v40, v34;
	v34 =	vmul.bf16 v43, v22  }
0x1b4: {  	v30 =	vadd.bf16 v36, v30;
	v35 =	vsub.bf16 v35, v31  }
0x1b5: {  	v21 =	vadd.bf16 v27, v21;
	v16 =	vadd.bf16 v23, v16  }
0x1b6: {  	v48 =	vmul.bf16 v38, v22;
	s6 =	sadd.s32 $0x2, s9;
	v14 =	vadd.bf16 v29, v14;
	v19 =	vadd.bf16 v32, v19  }
0x1b7: {  	v17 =	vmul.bf16 v17, v22;
	v37 =	vsub.bf16 v37, v33;
	s11 =	smulhi.u32 $0x5397829D, s6;
	v25 =	vadd.bf16 v34, v25  }
0x1b8: {  	v27 =	vadd.bf16 v48, v28;
	v28 =	vmul.bf16 v35, v22;
	v14 =	vsub.bf16 v14, v26  }
0x1b9: {  	s13 =	smulhi.u32 $0x5397829D, s9;
	v13 =	vadd.bf16 v17, v13;
	v23 =	vmul.bf16 v37, v20;
	s12 =	sshrl.u32 s11, $0x4;
	v17 =	vsub.bf16 v25, v19  }
0x1ba: {  	v16 =	vsub.bf16 v16, v18;
	v28 =	vadd.bf16 v28, v31;
	s12 =	smul.u32 $0xFFFFFFCF, s12;
	v14 =	vmul.bf16 v14, v20  }
0x1bb: {  	v13 =	vsub.bf16 v13, v15;
	v22 =	vadd.bf16 v23, v33;
	v17 =	vmul.bf16 v17, v20  }
0x1bc: {  	[tilespmem:s8+$0xFFFFFFC0] =	vst v30;
	v16 =	vmul.bf16 v16, v20;
	v23 =	vsub.bf16 v27, v21;
	s6 =	sadd.s32 s6, s12;
	v14 =	vadd.bf16 v14, v26;
	s12 =	sshrl.u32 s13, $0x4  }
0x1bd: {  	v27 =	vsub.bf16 v28, v24;
	v13 =	vmul.bf16 v13, v20;
	s6 =	sshll.u32 s6, $0x6;
	[tilespmem:s8+$0xFFFFFFE0] =	vst v22;
	s13 =	smul.u32 $0xFFFFFFCF, s12;
	v17 =	vadd.bf16 v17, v19  }
0x1be: {  	s11 =	sand.u32 $0x3FFFFFF0, s11;
	v23 =	vmul.bf16 v23, v20;
	v22 =	vmov s6;
	[tilespmem:s8+$0x10] =	vst v14;
	v14 =	vadd.bf16 v16, v18  }
0x1bf: {  	s12 =	sshll.u32 s12, $0xC;
	v25 =	vmul.bf16 v27, v20;
	v13 =	vadd.bf16 v13, v15;
	v16 =	vadd.s32 s11, v22;
	s6 =	sadd.s32 s9, s13;
	[tilespmem:s8+$0xFFFFFFF0] =	vst v17  }
0x1c0: {  	v21 =	vadd.bf16 v23, v21;
	s9 =	sadd.s32 s10, s12;
	v16 =	vbroadcast v16, $0x0;
	[tilespmem:s8+$0x30] =	vst v14;
	s6 =	sshll.u32 s6, $0x13;
	v14 =	vor.u32 s11, v0  }
0x1c1: {  	v15 =	vadd.s32 s11, v2;
	v18 =	vadd.bf16 v25, v24;
	[tilespmem:s8+$0xFFFFFFD0] =	vst v13;
	s6 =	sadd.s32 s6, s9  }
0x1c2: {  	v13 =	vadd.s32 s11, v3;
	[tilespmem:s8+$0x20] =	vst v21;
	v11 =	vor.u32 v11, v16;
	s6 =	sshrl.u32 s6, $0x4  }
0x1c3: {  	s13 =	simm.s32 $0x0;
	[tilespmem:s8+$0x0] =	vst v18;
	v12 =	vor.u32 v12, v11;
	s6 =	sadd.s32 s5, s6  }
0x1c4: {  	v10 =	vadd.s32 v10, v11;
	[hbm4b:s6+s13] =	stream.linear.scatter [tilespmem:s24], [sflag:$0x3], $0x800, $0x38;
	[tilespmem:$0x6A80] =	vst v63  }
0x1c5: {  	v11 =	vld.idx.msk [tilespmem:v14+s13+$0x0], $0xffff  }
0x1c6: {  	v14 =	vadd.s32 s11, v1;
	v15 =	vld.idx.msk [tilespmem:v15+s13+$0x0], $0xffff  }
0x1c7: {  	v13 =	vld.idx.msk [tilespmem:v13+s13+$0x0], $0xffff  }
0x1c8: {  	v12 =	vld.idx.msk [tilespmem:v12+s17+$0x0], $0xffff  }
0x1c9: {  	v10 =	vld.idx.msk [tilespmem:v10+s17+$0x0], $0xffff;
	_ =	sdelay $0x1  }
0x1ca: {  	v16 =	vor.u32 s11, v4;
	v14 =	vld.idx.msk [tilespmem:v14+s13+$0x0], $0xffff;
	_ =	sdelay $0x2  }
0x1cb: {  	v12 =	vmul.f32 v12, v15;
	v10 =	vmul.f32 v10, v13;
	_ =	sdelay $0x1  }
0x1cc: {  	v11 =	vadd.f32 v12, v11;
	v12 =	vld.idx.msk [tilespmem:v16+s13+$0x0], $0xffff;
	v10 =	vadd.f32 v10, v14;
	_ =	sdelay $0x1  }
0x1cd: {  	v13 =	vmax.f32 v11, $0.0e+00;
	v14 =	vmax.f32 v10, $0.0e+00  }
0x1ce: {  	v13 =	vmin.f32 v13, $1.270000000e+02;
	v14 =	vmin.f32 v14, $1.270000000e+02  }
0x1cf: {  	v13 =	vtrunc.f32 v13;
	v14 =	vtrunc.f32 v14  }
0x1d0: {  	v13 =	vcvt.f32.s32 v13;
	v12 =	vtrunc.f32 v12  }
0x1d1: {  	v14 =	vcvt.f32.s32 v14;
	v12 =	vcvt.f32.s32 v12  }
0x1d2: {  	v15 =	vcvt.s32.f32 v13  }
0x1d3: {  	vm0 =	vlt.s32 v13, $0x7F;
	v16 =	vshll.u32 v14, $0x7;
	v12 =	vadd.s32 v12, v13  }
0x1d4: {  	vm1 =	vgt.s32 v14, $0x7E;
	v13 =	vsel vm0, $0x1, v6;
	v12 =	vadd.s32 v16, v12  }
0x1d5: {  	v14 =	vcvt.s32.f32 v14;
	v16 =	vsel vm1, $0x0, v7;
	[tilespmem:$0x19C0] =	vst v12;
	v17 =	vadd.s32 v13, v12  }
0x1d6: {  	v11 =	vsub.f32 v11, v15;
	v12 =	vadd.s32 v16, v12;
	[tilespmem:$0x19D0] =	vst v17  }
0x1d7: {  	v10 =	vsub.f32 v10, v14;
	[tilespmem:$0x19E0] =	vst v12;
	v12 =	vadd.s32 v13, v12  }
0x1d8: {  	v11 =	vnsel vm0, $0x0, v11;
	[tilespmem:$0x19F0] =	vst v12  }
0x1d9: {  	v10 =	vsel vm1, $0x0, v10;
	[tilespmem:$0x1A40] =	vst v11  }
0x1da: {  	[tilespmem:$0x1A50] =	vst v10  }
0x1db: {  	[tilespmem:s19], [sflag:$0x1] =	stream.indirect.gather [hbm4b:s4+s14], $0x80, s18, s14, $0xb8;
	[tilespmem:$0x6A80] =	vst v63  }
0x1dc: {  	_ =	swait.ge [sflag:s25], $0x2000  }
0x1dd: {  	[sflag:s25] =	ssyncset.done $0x0  }
0x1de: {  	[sflag:s25] =	ssyncadd.s32 $0xFFFFE000  }
0x1df: {  	_ =	swait.ge [sflag:s30], $0x800  }
0x1e0: {  	[sflag:s30] =	ssyncset.done $0x0  }
0x1e1: {  	s6 =	simm.s32 $0x4A80;
	[sflag:s30] =	ssyncadd.s32 $0xFFFFF800  }
0x1e2: {  	v17 =	vld [tilespmem:s6+$0x0]  }
0x1e3: {  	v12 =	vld [tilespmem:s6+$0xFFFFF000]  }
0x1e4: {  	v14 =	vld [tilespmem:s6+$0xFFFFF800]  }
0x1e5: {  	v19 =	vld [tilespmem:s6+$0x800]  }
0x1e6: {  	v16 =	vld [tilespmem:s6+$0x820]  }
0x1e7: {  	v23 =	vld [tilespmem:s6+$0x20]  }
0x1e8: {  	v22 =	vld [tilespmem:s6+$0xFFFFF820]  }
0x1e9: {  	v18 =	vld [tilespmem:s6+$0x850]  }
0x1ea: {  	v11 =	vld [tilespmem:s6+$0x50]  }
0x1eb: {  	v20 =	vld [tilespmem:s6+$0xFFFFF850]  }
0x1ec: {  	v21 =	vld [tilespmem:s6+$0xFFFFF870]  }
0x1ed: {  	v28 =	vld [tilespmem:s6+$0xFFFFF050]  }
0x1ee: {  	v24 =	vld [tilespmem:s6+$0x810]  }
0x1ef: {  	v10 =	vld [tilespmem:s6+$0x10]  }
0x1f0: {  	v29 =	vld [tilespmem:s6+$0xFFFFF070]  }
0x1f1: {  	v25 =	vld [tilespmem:s6+$0xFFFFF830]  }
0x1f2: {  	v26 =	vmov s13;
	v27 =	vld [tilespmem:s6+$0xFFFFF810]  }
0x1f3: {  	v30 =	vld [tilespmem:s6+$0xFFFFF010]  }
0x1f4: {  	v31 =	vld [tilespmem:s6+$0x870]  }
0x1f5: {  	v13 =	vld [tilespmem:s6+$0x70]  }
0x1f6: {  	v49 =	vld [tilespmem:s6+$0xFFFFF860]  }
0x1f7: {  	v50 =	vld.idx.msk [tilespmem:v26+s26+$0x0], $0xffff  }
0x1f8: {  	v15 =	vld [tilespmem:s6+$0xFFFFF060]  }
0x1f9: {  	v52 =	vld [tilespmem:s6+$0xFFFFF840];
	v26 =	vor.u32 $0x10, v26  }
0x1fa: {  	v55 =	vld [tilespmem:s6+$0xFFFFF040];
	v51 =	vsub.bf16 v16, v23  }
0x1fb: {  	v41 =	vld [tilespmem:s6+$0xFFFFF020];
	v53 =	vsub.bf16 v14, v12;
	v54 =	vsub.bf16 v18, v11  }
0x1fc: {  	v39 =	vsub.bf16 v20, v28;
	v16 =	vld [tilespmem:s6+$0xFFFFF030];
	v40 =	vsub.bf16 v21, v29  }
0x1fd: {  	v20 =	vsub.bf16 v31, v13;
	v21 =	vsub.bf16 v27, v30;
	v31 =	vld [tilespmem:s6+$0x830]  }
0x1fe: {  	v14 =	vsub.bf16 v24, v10;
	v18 =	vpack.i.f32.bf16 v50, v50;
	v24 =	vsub.bf16 v49, v15;
	v56 =	vld.idx.msk [tilespmem:v26+s26+$0x0], $0xffff  }
0x1ff: {  	v19 =	vsub.bf16 v19, v17;
	v27 =	vmul.bf16 v53, v18;
	v26 =	vmul.bf16 v21, v18;
	v21 =	vld [tilespmem:s6+$0x30]  }
0x200: {  	v57 =	vsub.bf16 v52, v55;
	v22 =	vsub.bf16 v22, v41;
	v20 =	vmul.bf16 v20, v18  }
0x201: {  	v42 =	vld [tilespmem:s6+$0x860];
	v19 =	vmul.bf16 v19, v18;
	v59 =	vmul.bf16 v39, v18;
	v27 =	vadd.bf16 v27, v12  }
0x202: {  	v60 =	vmul.bf16 v22, v18;
	v12 =	vadd.bf16 v26, v30;
	v58 =	vsub.bf16 v25, v16;
	v25 =	vld [tilespmem:s6+$0x60]  }
0x203: {  	v30 =	vmul.bf16 v40, v18;
	v19 =	vadd.bf16 v19, v17;
	v22 =	vadd.bf16 v59, v28;
	v28 =	vld [tilespmem:s6+$0x40]  }
0x204: {  	v24 =	vmul.bf16 v24, v18;
	v62 =	vmul.bf16 v51, v18;
	v63 =	vsub.bf16 v31, v21;
	v31 =	vld [tilespmem:s6+$0x840]  }
0x205: {  	v61 =	vmul.bf16 v57, v18;
	v17 =	vadd.bf16 v30, v29;
	v29 =	vsub.bf16 v19, v27  }
0x206: {  	v26 =	vmul.bf16 v54, v18;
	v35 =	vadd.bf16 v62, v23;
	v19 =	vpack.i.f32.bf16 v56, v56  }
0x207: {  	v23 =	vadd.bf16 v61, v55;
	v33 =	vmul.bf16 v29, v19;
	v34 =	vsub.bf16 v42, v25  }
0x208: {  	s9 =	simm.s32 $0x62C0;
	s8 =	simm.s32 $0x62C0;
	s11 =	simm.s32 $0x1;
	v30 =	vmul.bf16 v58, v18;
	v29 =	vadd.bf16 v60, v41;
	v32 =	vmul.bf16 v63, v18  }
.LBB2_9:
0x209: {  	p0 =	sne.s32 s11, $0xF;
	v27 =	vadd.bf16 v33, v27;
	v31 =	vsub.bf16 v31, v28;
	v33 =	vmul.bf16 v34, v18;
	s6 =	sadd.s32 $0x80, s6;
	s9 =	sadd.s32 $0x80, s9  }
0x20a: {  	v14 =	vmul.bf16 v14, v18;
	v15 =	vadd.bf16 v24, v15;
	s12 =	smov.u32 s11;
	s11 =	sadd.s32 $0x1, s11;
	v34 =	vsub.bf16 v35, v29  }
0x20b: {  	v13 =	vadd.bf16 v20, v13;
	[tilespmem:s8+$0xFFFFFFC0] =	vst v27;
	v18 =	vmul.bf16 v31, v18;
	v24 =	vadd.bf16 v33, v25  }
0x20c: {  	v16 =	vadd.bf16 v30, v16;
	v11 =	vadd.bf16 v26, v11;
	v20 =	vmul.bf16 v34, v19  }
0x20d: {  	v21 =	vadd.bf16 v32, v21;
	v18 =	vadd.bf16 v18, v28  }
0x20e: {  	v11 =	vsub.bf16 v11, v22;
	v26 =	vld [tilespmem:s6+$0x0];
	v20 =	vadd.bf16 v20, v29  }
0x20f: {  	v24 =	vsub.bf16 v24, v15;
	v25 =	vld [tilespmem:s6+$0xFFFFF000];
	v18 =	vsub.bf16 v18, v23  }
0x210: {  	v10 =	vadd.bf16 v14, v10;
	v13 =	vsub.bf16 v13, v17;
	v11 =	vmul.bf16 v11, v19;
	v27 =	vld [tilespmem:s6+$0xFFFFF800]  }
0x211: {  	v14 =	vsub.bf16 v21, v16;
	v28 =	vld [tilespmem:s6+$0x800];
	[tilespmem:s8+$0xFFFFFFE0] =	vst v20;
	v18 =	vmul.bf16 v18, v19;
	v20 =	vmul.bf16 v24, v19  }
0x212: {  	v13 =	vmul.bf16 v13, v19;
	v11 =	vadd.bf16 v11, v22;
	v21 =	vld [tilespmem:s6+$0x820]  }
0x213: {  	v10 =	vsub.bf16 v10, v12;
	v14 =	vmul.bf16 v14, v19;
	v32 =	vld [tilespmem:s6+$0x20];
	v15 =	vadd.bf16 v20, v15  }
0x214: {  	v13 =	vadd.bf16 v13, v17;
	v18 =	vadd.bf16 v18, v23;
	v22 =	vld [tilespmem:s6+$0xFFFFF820];
	[tilespmem:s8+$0x10] =	vst v11  }
0x215: {  	v10 =	vmul.bf16 v10, v19;
	v14 =	vadd.bf16 v14, v16;
	v17 =	vld [tilespmem:s6+$0x850];
	[tilespmem:s8+$0x20] =	vst v15  }
0x216: {  	v11 =	vld [tilespmem:s6+$0x50];
	[tilespmem:s8+$0x30] =	vst v13  }
0x217: {  	v10 =	vadd.bf16 v10, v12;
	v13 =	vld [tilespmem:s6+$0xFFFFF850];
	[tilespmem:s8+$0x0] =	vst v18  }
0x218: {  	v19 =	vsub.bf16 v21, v32;
	v12 =	vld [tilespmem:s6+$0xFFFFF870];
	[tilespmem:s8+$0xFFFFFFF0] =	vst v14  }
0x219: {  	v20 =	vsub.bf16 v27, v25;
	v23 =	vld [tilespmem:s6+$0xFFFFF050];
	[tilespmem:s8+$0xFFFFFFD0] =	vst v10;
	s8 =	smov.u32 s9  }
0x21a: {  	v14 =	vld [tilespmem:s6+$0x810]  }
0x21b: {  	v10 =	vld [tilespmem:s6+$0x10];
	v17 =	vsub.bf16 v17, v11  }
0x21c: {  	v29 =	vld [tilespmem:s6+$0xFFFFF070]  }
0x21d: {  	v30 =	vld [tilespmem:s6+$0xFFFFF830]  }
0x21e: {  	v15 =	vmov s12;
	v18 =	vld [tilespmem:s6+$0xFFFFF810]  }
0x21f: {  	v21 =	vor.u32 $0x10, v15;
	v33 =	vsub.bf16 v13, v23;
	v31 =	vld [tilespmem:s6+$0xFFFFF010]  }
0x220: {  	v14 =	vsub.bf16 v14, v10;
	v16 =	vld [tilespmem:s6+$0x870]  }
0x221: {  	v13 =	vld [tilespmem:s6+$0x70];
	v34 =	vsub.bf16 v12, v29  }
0x222: {  	v12 =	vld [tilespmem:s6+$0xFFFFF860]  }
0x223: {  	v24 =	vld.idx.msk [tilespmem:v15+s26+$0x0], $0xffff  }
0x224: {  	v15 =	vld [tilespmem:s6+$0xFFFFF060]  }
0x225: {  	v27 =	vld [tilespmem:s6+$0xFFFFF840]  }
0x226: {  	v36 =	vld [tilespmem:s6+$0xFFFFF040];
	v35 =	vsub.bf16 v16, v13  }
0x227: {  	v16 =	vld [tilespmem:s6+$0xFFFFF030]  }
0x228: {  	v37 =	vsub.bf16 v18, v31;
	v38 =	vld [tilespmem:s6+$0xFFFFF020]  }
0x229: {  	v28 =	vsub.bf16 v28, v26;
	v18 =	vpack.i.f32.bf16 v24, v24;
	v39 =	vld [tilespmem:s6+$0x860];
	v12 =	vsub.bf16 v12, v15  }
0x22a: {  	v40 =	vmul.bf16 v20, v18;
	v20 =	vmul.bf16 v35, v18;
	v41 =	vld [tilespmem:s6+$0x830]  }
0x22b: {  	v37 =	vmul.bf16 v37, v18;
	v35 =	vld.idx.msk [tilespmem:v21+s26+$0x0], $0xffff;
	v42 =	vsub.bf16 v27, v36;
	v24 =	vmul.bf16 v12, v18  }
0x22c: {  	v28 =	vmul.bf16 v28, v18;
	v27 =	vadd.bf16 v40, v25;
	v21 =	vld [tilespmem:s6+$0x30];
	v30 =	vsub.bf16 v30, v16  }
0x22d: {  	v34 =	vmul.bf16 v34, v18;
	v12 =	vadd.bf16 v37, v31;
	v22 =	vsub.bf16 v22, v38;
	v25 =	vld [tilespmem:s6+$0x60]  }
0x22e: {  	v33 =	vmul.bf16 v33, v18;
	v37 =	vadd.bf16 v28, v26;
	v26 =	vmul.bf16 v17, v18;
	v31 =	vld [tilespmem:s6+$0x840]  }
.Ltmp3:
0x22f: {  	v17 =	vadd.bf16 v34, v29;
	v42 =	vmul.bf16 v42, v18;
	v40 =	vmul.bf16 v22, v18;
	v28 =	vld [tilespmem:s6+$0x40];
	(pc) =	sbr.rel @p0 .LBB2_9-.Ltmp3, $4  }
0x230: {  	v29 =	vsub.bf16 v37, v27;
	v37 =	vmul.bf16 v19, v18;
	v30 =	vmul.bf16 v30, v18  }
0x231: {  	v22 =	vadd.bf16 v33, v23;
	v19 =	vpack.i.f32.bf16 v35, v35;
	v41 =	vsub.bf16 v41, v21  }
0x232: {  	v33 =	vmul.bf16 v29, v19;
	v29 =	vadd.bf16 v40, v38;
	v34 =	vsub.bf16 v39, v25  }
0x233: {  	v23 =	vadd.bf16 v42, v36;
	v35 =	vadd.bf16 v37, v32;
	v32 =	vmul.bf16 v41, v18  }
0x234: {  	v27 =	vadd.bf16 v33, v27;
	v31 =	vsub.bf16 v31, v28  }
0x235: {  	v15 =	vadd.bf16 v24, v15;
	v11 =	vadd.bf16 v26, v11  }
0x236: {  	v54 =	vmul.bf16 v34, v18;
	v13 =	vadd.bf16 v20, v13;
	v16 =	vadd.bf16 v30, v16  }
0x237: {  	v14 =	vmul.bf16 v14, v18;
	v55 =	vsub.bf16 v35, v29;
	v21 =	vadd.bf16 v32, v21  }
0x238: {  	v56 =	vadd.bf16 v54, v25;
	v57 =	vmul.bf16 v31, v18;
	v11 =	vsub.bf16 v11, v22  }
0x239: {  	v13 =	vsub.bf16 v13, v17;
	v58 =	vmul.bf16 v55, v19;
	v21 =	vsub.bf16 v21, v16  }
0x23a: {  	v10 =	vadd.bf16 v14, v10;
	v24 =	vsub.bf16 v56, v15;
	v11 =	vmul.bf16 v11, v19  }
0x23b: {  	v59 =	vadd.bf16 v57, v28;
	v20 =	vadd.bf16 v58, v29;
	v61 =	vmul.bf16 v21, v19  }
0x23c: {  	[tilespmem:s8+$0xFFFFFFC0] =	vst v27;
	v10 =	vsub.bf16 v10, v12;
	v60 =	vmul.bf16 v24, v19;
	v11 =	vadd.bf16 v11, v22  }
0x23d: {  	v13 =	vmul.bf16 v13, v19;
	v18 =	vsub.bf16 v59, v23;
	[tilespmem:s8+$0xFFFFFFE0] =	vst v20;
	v63 =	vadd.bf16 v61, v16  }
0x23e: {  	s1 =	sadd.s32 $0x1, s1;
	v10 =	vmul.bf16 v10, v19;
	v14 =	vadd.bf16 v60, v15;
	[tilespmem:s8+$0x10] =	vst v11  }
0x23f: {  	s6 =	sadd.s32 s3, s15;
	p0 =	sne.s32 s1, $0x61;
	v18 =	vmul.bf16 v18, v19;
	v11 =	vadd.bf16 v13, v17;
	[tilespmem:s8+$0xFFFFFFF0] =	vst v63  }
.Ltmp4:
0x240: {  	s0 =	sshll.u32 s0, $0x13;
	s6 =	sshll.u32 s6, $0x8;
	v10 =	vadd.bf16 v10, v12;
	[tilespmem:s8+$0x20] =	vst v14;
	(pc) =	sbr.rel @p0 .LBB2_6-.Ltmp4, $4  }
0x241: {  	s0 =	sadd.s32 s6, s0;
	v62 =	vadd.bf16 v18, v23;
	[tilespmem:s8+$0x30] =	vst v11  }
0x242: {  	s0 =	sshrl.u32 s0, $0x4;
	[tilespmem:s8+$0xFFFFFFD0] =	vst v10  }
0x243: {  	s0 =	sadd.s32 s5, s0;
	[tilespmem:s8+$0x0] =	vst v62  }
0x244: {  	[hbm4b:s0+s2] =	stream.linear.scatter [tilespmem:s28], [sflag:$0x4], $0x800, $0x38;
	[tilespmem:$0x6A80] =	vst v63  }
0x245: {  	v10 =	vor.u32 $0x30, v0  }
0x246: {  	v11 =	vor.u32 $0xB0, v0  }
0x247: {  	v12 =	vor.u32 $0xC30, v0  }
0x248: {  	v13 =	vor.u32 $0xF0, v0  }
0x249: {  	s1 =	simm.s32 $0x0;
	v14 =	vor.u32 $0x1870, v0  }
0x24a: {  	v10 =	vld.idx.msk [tilespmem:v10+s1+$0x0], $0xffff  }
0x24b: {  	v15 =	vor.u32 $0x70, v0;
	v11 =	vld.idx.msk [tilespmem:v11+s1+$0x0], $0xffff  }
0x24c: {  	v12 =	vld.idx.msk [tilespmem:v12+s17+$0x0], $0xffff  }
0x24d: {  	v13 =	vld.idx.msk [tilespmem:v13+s1+$0x0], $0xffff  }
0x24e: {  	v16 =	vor.u32 $0x130, v0;
	v14 =	vld.idx.msk [tilespmem:v14+s17+$0x0], $0xffff;
	_ =	sdelay $0x1  }
0x24f: {  	v15 =	vld.idx.msk [tilespmem:v15+s1+$0x0], $0xffff  }
0x250: {  	v11 =	vmul.f32 v12, v11;
	_ =	sdelay $0x1  }
0x251: {  	v12 =	vld.idx.msk [tilespmem:v16+s1+$0x0], $0xffff;
	v10 =	vadd.f32 v11, v10;
	v11 =	vmul.f32 v14, v13;
	_ =	sdelay $0x1  }
0x252: {  	v11 =	vadd.f32 v11, v15  }
0x253: {  	v13 =	vmax.f32 v10, $0.0e+00  }
0x254: {  	v13 =	vmin.f32 v13, $1.270000000e+02;
	v14 =	vmax.f32 v11, $0.0e+00  }
0x255: {  	v12 =	vtrunc.f32 v12;
	v13 =	vtrunc.f32 v13;
	v14 =	vmin.f32 v14, $1.270000000e+02  }
0x256: {  	v13 =	vcvt.f32.s32 v13;
	v14 =	vtrunc.f32 v14  }
0x257: {  	v12 =	vcvt.f32.s32 v12;
	v14 =	vcvt.f32.s32 v14  }
0x258: {  	v15 =	vcvt.s32.f32 v13;
	vm0 =	vlt.s32 v13, $0x7F  }
0x259: {  	v12 =	vadd.s32 v12, v13;
	v13 =	vsel vm0, $0x1, v6;
	v16 =	vshll.u32 v14, $0x7  }
0x25a: {  	vm1 =	vgt.s32 v14, $0x7E;
	v14 =	vcvt.s32.f32 v14;
	v12 =	vadd.s32 v16, v12  }
0x25b: {  	v10 =	vsub.f32 v10, v15;
	v16 =	vsel vm1, $0x0, v7;
	[tilespmem:$0x1A00] =	vst v12;
	v17 =	vadd.s32 v13, v12  }
0x25c: {  	v12 =	vadd.s32 v16, v12;
	[tilespmem:$0x1A10] =	vst v17  }
0x25d: {  	v11 =	vsub.f32 v11, v14;
	v10 =	vnsel vm0, $0x0, v10;
	[tilespmem:$0x1A20] =	vst v12  }
0x25e: {  	v12 =	vadd.s32 v13, v12;
	[tilespmem:$0x1A60] =	vst v10  }
0x25f: {  	[tilespmem:$0x1A30] =	vst v12;
	v11 =	vsel vm1, $0x0, v11  }
0x260: {  	[tilespmem:$0x1A70] =	vst v11  }
0x261: {  	[tilespmem:s21], [sflag:$0x2] =	stream.indirect.gather [hbm4b:s4+s14], $0x80, s20, s14, $0xb8;
	[tilespmem:$0x6A80] =	vst v63  }
0x262: {  	_ =	swait.ge [sflag:s22], $0x2000  }
0x263: {  	[sflag:s22] =	ssyncset.done $0x0  }
0x264: {  	[sflag:s22] =	ssyncadd.s32 $0xFFFFE000  }
0x265: {  	_ =	swait.ge [sflag:s29], $0x800  }
0x266: {  	[sflag:s29] =	ssyncset.done $0x0  }
0x267: {  	s0 =	simm.s32 $0x2A80;
	[sflag:s29] =	ssyncadd.s32 $0xFFFFF800  }
0x268: {  	v17 =	vld [tilespmem:s0+$0x0]  }
0x269: {  	v12 =	vld [tilespmem:s0+$0xFFFFF000]  }
0x26a: {  	v14 =	vld [tilespmem:s0+$0xFFFFF800]  }
0x26b: {  	v19 =	vld [tilespmem:s0+$0x800]  }
0x26c: {  	v16 =	vld [tilespmem:s0+$0x820]  }
0x26d: {  	v23 =	vld [tilespmem:s0+$0x20]  }
0x26e: {  	v22 =	vld [tilespmem:s0+$0xFFFFF820]  }
0x26f: {  	v18 =	vld [tilespmem:s0+$0x850]  }
0x270: {  	v11 =	vld [tilespmem:s0+$0x50]  }
0x271: {  	v20 =	vld [tilespmem:s0+$0xFFFFF850]  }
0x272: {  	v21 =	vld [tilespmem:s0+$0xFFFFF870]  }
0x273: {  	v28 =	vld [tilespmem:s0+$0xFFFFF050]  }
0x274: {  	v24 =	vld [tilespmem:s0+$0x810]  }
0x275: {  	v10 =	vld [tilespmem:s0+$0x10]  }
0x276: {  	v29 =	vld [tilespmem:s0+$0xFFFFF070]  }
0x277: {  	v25 =	vld [tilespmem:s0+$0xFFFFF830]  }
0x278: {  	v26 =	vmov s1;
	v27 =	vld [tilespmem:s0+$0xFFFFF810]  }
0x279: {  	v30 =	vld [tilespmem:s0+$0xFFFFF010]  }
0x27a: {  	v31 =	vld [tilespmem:s0+$0x870]  }
0x27b: {  	v13 =	vld [tilespmem:s0+$0x70]  }
0x27c: {  	v32 =	vld [tilespmem:s0+$0xFFFFF860]  }
0x27d: {  	v33 =	vld.idx.msk [tilespmem:v26+s23+$0x0], $0xffff  }
0x27e: {  	v15 =	vld [tilespmem:s0+$0xFFFFF060]  }
0x27f: {  	v35 =	vld [tilespmem:s0+$0xFFFFF840];
	v26 =	vor.u32 $0x10, v26  }
0x280: {  	v38 =	vld [tilespmem:s0+$0xFFFFF040];
	v34 =	vsub.bf16 v16, v23  }
0x281: {  	v41 =	vld [tilespmem:s0+$0xFFFFF020];
	v36 =	vsub.bf16 v14, v12;
	v37 =	vsub.bf16 v18, v11  }
0x282: {  	v39 =	vsub.bf16 v20, v28;
	v16 =	vld [tilespmem:s0+$0xFFFFF030];
	v40 =	vsub.bf16 v21, v29  }
0x283: {  	v20 =	vsub.bf16 v31, v13;
	v21 =	vsub.bf16 v27, v30;
	v31 =	vld [tilespmem:s0+$0x830]  }
0x284: {  	v14 =	vsub.bf16 v24, v10;
	v18 =	vpack.i.f32.bf16 v33, v33;
	v24 =	vsub.bf16 v32, v15;
	v56 =	vld.idx.msk [tilespmem:v26+s23+$0x0], $0xffff  }
0x285: {  	v19 =	vsub.bf16 v19, v17;
	v27 =	vmul.bf16 v36, v18;
	v26 =	vmul.bf16 v21, v18;
	v21 =	vld [tilespmem:s0+$0x30]  }
0x286: {  	v57 =	vsub.bf16 v35, v38;
	v22 =	vsub.bf16 v22, v41;
	v20 =	vmul.bf16 v20, v18  }
0x287: {  	v42 =	vld [tilespmem:s0+$0x860];
	v19 =	vmul.bf16 v19, v18;
	v59 =	vmul.bf16 v39, v18;
	v27 =	vadd.bf16 v27, v12  }
0x288: {  	v60 =	vmul.bf16 v22, v18;
	v12 =	vadd.bf16 v26, v30;
	v58 =	vsub.bf16 v25, v16;
	v25 =	vld [tilespmem:s0+$0x60]  }
0x289: {  	v30 =	vmul.bf16 v40, v18;
	v19 =	vadd.bf16 v19, v17;
	v22 =	vadd.bf16 v59, v28;
	v28 =	vld [tilespmem:s0+$0x40]  }
0x28a: {  	v24 =	vmul.bf16 v24, v18;
	v62 =	vmul.bf16 v34, v18;
	v63 =	vsub.bf16 v31, v21;
	v31 =	vld [tilespmem:s0+$0x840]  }
0x28b: {  	v61 =	vmul.bf16 v57, v18;
	v17 =	vadd.bf16 v30, v29;
	v29 =	vsub.bf16 v19, v27  }
0x28c: {  	v26 =	vmul.bf16 v37, v18;
	v35 =	vadd.bf16 v62, v23;
	v19 =	vpack.i.f32.bf16 v56, v56  }
0x28d: {  	v23 =	vadd.bf16 v61, v38;
	v33 =	vmul.bf16 v29, v19;
	v34 =	vsub.bf16 v42, v25  }
0x28e: {  	s6 =	simm.s32 $0x5AC0;
	s8 =	simm.s32 $0x1;
	s1 =	simm.s32 $0x5AC0;
	v30 =	vmul.bf16 v58, v18;
	v29 =	vadd.bf16 v60, v41;
	v32 =	vmul.bf16 v63, v18  }
.LBB2_12:
0x28f: {  	p0 =	sne.s32 s8, $0xF;
	v27 =	vadd.bf16 v33, v27;
	v31 =	vsub.bf16 v31, v28;
	v33 =	vmul.bf16 v34, v18;
	s0 =	sadd.s32 $0x80, s0;
	s6 =	sadd.s32 $0x80, s6  }
0x290: {  	v14 =	vmul.bf16 v14, v18;
	v15 =	vadd.bf16 v24, v15;
	s9 =	smov.u32 s8;
	s8 =	sadd.s32 $0x1, s8;
	v34 =	vsub.bf16 v35, v29  }
0x291: {  	v13 =	vadd.bf16 v20, v13;
	[tilespmem:s1+$0xFFFFFFC0] =	vst v27;
	v18 =	vmul.bf16 v31, v18;
	v24 =	vadd.bf16 v33, v25  }
0x292: {  	v16 =	vadd.bf16 v30, v16;
	v11 =	vadd.bf16 v26, v11;
	v20 =	vmul.bf16 v34, v19  }
0x293: {  	v21 =	vadd.bf16 v32, v21;
	v18 =	vadd.bf16 v18, v28  }
0x294: {  	v11 =	vsub.bf16 v11, v22;
	v26 =	vld [tilespmem:s0+$0x0];
	v20 =	vadd.bf16 v20, v29  }
0x295: {  	v24 =	vsub.bf16 v24, v15;
	v25 =	vld [tilespmem:s0+$0xFFFFF000];
	v18 =	vsub.bf16 v18, v23  }
0x296: {  	v10 =	vadd.bf16 v14, v10;
	v13 =	vsub.bf16 v13, v17;
	v11 =	vmul.bf16 v11, v19;
	v27 =	vld [tilespmem:s0+$0xFFFFF800]  }
0x297: {  	v14 =	vsub.bf16 v21, v16;
	v28 =	vld [tilespmem:s0+$0x800];
	[tilespmem:s1+$0xFFFFFFE0] =	vst v20;
	v18 =	vmul.bf16 v18, v19;
	v20 =	vmul.bf16 v24, v19  }
0x298: {  	v13 =	vmul.bf16 v13, v19;
	v11 =	vadd.bf16 v11, v22;
	v21 =	vld [tilespmem:s0+$0x820]  }
0x299: {  	v10 =	vsub.bf16 v10, v12;
	v14 =	vmul.bf16 v14, v19;
	v32 =	vld [tilespmem:s0+$0x20];
	v15 =	vadd.bf16 v20, v15  }
0x29a: {  	v13 =	vadd.bf16 v13, v17;
	v18 =	vadd.bf16 v18, v23;
	v22 =	vld [tilespmem:s0+$0xFFFFF820];
	[tilespmem:s1+$0x10] =	vst v11  }
0x29b: {  	v10 =	vmul.bf16 v10, v19;
	v14 =	vadd.bf16 v14, v16;
	v17 =	vld [tilespmem:s0+$0x850];
	[tilespmem:s1+$0x20] =	vst v15  }
0x29c: {  	v11 =	vld [tilespmem:s0+$0x50];
	[tilespmem:s1+$0x30] =	vst v13  }
0x29d: {  	v10 =	vadd.bf16 v10, v12;
	v13 =	vld [tilespmem:s0+$0xFFFFF850];
	[tilespmem:s1+$0x0] =	vst v18  }
0x29e: {  	v19 =	vsub.bf16 v21, v32;
	v12 =	vld [tilespmem:s0+$0xFFFFF870];
	[tilespmem:s1+$0xFFFFFFF0] =	vst v14  }
0x29f: {  	v20 =	vsub.bf16 v27, v25;
	v23 =	vld [tilespmem:s0+$0xFFFFF050];
	[tilespmem:s1+$0xFFFFFFD0] =	vst v10;
	s1 =	smov.u32 s6  }
0x2a0: {  	v14 =	vld [tilespmem:s0+$0x810]  }
0x2a1: {  	v10 =	vld [tilespmem:s0+$0x10];
	v17 =	vsub.bf16 v17, v11  }
0x2a2: {  	v29 =	vld [tilespmem:s0+$0xFFFFF070]  }
0x2a3: {  	v30 =	vld [tilespmem:s0+$0xFFFFF830]  }
0x2a4: {  	v15 =	vmov s9;
	v18 =	vld [tilespmem:s0+$0xFFFFF810]  }
0x2a5: {  	v21 =	vor.u32 $0x10, v15;
	v33 =	vsub.bf16 v13, v23;
	v31 =	vld [tilespmem:s0+$0xFFFFF010]  }
0x2a6: {  	v14 =	vsub.bf16 v14, v10;
	v16 =	vld [tilespmem:s0+$0x870]  }
0x2a7: {  	v13 =	vld [tilespmem:s0+$0x70];
	v34 =	vsub.bf16 v12, v29  }
0x2a8: {  	v12 =	vld [tilespmem:s0+$0xFFFFF860]  }
0x2a9: {  	v24 =	vld.idx.msk [tilespmem:v15+s23+$0x0], $0xffff  }
0x2aa: {  	v15 =	vld [tilespmem:s0+$0xFFFFF060]  }
0x2ab: {  	v27 =	vld [tilespmem:s0+$0xFFFFF840]  }
0x2ac: {  	v36 =	vld [tilespmem:s0+$0xFFFFF040];
	v35 =	vsub.bf16 v16, v13  }
0x2ad: {  	v16 =	vld [tilespmem:s0+$0xFFFFF030]  }
0x2ae: {  	v37 =	vsub.bf16 v18, v31;
	v38 =	vld [tilespmem:s0+$0xFFFFF020]  }
0x2af: {  	v28 =	vsub.bf16 v28, v26;
	v18 =	vpack.i.f32.bf16 v24, v24;
	v39 =	vld [tilespmem:s0+$0x860];
	v12 =	vsub.bf16 v12, v15  }
0x2b0: {  	v40 =	vmul.bf16 v20, v18;
	v20 =	vmul.bf16 v35, v18;
	v41 =	vld [tilespmem:s0+$0x830]  }
0x2b1: {  	v37 =	vmul.bf16 v37, v18;
	v35 =	vld.idx.msk [tilespmem:v21+s23+$0x0], $0xffff;
	v42 =	vsub.bf16 v27, v36;
	v24 =	vmul.bf16 v12, v18  }
0x2b2: {  	v28 =	vmul.bf16 v28, v18;
	v27 =	vadd.bf16 v40, v25;
	v21 =	vld [tilespmem:s0+$0x30];
	v30 =	vsub.bf16 v30, v16  }
0x2b3: {  	v34 =	vmul.bf16 v34, v18;
	v12 =	vadd.bf16 v37, v31;
	v22 =	vsub.bf16 v22, v38;
	v25 =	vld [tilespmem:s0+$0x60]  }
0x2b4: {  	v33 =	vmul.bf16 v33, v18;
	v37 =	vadd.bf16 v28, v26;
	v26 =	vmul.bf16 v17, v18;
	v31 =	vld [tilespmem:s0+$0x840]  }
.Ltmp5:
0x2b5: {  	v17 =	vadd.bf16 v34, v29;
	v42 =	vmul.bf16 v42, v18;
	v40 =	vmul.bf16 v22, v18;
	v28 =	vld [tilespmem:s0+$0x40];
	(pc) =	sbr.rel @p0 .LBB2_12-.Ltmp5, $4  }
0x2b6: {  	v29 =	vsub.bf16 v37, v27;
	v37 =	vmul.bf16 v19, v18;
	v30 =	vmul.bf16 v30, v18  }
0x2b7: {  	v22 =	vadd.bf16 v33, v23;
	v19 =	vpack.i.f32.bf16 v35, v35;
	v41 =	vsub.bf16 v41, v21  }
0x2b8: {  	v33 =	vmul.bf16 v29, v19;
	v29 =	vadd.bf16 v40, v38;
	v34 =	vsub.bf16 v39, v25  }
0x2b9: {  	v23 =	vadd.bf16 v42, v36;
	v35 =	vadd.bf16 v37, v32;
	v32 =	vmul.bf16 v41, v18  }
0x2ba: {  	v27 =	vadd.bf16 v33, v27;
	v31 =	vsub.bf16 v31, v28  }
0x2bb: {  	v50 =	vmul.bf16 v34, v18;
	v15 =	vadd.bf16 v24, v15;
	v11 =	vadd.bf16 v26, v11  }
0x2bc: {  	v13 =	vadd.bf16 v20, v13;
	v16 =	vadd.bf16 v30, v16  }
0x2bd: {  	v14 =	vmul.bf16 v14, v18;
	v51 =	vsub.bf16 v35, v29;
	v24 =	vadd.bf16 v50, v25  }
0x2be: {  	v21 =	vadd.bf16 v32, v21;
	v25 =	vmul.bf16 v31, v18;
	v11 =	vsub.bf16 v11, v22  }
0x2bf: {  	v10 =	vadd.bf16 v14, v10;
	v20 =	vmul.bf16 v51, v19;
	v24 =	vsub.bf16 v24, v15  }
0x2c0: {  	v13 =	vsub.bf16 v13, v17;
	v18 =	vadd.bf16 v25, v28;
	v11 =	vmul.bf16 v11, v19  }
0x2c1: {  	v10 =	vsub.bf16 v10, v12;
	v20 =	vadd.bf16 v20, v29;
	v14 =	vmul.bf16 v24, v19  }
0x2c2: {  	[tilespmem:s1+$0xFFFFFFC0] =	vst v27;
	v13 =	vmul.bf16 v13, v19;
	v18 =	vsub.bf16 v18, v23;
	v11 =	vadd.bf16 v11, v22  }
0x2c3: {  	v21 =	vsub.bf16 v21, v16;
	v10 =	vmul.bf16 v10, v19;
	[tilespmem:s1+$0xFFFFFFE0] =	vst v20;
	v14 =	vadd.bf16 v14, v15  }
0x2c4: {  	v18 =	vmul.bf16 v18, v19;
	[tilespmem:s1+$0x10] =	vst v11;
	v11 =	vadd.bf16 v13, v17  }
0x2c5: {  	v15 =	vmul.bf16 v21, v19;
	v10 =	vadd.bf16 v10, v12;
	[tilespmem:s1+$0x20] =	vst v14  }
0x2c6: {  	v13 =	vadd.bf16 v18, v23;
	[tilespmem:s1+$0x30] =	vst v11  }
0x2c7: {  	v14 =	vadd.bf16 v15, v16;
	[tilespmem:s1+$0xFFFFFFD0] =	vst v10  }
0x2c8: {  	[tilespmem:s1+$0x0] =	vst v13  }
0x2c9: {  	s15 =	simm.s32 $0x0;
	s0 =	rddreg [dreg:$0x5];
	[tilespmem:s1+$0xFFFFFFF0] =	vst v14  }
0x2ca: {  	[hbm4b:s0+s15] =	stream.linear.scatter [tilespmem:s24], [sflag:$0x3], $0x800, $0x38;
	[tilespmem:$0x6A80] =	vst v63  }
0x2cb: {  	_ =	swait.ge [sflag:s25], $0x2000  }
0x2cc: {  	[sflag:s25] =	ssyncset.done $0x0  }
0x2cd: {  	[sflag:s25] =	ssyncadd.s32 $0xFFFFE000  }
0x2ce: {  	_ =	swait.ge [sflag:s30], $0x800  }
0x2cf: {  	[sflag:s30] =	ssyncset.done $0x0  }
0x2d0: {  	s0 =	simm.s32 $0x4A80;
	[sflag:s30] =	ssyncadd.s32 $0xFFFFF800  }
0x2d1: {  	v17 =	vld [tilespmem:s0+$0x0]  }
0x2d2: {  	v12 =	vld [tilespmem:s0+$0xFFFFF000]  }
0x2d3: {  	v14 =	vld [tilespmem:s0+$0xFFFFF800]  }
0x2d4: {  	v19 =	vld [tilespmem:s0+$0x800]  }
0x2d5: {  	v16 =	vld [tilespmem:s0+$0x820]  }
0x2d6: {  	v23 =	vld [tilespmem:s0+$0x20]  }
0x2d7: {  	v22 =	vld [tilespmem:s0+$0xFFFFF820]  }
0x2d8: {  	v18 =	vld [tilespmem:s0+$0x850]  }
0x2d9: {  	v11 =	vld [tilespmem:s0+$0x50]  }
0x2da: {  	v20 =	vld [tilespmem:s0+$0xFFFFF850]  }
0x2db: {  	v21 =	vld [tilespmem:s0+$0xFFFFF870]  }
0x2dc: {  	v28 =	vld [tilespmem:s0+$0xFFFFF050]  }
0x2dd: {  	v24 =	vld [tilespmem:s0+$0x810]  }
0x2de: {  	v10 =	vld [tilespmem:s0+$0x10]  }
0x2df: {  	v29 =	vld [tilespmem:s0+$0xFFFFF070]  }
0x2e0: {  	v25 =	vld [tilespmem:s0+$0xFFFFF830]  }
0x2e1: {  	v26 =	vmov s15;
	v27 =	vld [tilespmem:s0+$0xFFFFF810]  }
0x2e2: {  	v30 =	vld [tilespmem:s0+$0xFFFFF010]  }
0x2e3: {  	v31 =	vld [tilespmem:s0+$0x870]  }
0x2e4: {  	v13 =	vld [tilespmem:s0+$0x70]  }
0x2e5: {  	v52 =	vld [tilespmem:s0+$0xFFFFF860]  }
0x2e6: {  	v53 =	vld.idx.msk [tilespmem:v26+s26+$0x0], $0xffff  }
0x2e7: {  	v15 =	vld [tilespmem:s0+$0xFFFFF060]  }
0x2e8: {  	v55 =	vld [tilespmem:s0+$0xFFFFF840];
	v26 =	vor.u32 $0x10, v26  }
0x2e9: {  	v38 =	vld [tilespmem:s0+$0xFFFFF040];
	v54 =	vsub.bf16 v16, v23  }
0x2ea: {  	v41 =	vld [tilespmem:s0+$0xFFFFF020];
	v36 =	vsub.bf16 v14, v12;
	v37 =	vsub.bf16 v18, v11  }
0x2eb: {  	v39 =	vsub.bf16 v20, v28;
	v16 =	vld [tilespmem:s0+$0xFFFFF030];
	v40 =	vsub.bf16 v21, v29  }
0x2ec: {  	v20 =	vsub.bf16 v31, v13;
	v21 =	vsub.bf16 v27, v30;
	v31 =	vld [tilespmem:s0+$0x830]  }
0x2ed: {  	v14 =	vsub.bf16 v24, v10;
	v18 =	vpack.i.f32.bf16 v53, v53;
	v24 =	vsub.bf16 v52, v15;
	v56 =	vld.idx.msk [tilespmem:v26+s26+$0x0], $0xffff  }
0x2ee: {  	v19 =	vsub.bf16 v19, v17;
	v27 =	vmul.bf16 v36, v18;
	v26 =	vmul.bf16 v21, v18;
	v21 =	vld [tilespmem:s0+$0x30]  }
0x2ef: {  	v57 =	vsub.bf16 v55, v38;
	v22 =	vsub.bf16 v22, v41;
	v20 =	vmul.bf16 v20, v18  }
0x2f0: {  	v42 =	vld [tilespmem:s0+$0x860];
	v19 =	vmul.bf16 v19, v18;
	v59 =	vmul.bf16 v39, v18;
	v27 =	vadd.bf16 v27, v12  }
0x2f1: {  	v60 =	vmul.bf16 v22, v18;
	v12 =	vadd.bf16 v26, v30;
	v58 =	vsub.bf16 v25, v16;
	v25 =	vld [tilespmem:s0+$0x60]  }
0x2f2: {  	v30 =	vmul.bf16 v40, v18;
	v19 =	vadd.bf16 v19, v17;
	v22 =	vadd.bf16 v59, v28;
	v28 =	vld [tilespmem:s0+$0x40]  }
0x2f3: {  	v24 =	vmul.bf16 v24, v18;
	v62 =	vmul.bf16 v54, v18;
	v63 =	vsub.bf16 v31, v21;
	v31 =	vld [tilespmem:s0+$0x840]  }
0x2f4: {  	v61 =	vmul.bf16 v57, v18;
	v17 =	vadd.bf16 v30, v29;
	v29 =	vsub.bf16 v19, v27  }
0x2f5: {  	v26 =	vmul.bf16 v37, v18;
	v35 =	vadd.bf16 v62, v23;
	v19 =	vpack.i.f32.bf16 v56, v56  }
0x2f6: {  	v23 =	vadd.bf16 v61, v38;
	v33 =	vmul.bf16 v29, v19;
	v34 =	vsub.bf16 v42, v25  }
0x2f7: {  	s6 =	simm.s32 $0x62C0;
	s8 =	simm.s32 $0x1;
	s1 =	simm.s32 $0x62C0;
	v30 =	vmul.bf16 v58, v18;
	v29 =	vadd.bf16 v60, v41;
	v32 =	vmul.bf16 v63, v18  }
.LBB2_14:
0x2f8: {  	p0 =	sne.s32 s8, $0xF;
	v27 =	vadd.bf16 v33, v27;
	v31 =	vsub.bf16 v31, v28;
	v33 =	vmul.bf16 v34, v18;
	s0 =	sadd.s32 $0x80, s0;
	s6 =	sadd.s32 $0x80, s6  }
0x2f9: {  	v14 =	vmul.bf16 v14, v18;
	v15 =	vadd.bf16 v24, v15;
	s9 =	smov.u32 s8;
	s8 =	sadd.s32 $0x1, s8;
	v34 =	vsub.bf16 v35, v29  }
0x2fa: {  	v13 =	vadd.bf16 v20, v13;
	[tilespmem:s1+$0xFFFFFFC0] =	vst v27;
	v18 =	vmul.bf16 v31, v18;
	v24 =	vadd.bf16 v33, v25  }
0x2fb: {  	v16 =	vadd.bf16 v30, v16;
	v11 =	vadd.bf16 v26, v11;
	v20 =	vmul.bf16 v34, v19  }
0x2fc: {  	v21 =	vadd.bf16 v32, v21;
	v18 =	vadd.bf16 v18, v28  }
0x2fd: {  	v11 =	vsub.bf16 v11, v22;
	v26 =	vld [tilespmem:s0+$0x0];
	v20 =	vadd.bf16 v20, v29  }
0x2fe: {  	v24 =	vsub.bf16 v24, v15;
	v25 =	vld [tilespmem:s0+$0xFFFFF000];
	v18 =	vsub.bf16 v18, v23  }
0x2ff: {  	v10 =	vadd.bf16 v14, v10;
	v13 =	vsub.bf16 v13, v17;
	v11 =	vmul.bf16 v11, v19;
	v27 =	vld [tilespmem:s0+$0xFFFFF800]  }
0x300: {  	v14 =	vsub.bf16 v21, v16;
	v28 =	vld [tilespmem:s0+$0x800];
	[tilespmem:s1+$0xFFFFFFE0] =	vst v20;
	v18 =	vmul.bf16 v18, v19;
	v20 =	vmul.bf16 v24, v19  }
0x301: {  	v13 =	vmul.bf16 v13, v19;
	v11 =	vadd.bf16 v11, v22;
	v21 =	vld [tilespmem:s0+$0x820]  }
0x302: {  	v10 =	vsub.bf16 v10, v12;
	v14 =	vmul.bf16 v14, v19;
	v32 =	vld [tilespmem:s0+$0x20];
	v15 =	vadd.bf16 v20, v15  }
0x303: {  	v13 =	vadd.bf16 v13, v17;
	v18 =	vadd.bf16 v18, v23;
	v22 =	vld [tilespmem:s0+$0xFFFFF820];
	[tilespmem:s1+$0x10] =	vst v11  }
0x304: {  	v10 =	vmul.bf16 v10, v19;
	v14 =	vadd.bf16 v14, v16;
	v17 =	vld [tilespmem:s0+$0x850];
	[tilespmem:s1+$0x20] =	vst v15  }
0x305: {  	v11 =	vld [tilespmem:s0+$0x50];
	[tilespmem:s1+$0x30] =	vst v13  }
0x306: {  	v10 =	vadd.bf16 v10, v12;
	v13 =	vld [tilespmem:s0+$0xFFFFF850];
	[tilespmem:s1+$0x0] =	vst v18  }
0x307: {  	v19 =	vsub.bf16 v21, v32;
	v12 =	vld [tilespmem:s0+$0xFFFFF870];
	[tilespmem:s1+$0xFFFFFFF0] =	vst v14  }
0x308: {  	v20 =	vsub.bf16 v27, v25;
	v23 =	vld [tilespmem:s0+$0xFFFFF050];
	[tilespmem:s1+$0xFFFFFFD0] =	vst v10;
	s1 =	smov.u32 s6  }
0x309: {  	v14 =	vld [tilespmem:s0+$0x810]  }
0x30a: {  	v10 =	vld [tilespmem:s0+$0x10];
	v17 =	vsub.bf16 v17, v11  }
0x30b: {  	v29 =	vld [tilespmem:s0+$0xFFFFF070]  }
0x30c: {  	v30 =	vld [tilespmem:s0+$0xFFFFF830]  }
0x30d: {  	v15 =	vmov s9;
	v18 =	vld [tilespmem:s0+$0xFFFFF810]  }
0x30e: {  	v21 =	vor.u32 $0x10, v15;
	v33 =	vsub.bf16 v13, v23;
	v31 =	vld [tilespmem:s0+$0xFFFFF010]  }
0x30f: {  	v14 =	vsub.bf16 v14, v10;
	v16 =	vld [tilespmem:s0+$0x870]  }
0x310: {  	v13 =	vld [tilespmem:s0+$0x70];
	v34 =	vsub.bf16 v12, v29  }
0x311: {  	v12 =	vld [tilespmem:s0+$0xFFFFF860]  }
0x312: {  	v24 =	vld.idx.msk [tilespmem:v15+s26+$0x0], $0xffff  }
0x313: {  	v15 =	vld [tilespmem:s0+$0xFFFFF060]  }
0x314: {  	v27 =	vld [tilespmem:s0+$0xFFFFF840]  }
0x315: {  	v36 =	vld [tilespmem:s0+$0xFFFFF040];
	v35 =	vsub.bf16 v16, v13  }
0x316: {  	v16 =	vld [tilespmem:s0+$0xFFFFF030]  }
0x317: {  	v37 =	vsub.bf16 v18, v31;
	v38 =	vld [tilespmem:s0+$0xFFFFF020]  }
0x318: {  	v28 =	vsub.bf16 v28, v26;
	v18 =	vpack.i.f32.bf16 v24, v24;
	v39 =	vld [tilespmem:s0+$0x860];
	v12 =	vsub.bf16 v12, v15  }
0x319: {  	v40 =	vmul.bf16 v20, v18;
	v20 =	vmul.bf16 v35, v18;
	v41 =	vld [tilespmem:s0+$0x830]  }
0x31a: {  	v37 =	vmul.bf16 v37, v18;
	v35 =	vld.idx.msk [tilespmem:v21+s26+$0x0], $0xffff;
	v42 =	vsub.bf16 v27, v36;
	v24 =	vmul.bf16 v12, v18  }
0x31b: {  	v28 =	vmul.bf16 v28, v18;
	v27 =	vadd.bf16 v40, v25;
	v21 =	vld [tilespmem:s0+$0x30];
	v30 =	vsub.bf16 v30, v16  }
0x31c: {  	v34 =	vmul.bf16 v34, v18;
	v12 =	vadd.bf16 v37, v31;
	v22 =	vsub.bf16 v22, v38;
	v25 =	vld [tilespmem:s0+$0x60]  }
0x31d: {  	v33 =	vmul.bf16 v33, v18;
	v37 =	vadd.bf16 v28, v26;
	v26 =	vmul.bf16 v17, v18;
	v31 =	vld [tilespmem:s0+$0x840]  }
.Ltmp6:
0x31e: {  	v17 =	vadd.bf16 v34, v29;
	v42 =	vmul.bf16 v42, v18;
	v40 =	vmul.bf16 v22, v18;
	v28 =	vld [tilespmem:s0+$0x40];
	(pc) =	sbr.rel @p0 .LBB2_14-.Ltmp6, $4  }
0x31f: {  	v29 =	vsub.bf16 v37, v27;
	v37 =	vmul.bf16 v19, v18;
	v30 =	vmul.bf16 v30, v18  }
0x320: {  	v22 =	vadd.bf16 v33, v23;
	v19 =	vpack.i.f32.bf16 v35, v35;
	v41 =	vsub.bf16 v41, v21  }
0x321: {  	v33 =	vmul.bf16 v29, v19;
	v29 =	vadd.bf16 v40, v38;
	v34 =	vsub.bf16 v39, v25  }
0x322: {  	v23 =	vadd.bf16 v42, v36;
	v35 =	vadd.bf16 v37, v32;
	v32 =	vmul.bf16 v41, v18  }
0x323: {  	v27 =	vadd.bf16 v33, v27;
	v31 =	vsub.bf16 v31, v28  }
0x324: {  	v15 =	vadd.bf16 v24, v15;
	v11 =	vadd.bf16 v26, v11  }
0x325: {  	v54 =	vmul.bf16 v34, v18;
	v13 =	vadd.bf16 v20, v13;
	v16 =	vadd.bf16 v30, v16  }
0x326: {  	v14 =	vmul.bf16 v14, v18;
	v55 =	vsub.bf16 v35, v29;
	v21 =	vadd.bf16 v32, v21  }
0x327: {  	v56 =	vadd.bf16 v54, v25;
	v57 =	vmul.bf16 v31, v18;
	v11 =	vsub.bf16 v11, v22  }
0x328: {  	v13 =	vsub.bf16 v13, v17;
	v58 =	vmul.bf16 v55, v19;
	v21 =	vsub.bf16 v21, v16  }
0x329: {  	v10 =	vadd.bf16 v14, v10;
	v24 =	vsub.bf16 v56, v15;
	v11 =	vmul.bf16 v11, v19  }
0x32a: {  	v59 =	vadd.bf16 v57, v28;
	v20 =	vadd.bf16 v58, v29;
	v61 =	vmul.bf16 v21, v19  }
0x32b: {  	[tilespmem:s1+$0xFFFFFFC0] =	vst v27;
	v10 =	vsub.bf16 v10, v12;
	v60 =	vmul.bf16 v24, v19;
	v11 =	vadd.bf16 v11, v22  }
0x32c: {  	v13 =	vmul.bf16 v13, v19;
	v18 =	vsub.bf16 v59, v23;
	[tilespmem:s1+$0xFFFFFFE0] =	vst v20;
	v63 =	vadd.bf16 v61, v16  }
0x32d: {  	v10 =	vmul.bf16 v10, v19;
	v14 =	vadd.bf16 v60, v15;
	[tilespmem:s1+$0x10] =	vst v11  }
0x32e: {  	v18 =	vmul.bf16 v18, v19;
	v11 =	vadd.bf16 v13, v17;
	[tilespmem:s1+$0xFFFFFFF0] =	vst v63  }
0x32f: {  	v10 =	vadd.bf16 v10, v12;
	[tilespmem:s1+$0x20] =	vst v14  }
0x330: {  	v62 =	vadd.bf16 v18, v23;
	[tilespmem:s1+$0x30] =	vst v11  }
0x331: {  	[tilespmem:s1+$0xFFFFFFD0] =	vst v10  }
0x332: {  	s0 =	rddreg [dreg:$0x6];
	[tilespmem:s1+$0x0] =	vst v62  }
0x333: {  	[hbm4b:s0+s2] =	stream.linear.scatter [tilespmem:s28], [sflag:$0x4], $0x800, $0x38;
	[tilespmem:$0x6A80] =	vst v63  }
0x334: {  	_ =	swait.ge [sflag:s29], $0x800  }
0x335: {  	[sflag:s29] =	ssyncset.done $0x0  }
0x336: {  	[sflag:s29] =	ssyncadd.s32 $0xFFFFF800  }
0x337: {  	_ =	swait.ge [sflag:s30], $0x800  }
0x338: {  	s31 =	sadd.s32 $0x1, s31;
	s15 =	rddreg [dreg:$0x7]  }
0x339: {  	p0 =	sne.s32 s31, s15  }
.Ltmp7:
0x33a: {  	_ = 	snop;
	(pc) =	sbr.rel @p0 .LBB2_1-.Ltmp7, $3  }
0x33b: {  	_ =	sdelay $0x1  }
0x33c: {  	[sflag:s30] =	ssyncset.done $0x0  }
0x33d: {  	[sflag:s30] =	ssyncadd.s32 $0xFFFFF800  }
0x33e: {  	_ =	sfence.sel $0x180000  }
0x33f: {  	[bflag:$0x0] =	sbarrier.arrive $0xFFFF  }
0x340: {  	_ =	strace $0x9000004D  }
0x341: {  	s0 =	stileid.u32;
	[bflag:$0x2] =	sbarrier.arrive $0xFFFF  }
0x342: {  	p0 =	sne.s32 s0, $0x0;
	s0 =	rddreg [dreg:$0x1]  }
0x343: {  	s0 =	sadd.s32 @!p0 $0x100000, s0  }
0x344: {  	[sflag:s0] =	ssyncadd.tile.s32 @!p0 $0x1;
	_ =	shalt  }
.Lfunc_end2:
_tile_overlayer_lowered:
.L_overlay_start_2:
0x345: {  	(tag) =	ssettag $0x2  }
0x346: {  	s0 =	rddreg [dreg:$0x0];
	s2 =	stileid.u32  }
0x347: {  	s1 =	rddreg [dreg:$0x1];
	p0 =	sne.s32 s2, $0x0  }
0x348: {  	s3 =	rddreg [dreg:$0x2];
	[bflag:$0x3] =	sbarrier.arrive $0xFFFF;
	s2 =	simm.s32 @!p0 $0x1C05  }
0x349: {  	[timem:s3], [sflag:s2] =	dma.local @!p0 [hbm:s0], s1  }
0x34a: {  	s0 =	simm.s32 @!p0 $0x5  }
0x34b: {  	_ =	swait.ge @!p0 [sflag:s0], s1  }
0x34c: {  	s1 =	ssub.s32 @!p0 $0x0, s1;
	[sflag:s0] =	ssyncset.done @!p0 $0x0  }
0x34d: {  	[sflag:s0] =	ssyncadd.s32 @!p0 s1  }
0x34e: {  	[bflag:$0x3] =	sbarrier.arrive $0xFFFF  }
0x34f: {  	_ =	shalt  }

// kernel: sparse-core-data-format-call.1.cloned.1.call-start
scs
called_computation.1_lowered:
.L_overlay_start_0:
0x0: {  	s2 =	sld [smem:$0x3FD9]  }
0x1: {  	s3 =	sld [smem:$0x3FFE];
	_ =	sdelay $0x1  }
0x2: {  	s1 =	srdreg.scid  }
0x3: {  	s0 =	sand.u32 $0x1, s1  }
0x4: {  	s18 =	sshll.u32 s0, $0xA;
	s2 =	sadd.s32 s3, s2  }
0x5: {  	s2 =	sadd.s32 s2, s18  }
0x6: {  	[smem:$0x3FC3] =	sst s2  }
0x7: {  	_ = 	snop  }
0x8: {  	s2 =	sld [smem:$0x3FD0];
	(tm) =	ssettm $0x1  }
0x9: {  	s19 =	sld [smem:$0x3FFB];
	_ =	sdelay $0x3  }
0xa: {  	_ =	strace s19  }
0xb: {  	s3 =	sld [smem:$0x3FFC];
	_ =	sdelay $0x3  }
0xc: {  	_ =	strace s3  }
0xd: {  	s3 =	sld [smem:$0x3FFD];
	_ =	sdelay $0x3  }
0xe: {  	_ =	strace s3  }
0xf: {  	_ =	strace $0x8FFFFFFF  }
0x10: {  	s20 =	sld [smem:$0x3FDB];
	_ =	sdelay $0x1  }
0x11: {  	s4 =	simm.s32 $_scs_section_size  }
0x12: {  	s5 =	simm.s32 $_size__tile_overlayer_lowered;
	s6 =	simm.s32 $_tile_overlayer_lowered  }
0x13: {  	s23 =	simm.s32 $0x1BFF;
	s22 =	sshll.u32 s6, $0x1;
	s3 =	sadd.s32 s4, s20  }
0x14: {  	s7 =	simm.s32 $0x0;
	s21 =	sshll.u32 s5, $0x1;
	s5 =	sadd.s32 s22, s3  }
0x15: {  	[timem:s7], [sflag:s23] =	dma.local [hbm:s5], s21  }
0x16: {  	_ =	swait.ge [sflag:s23], s21  }
0x17: {  	s4 =	ssub.s32 $0x0, s21;
	[sflag:s23] =	ssyncset.done $0x0  }
0x18: {  	[sflag:s23] =	ssyncadd.s32 s4;
	_ =	sdelay $0x1  }
0x19: {  	s24 =	simm.s32 $0x1B8B  }
0x1a: {  	_ =	swait.ge [sflag:s24], $0x1  }
0x1b: {  	[sflag:s24] =	ssyncset.done $0x0  }
0x1c: {  	s26 =	simm.s32 $0x1B8E;
	s25 =	sld [smem:$0x3FFE];
	[sflag:s24] =	ssyncadd.s32 $0xFFFFFFFF  }
0x1d: {  	s27 =	simm.s32 $execute0_lowered;
	[smem:$0x3FD2] =	sst s26  }
0x1e: {  	s5 =	sshll.u32 s27, $0x1;
	_ =	strace $0x80000046;
	[dreg:$0x1] =	wrdreg $0xFFFFFFFF  }
0x1f: {  	s28 =	simm.s32 $_size_execute0_lowered;
	s3 =	sadd.s32 s3, s5;
	[dreg:$0x0] =	wrdreg $0x0  }
0x20: {  	s5 =	sshll.u32 s28, $0x1;
	[dreg:$0x2] =	wrdreg s3  }
0x21: {  	[dreg:$0x3] =	wrdreg s5  }
0x22: {  	[dreg:$0x4] =	wrdreg $0xC0  }
0x23: {  	_ =	task [dreg:s7], $0x5FFFF  }
0x24: {  	[dreg:$0x1] =	wrdreg $0xFFFFFFFF  }
0x25: {  	[dreg:$0x0] =	wrdreg $0x60  }
0x26: {  	[dreg:$0x2] =	wrdreg s2  }
0x27: {  	[dreg:$0x3] =	wrdreg s25  }
0x28: {  	[dreg:$0x4] =	wrdreg $0x9  }
0x29: {  	_ =	task.clear_ibuf [dreg:s7], $0x5FFFF;
	_ =	strace $0x90000046  }
0x2a: {  	s29 =	simm.s32 $0x9;
	_ =	strace $0x80000048  }
0x2b: {  	_ =	swait.ge [sflag:s29], $0x1  }
0x2c: {  	[sflag:s29] =	ssyncadd.s32 $0xFFFFFFFF  }
0x2d: {  	_ =	strace $0x90000048  }
0x2e: {  	_ =	sfence  }
0x2f: {  	s30 =	sld [smem:$0x0];
	_ =	sdelay $0x2  }
0x30: {  	s31 =	sshll.u32 s1, $0xD;
	s1 =	sshrl.u32 s1, $0x2  }
0x31: {  	s3 =	sand.u32 $0x4000, s31;
	s1 =	sadd.s32 s1, s30  }
0x32: {  	s0 =	sor.u32 s3, s0;
	s1 =	sshll.u32 s1, $0x11  }
0x33: {  	s0 =	sor.u32 s1, s0  }
0x34: {  	s0 =	sadd.s32 $0x8F2B, s0  }
0x35: {  	[sflag:s0] =	ssyncadd.remote.s32 $0x1  }
0x36: {  	_ =	sfence.sel $0xFFFF  }
0x37: {  	[dreg:$0x0] =	wrdreg $0xFFFFFFFF;
	(pc) =	sbr.abs _section_cstart, $3  }
0x38: {  	[dreg:$0x1] =	wrdreg $0xFFFFFFFF  }
0x39: {  	_ =	task.clear_ibuf [dreg:s7], $0x2FFFF;
	_ =	strace $0x9FFFFFFF  }
0x3a: {  	(tm) =	ssettm $0x7FFFFFFF  }
0x3b: {  	_ =	shalt  }
tec
execute0_lowered:
.L_overlay_start_1:
0x0: {  	(tag) =	ssettag $0x1  }
0x1: {  	s1 =	srdreg.scid  }
0x2: {  	s0 =	stileid.u32;
	s7 =	rddreg [dreg:$0x1]  }
0x3: {  	s31 =	simm.s32 $0x2;
	s16 =	simm.s32 $0x0;
	s10 =	simm.s32 $0x800  }
0x4: {  	s15 =	simm.s32 $0x0;
	s17 =	simm.s32 $0x0;
	s1 =	sshll.u32 s1, $0x4  }
0x5: {  	s14 =	simm.s32 $0x0;
	s2 =	sshll.u32 s0, $0x5;
	s1 =	sor.u32 s0, s1  }
0x6: {  	s7 =	sadd.s32 $0x1200, s7;
	s3 =	sshrl.u32 s1, $0x2;
	s1 =	sand.u32 $0x80, s2  }
0x7: {  	s2 =	sand.u32 $0x6, s3;
	s3 =	rddreg [dreg:$0x0];
	s4 =	ssub.s32 $0x100, s1  }
0x8: {  	s12 =	smov.u32 s1;
	s5 =	ssub.s32 $0x80, s2;
	s6 =	sshrl.u32 s4, $0x8  }
0x9: {  	s4 =	sshrl.u32 s4, $0x7;
	s11 =	smov.u32 s2;
	s8 =	sand.u32 $0x6, s5  }
0xa: {  	s9 =	sand.u32 $0x1, s4;
	p0 =	sne.s32 s8, $0x0;
	s8 =	simm.s32 $0x1  }
.Ltmp0:
0xb: {  	s5 =	sshrl.u32 s5, $0x3;
	s8 =	simm.s32 @!p0 $0x0;
	(pc) =	sbr.rel .LBB1_1-.Ltmp0, $4  }
0xc: {  	s4 =	rddreg [dreg:$0x2];
	s6 =	sadd.s32 s6, s9;
	s8 =	sadd.s32 s8, s5  }
0xd: {  	_ =	strace $0x80000047;
	s5 =	simm.s32 $0x1;
	s6 =	smul.u32 s6, s8  }
0xe: {  	p0 =	por $0x0, $0x0;
	[sflag:s5] =	ssyncpa.u1 $0x0;
	s8 =	sand.u32 $0x3, s0  }
0xf: {  	[sflag:s31] =	ssyncpa.u1 $0x0;
	s13 =	smov.u32 s8;
	s9 =	sadd.s32 $0x1, s6  }
.LBB1_4:
0x10: {  	v11 =	vld [tilespmem:s21+$0xFFFFFFE0];
	v12 =	vcombine.low v6, v7  }
0x11: {  	v3 =	vperm.xlane.i2c.b16 v3;
	[tilespmem:s23+$0x3870 ss:$0x81] =	vst.msk $0xffff, v9;
	v45 =	vld [tilespmem:s21+$0xFFFFFFF0];
	v4 =	vperm.xlane.i2c.b16 v4  }
0x12: {  	v46 =	vcombine.high v6, v7;
	[tilespmem:s20+$0x2040 ss:$0x81] =	vst.msk $0xffff, v10;
	v47 =	vld [tilespmem:s21+$0x0];
	v5 =	vperm.xlane.i2c.b16 v5  }
0x13: {  	v49 =	vld [tilespmem:s21+$0x10];
	v1 =	vperm.xlane.i2c.b16 v1;
	[tilespmem:s23+$0x810 ss:$0x81] =	vst.msk $0xffff, v12;
	v48 =	vcombine.low v8, v3  }
0x14: {  	v51 =	vld [tilespmem:s21+$0xFFFFFFC0];
	v58 =	vperm.xlane.i2c.b16 v2;
	v50 =	vcombine.low v4, v0;
	[tilespmem:s23+$0x2850 ss:$0x81] =	vst.msk $0xffff, v46  }
0x15: {  	s27 =	sshra.s32 s22, $0x2;
	v3 =	vcombine.high v8, v3;
	v52 =	vcombine.low v1, v5;
	[tilespmem:s23+$0x1020 ss:$0x81] =	vst.msk $0xffff, v48  }
0x16: {  	s18 =	sadd.s32 s27, s18;
	v1 =	vcombine.high v1, v5;
	v55 =	vcombine.high v4, v0;
	[tilespmem:s23+$0x0 ss:$0x81] =	vst.msk $0xffff, v50  }
0x17: {  	[tilespmem:s18+$0x1830 ss:$0x81] =	vst.msk $0xffff, v52;
	v11 =	vperm.xlane.i2c.b16 v11;
	v53 =	vperm.xlane.i2c.b16 v45  }
0x18: {  	[tilespmem:s23+$0x3060 ss:$0x81] =	vst.msk $0xffff, v3;
	v54 =	vperm.xlane.i2c.b16 v47;
	v57 =	vperm.xlane.i2c.b16 v49  }
0x19: {  	[tilespmem:s18+$0x3870 ss:$0x81] =	vst.msk $0xffff, v1;
	v60 =	vperm.xlane.i2c.b16 v51;
	v56 =	vcombine.low v11, v53  }
0x1a: {  	[tilespmem:s23+$0x2040 ss:$0x81] =	vst.msk $0xffff, v55;
	v61 =	vcombine.low v54, v57  }
0x1b: {  	v63 =	vcombine.low v60, v58;
	[tilespmem:s18+$0x810 ss:$0x81] =	vst.msk $0xffff, v56  }
0x1c: {  	s17 =	sshll.u32 s17, $0x12;
	v59 =	vcombine.high v11, v53;
	[tilespmem:s18+$0x1020 ss:$0x81] =	vst.msk $0xffff, v61  }
0x1d: {  	s28 =	sand.u32 $0x780, s15;
	s16 =	sshll.u32 s16, $0xB;
	s17 =	sadd.s32 s7, s17;
	v62 =	vcombine.high v54, v57;
	[tilespmem:s18+$0x0 ss:$0x81] =	vst.msk $0xffff, v63  }
0x1e: {  	s29 =	sshrl.u32 s15, $0x3;
	s30 =	sand.u32 $0x7, s15;
	s17 =	sadd.s32 s28, s17;
	v0 =	vcombine.high v60, v58;
	[tilespmem:s18+$0x2850 ss:$0x81] =	vst.msk $0xffff, v59  }
0x1f: {  	s31 =	sand.u32 $0xF, s29;
	s15 =	sshll.u32 s30, $0x12;
	s16 =	sadd.s32 s16, s17;
	[tilespmem:s18+$0x3060 ss:$0x81] =	vst.msk $0xffff, v62  }
0x20: {  	s15 =	sor.u32 $0x400, s15;
	s16 =	sadd.s32 s31, s16;
	[tilespmem:s18+$0x2040 ss:$0x81] =	vst.msk $0xffff, v0  }
0x21: {  	[hbm4b:s16+s15] =	stream.strided.scatter [tilespmem:s19], [sflag:$0x2], $0x4000, s10, s15, $0x20;
	[tilespmem:$0x10100] =	vst v63  }
.LBB1_5:
0x22: {  	s18 =	sadd.s32 $0x8, s11  }
0x23: {  	s15 =	sadd.s32 $0x100, s12;
	s19 =	smov.u32 s12;
	p2 =	sgt.s32 s18, $0x7F  }
0x24: {  	s19 =	smov.u32 @p2 s15  }
0x25: {  	s21 =	smov.u32 s13;
	s15 =	sadd.s32 $0x4, s13;
	p3 =	sgt.s32 s19, $0xFF  }
0x26: {  	s21 =	smov.u32 @p3 s15  }
0x27: {  	s18 =	smov.u32 @p2 s2;
	p2 =	sgt.s32 s21, $0x3  }
0x28: {  	p1 =	slt.u32 s14, $0x2;
	s21 =	smov.u32 @p2 s8;
	p2 =	sne.s32 s14, s9  }
.Ltmp1:
0x29: {  	s20 =	simm.s32 @!p1 $0x2;
	(pc) =	sbr.rel @!p2 .LBB1_6-.Ltmp1, $4  }
0x2a: {  	s16 =	smov.u32 s11;
	s17 =	smov.u32 s13;
	_ =	swait.ge @!p1 [sflag:s20], $0x4000  }
0x2b: {  	p0 =	por !p0, !p0;
	[sflag:s20] =	ssyncset.done @!p1 $0x0;
	s11 =	smov.u32 s18  }
0x2c: {  	s19 =	smov.u32 @p3 s1;
	s15 =	smov.u32 s12;
	[sflag:s20] =	ssyncadd.s32 @!p1 $0xFFFFC000  }
0x2d: {  	s12 =	smov.u32 s19;
	s14 =	sadd.s32 $0x1, s14;
	s13 =	smov.u32 s21  }
.LBB1_1:
0x2e: {  	p1 =	sge.u32 s14, s6;
	s31 =	sadd.s32 $0xFFFFFFFF, s14  }
0x2f: {  	s18 =	sshll.u32 @!p1 s13, $0x12;
	s19 =	sshll.u32 @!p1 s12, $0xA;
	s20 =	sshll.u32 @!p1 s11, $0x3  }
0x30: {  	s21 =	sxor.u32 @!p1 $0xFFFFFFFF, s14;
	s18 =	sadd.s32 @!p1 s3, s18;
	s20 =	sand.u32 @!p1 $0x3F0, s20  }
0x31: {  	s18 =	sadd.s32 @!p1 s19, s18;
	s19 =	sshll.u32 @!p1 s21, $0xE;
	s21 =	simm.s32 @!p1 $0x2000  }
0x32: {  	s18 =	sadd.s32 @!p1 s20, s18;
	s19 =	sand.u32 @!p1 $0x4000, s19;
	s20 =	simm.s32 @!p1 $0x80  }
0x33: {  	[tilespmem:s19], [sflag:$0x1] =	stream.strided.gather @!p1 [hbm4b:s18+s20], $0x4000, s21, s20, $0x38;
	[tilespmem:$0x10100] =	vst v63  }
0x34: {  	p1 =	sge.u32 s31, s6  }
.Ltmp2:
0x35: {  	_ = 	snop;
	(pc) =	sbr.rel @p1 .LBB1_5-.Ltmp2, $1  }
0x36: {  	_ =	sdelay $0x3  }
0x37: {  	s18 =	simm.s32 $0x1  }
0x38: {  	_ =	swait.ge [sflag:s5], $0x4000;
	s18 =	simm.s32 @!p0 $0x0  }
0x39: {  	[sflag:s5] =	ssyncset.done $0x0;
	s19 =	sshll.u32 s18, $0xE  }
0x3a: {  	[sflag:s5] =	ssyncadd.s32 $0xFFFFC000;
	s19 =	sor.u32 $0x40, s19  }
0x3b: {  	v0 =	vld [tilespmem:s19+$0x20]  }
0x3c: {  	v1 =	vld [tilespmem:s19+$0x30]  }
0x3d: {  	v2 =	vld [tilespmem:s19+$0xFFFFFFD0]  }
0x3e: {  	v3 =	vld [tilespmem:s19+$0xFFFFFFE0]  }
0x3f: {  	v4 =	vld [tilespmem:s19+$0xFFFFFFF0]  }
0x40: {  	v5 =	vld [tilespmem:s19+$0x0]  }
0x41: {  	v6 =	vld [tilespmem:s19+$0x10]  }
0x42: {  	v7 =	vld [tilespmem:s19+$0xFFFFFFC0]  }
0x43: {  	s18 =	smul.u32 $0x10200, s18;
	v1 =	vperm.xlane.i2c.b16 v1;
	v0 =	vperm.xlane.i2c.b16 v0  }
0x44: {  	s19 =	sadd.s32 $0x80, s19;
	v10 =	vperm.xlane.i2c.b16 v2;
	v3 =	vperm.xlane.i2c.b16 v3  }
0x45: {  	s18 =	sshrl.u32 s18, $0x2;
	v9 =	vld [tilespmem:s19+$0x30];
	v4 =	vperm.xlane.i2c.b16 v4;
	v5 =	vperm.xlane.i2c.b16 v5  }
0x46: {  	s18 =	sor.u32 $0x8000, s18;
	v2 =	vld [tilespmem:s19+$0x20];
	v6 =	vperm.xlane.i2c.b16 v6;
	v8 =	vcombine.low v0, v1  }
0x47: {  	v12 =	vld [tilespmem:s19+$0xFFFFFFF0];
	s20 =	sadd.s32 $0x0, s18;
	v13 =	vperm.xlane.i2c.b16 v7;
	v11 =	vcombine.low v3, v4  }
0x48: {  	v0 =	vcombine.high v0, v1;
	v1 =	vld [tilespmem:s19+$0xFFFFFFD0];
	v7 =	vcombine.low v5, v6;
	[tilespmem:s20+$0x1830 ss:$0x81] =	vst.msk $0xffff, v8  }
0x49: {  	v8 =	vld [tilespmem:s19+$0xFFFFFFE0];
	[tilespmem:s20+$0x810 ss:$0x81] =	vst.msk $0xffff, v11  }
0x4a: {  	v14 =	vld [tilespmem:s19+$0x0];
	v9 =	vperm.xlane.i2c.b16 v9;
	v5 =	vcombine.high v5, v6;
	[tilespmem:s20+$0x1020 ss:$0x81] =	vst.msk $0xffff, v7  }
0x4b: {  	s21 =	sand.u32 $0x1, s14;
	[tilespmem:s20+$0x3870 ss:$0x81] =	vst.msk $0xffff, v0;
	v0 =	vcombine.high v3, v4;
	v3 =	vld [tilespmem:s19+$0x10];
	v2 =	vperm.xlane.i2c.b16 v2  }
0x4c: {  	s22 =	smul.u32 $0x10200, s21;
	s21 =	sadd.s32 $0x80, s19;
	v11 =	vcombine.low v13, v10;
	v7 =	vperm.xlane.i2c.b16 v12;
	v4 =	vld [tilespmem:s19+$0xFFFFFFC0];
	[tilespmem:s20+$0x3060 ss:$0x81] =	vst.msk $0xffff, v5  }
0x4d: {  	v5 =	vld [tilespmem:s21+$0x30];
	[tilespmem:s20+$0x2850 ss:$0x81] =	vst.msk $0xffff, v0;
	v0 =	vperm.xlane.i2c.b16 v1;
	v15 =	vcombine.low v2, v9  }
0x4e: {  	s31 =	sshrl.u32 s22, $0x2;
	s23 =	sadd.s32 $0x1, s18;
	[tilespmem:s20+$0x0 ss:$0x81] =	vst.msk $0xffff, v11;
	v1 =	vld [tilespmem:s21+$0x20];
	v9 =	vcombine.high v2, v9;
	v6 =	vperm.xlane.i2c.b16 v8  }
0x4f: {  	s24 =	simm.s32 $0xC;
	s22 =	simm.s32 $0x8;
	v10 =	vcombine.high v13, v10;
	s19 =	sor.u32 $0x8000, s31;
	v2 =	vld [tilespmem:s21+$0xFFFFFFD0];
	v8 =	vperm.xlane.i2c.b16 v14;
	[tilespmem:s23+$0x1830 ss:$0x81] =	vst.msk $0xffff, v15  }
.LBB1_3:
0x50: {  	p1 =	sne.s32 s24, $0x1FC;
	v11 =	vld [tilespmem:s21+$0xFFFFFFE0];
	v12 =	vcombine.low v6, v7;
	v3 =	vperm.xlane.i2c.b16 v3;
	[tilespmem:s23+$0x3870 ss:$0x81] =	vst.msk $0xffff, v9  }
0x51: {  	v13 =	vperm.xlane.i2c.b16 v4;
	v4 =	vcombine.high v6, v7;
	v9 =	vld [tilespmem:s21+$0xFFFFFFF0];
	[tilespmem:s20+$0x2040 ss:$0x81] =	vst.msk $0xffff, v10;
	s20 =	smov.u32 s23  }
0x52: {  	v10 =	vld [tilespmem:s21+$0x0];
	[tilespmem:s20+$0x810 ss:$0x81] =	vst.msk $0xffff, v12;
	v6 =	vcombine.low v8, v3;
	v7 =	vcombine.high v8, v3  }
.Ltmp3:
0x53: {  	v8 =	vperm.xlane.i2c.b16 v5;
	v12 =	vperm.xlane.i2c.b16 v1;
	v3 =	vld [tilespmem:s21+$0x10];
	[tilespmem:s20+$0x2850 ss:$0x81] =	vst.msk $0xffff, v4;
	(pc) =	sbr.rel @p1 .LBB1_3-.Ltmp3, $4  }
0x54: {  	v14 =	vperm.xlane.i2c.b16 v2;
	v2 =	vcombine.low v13, v0;
	v4 =	vld [tilespmem:s21+$0xFFFFFFC0];
	s21 =	sadd.s32 $0x80, s21;
	[tilespmem:s20+$0x1020 ss:$0x81] =	vst.msk $0xffff, v6  }
0x55: {  	s23 =	sshra.s32 s22, $0x2;
	s22 =	smov.u32 s24;
	v1 =	vld [tilespmem:s21+$0x20];
	v6 =	vperm.xlane.i2c.b16 v11;
	v11 =	vcombine.low v12, v8;
	[tilespmem:s20+$0x3060 ss:$0x81] =	vst.msk $0xffff, v7  }
0x56: {  	s23 =	sadd.s32 s23, s18;
	v5 =	vld [tilespmem:s21+$0x30];
	v7 =	vperm.xlane.i2c.b16 v9;
	v9 =	vcombine.high v12, v8;
	[tilespmem:s20+$0x0 ss:$0x81] =	vst.msk $0xffff, v2  }
0x57: {  	s24 =	sadd.s32 $0x4, s24;
	v2 =	vld [tilespmem:s21+$0xFFFFFFD0];
	v8 =	vperm.xlane.i2c.b16 v10;
	[tilespmem:s23+$0x1830 ss:$0x81] =	vst.msk $0xffff, v11;
	v10 =	vcombine.high v13, v0;
	v0 =	vmov v14  }
.Ltmp4:
0x58: {  	_ = 	snop;
	(pc) =	sbr.rel .LBB1_4-.Ltmp4, $1  }
0x59: {  	_ =	sdelay $0x3  }
.LBB1_6:
0x5a: {  	_ =	sfence.sel $0x180000  }
0x5b: {  	s1 =	simm.s32 $0x1;
	[bflag:$0x0] =	sbarrier.arrive $0xFFFF  }
0x5c: {  	s31 =	simm.s32 $0x2;
	[sflag:s1] =	ssyncpa.u1 $0x1  }
0x5d: {  	[sflag:s31] =	ssyncpa.u1 $0x1  }
0x5e: {  	p0 =	sne.s32 s0, $0x0;
	_ =	strace $0x90000047  }
0x5f: {  	s0 =	sadd.s32 @!p0 $0x100000, s4;
	[bflag:$0x2] =	sbarrier.arrive $0xFFFF  }
0x60: {  	[sflag:s0] =	ssyncadd.tile.s32 @!p0 $0x1;
	_ =	shalt  }
.Lfunc_end1:
_tile_overlayer_lowered:
.L_overlay_start_2:
0x61: {  	(tag) =	ssettag $0x2  }
0x62: {  	s0 =	rddreg [dreg:$0x0];
	s2 =	stileid.u32  }
0x63: {  	s1 =	rddreg [dreg:$0x1];
	p0 =	sne.s32 s2, $0x0  }
0x64: {  	s3 =	rddreg [dreg:$0x2];
	[bflag:$0x3] =	sbarrier.arrive $0xFFFF;
	s2 =	simm.s32 @!p0 $0x1C01  }
0x65: {  	[timem:s3], [sflag:s2] =	dma.local @!p0 [hbm:s0], s1  }
0x66: {  	s0 =	simm.s32 @!p0 $0x1  }
0x67: {  	_ =	swait.ge @!p0 [sflag:s0], s1  }
0x68: {  	s1 =	ssub.s32 @!p0 $0x0, s1;
	[sflag:s0] =	ssyncset.done @!p0 $0x0  }
0x69: {  	[sflag:s0] =	ssyncadd.s32 @!p0 s1  }
0x6a: {  	[bflag:$0x3] =	sbarrier.arrive $0xFFFF  }
0x6b: {  	_ =	shalt  }

// kernel: sparse-core-data-format-call.cloned.1.call-start
scs
called_computation_lowered:
.L_overlay_start_0:
0x0: {  	s2 =	sld [smem:$0x3FD9]  }
0x1: {  	s3 =	sld [smem:$0x3FFE];
	_ =	sdelay $0x1  }
0x2: {  	s1 =	srdreg.scid  }
0x3: {  	s0 =	sand.u32 $0x1, s1  }
0x4: {  	s18 =	sshll.u32 s0, $0xA;
	s2 =	sadd.s32 s3, s2  }
0x5: {  	s2 =	sadd.s32 s2, s18  }
0x6: {  	[smem:$0x3FC3] =	sst s2  }
0x7: {  	_ = 	snop  }
0x8: {  	s2 =	sld [smem:$0x3FD0];
	(tm) =	ssettm $0x1  }
0x9: {  	s19 =	sld [smem:$0x3FFB];
	_ =	sdelay $0x3  }
0xa: {  	_ =	strace s19  }
0xb: {  	s3 =	sld [smem:$0x3FFC];
	_ =	sdelay $0x3  }
0xc: {  	_ =	strace s3  }
0xd: {  	s3 =	sld [smem:$0x3FFD];
	_ =	sdelay $0x3  }
0xe: {  	_ =	strace s3  }
0xf: {  	_ =	strace $0x8FFFFFFF  }
0x10: {  	s20 =	sld [smem:$0x3FDB];
	_ =	sdelay $0x1  }
0x11: {  	s4 =	simm.s32 $_scs_section_size  }
0x12: {  	s5 =	simm.s32 $_size__tile_overlayer_lowered;
	s6 =	simm.s32 $_tile_overlayer_lowered  }
0x13: {  	s23 =	simm.s32 $0x1BFF;
	s22 =	sshll.u32 s6, $0x1;
	s3 =	sadd.s32 s4, s20  }
0x14: {  	s7 =	simm.s32 $0x0;
	s21 =	sshll.u32 s5, $0x1;
	s5 =	sadd.s32 s22, s3  }
0x15: {  	[timem:s7], [sflag:s23] =	dma.local [hbm:s5], s21  }
0x16: {  	_ =	swait.ge [sflag:s23], s21  }
0x17: {  	s4 =	ssub.s32 $0x0, s21;
	[sflag:s23] =	ssyncset.done $0x0  }
0x18: {  	[sflag:s23] =	ssyncadd.s32 s4;
	_ =	sdelay $0x1  }
0x19: {  	s24 =	simm.s32 $0x1B8B  }
0x1a: {  	_ =	swait.ge [sflag:s24], $0x1  }
0x1b: {  	[sflag:s24] =	ssyncset.done $0x0  }
0x1c: {  	s26 =	simm.s32 $0x1B8E;
	s25 =	sld [smem:$0x3FFE];
	[sflag:s24] =	ssyncadd.s32 $0xFFFFFFFF  }
0x1d: {  	s27 =	simm.s32 $execute0_lowered;
	[smem:$0x3FD2] =	sst s26  }
0x1e: {  	s5 =	sshll.u32 s27, $0x1;
	_ =	strace $0x80000049;
	[dreg:$0x1] =	wrdreg $0xFFFFFFFF  }
0x1f: {  	s28 =	simm.s32 $_size_execute0_lowered;
	s3 =	sadd.s32 s3, s5;
	[dreg:$0x0] =	wrdreg $0x0  }
0x20: {  	s5 =	sshll.u32 s28, $0x1;
	[dreg:$0x2] =	wrdreg s3  }
0x21: {  	[dreg:$0x3] =	wrdreg s5  }
0x22: {  	[dreg:$0x4] =	wrdreg $0xC0  }
0x23: {  	_ =	task [dreg:s7], $0x5FFFF  }
0x24: {  	[dreg:$0x1] =	wrdreg $0xFFFFFFFF  }
0x25: {  	[dreg:$0x0] =	wrdreg $0x60  }
0x26: {  	[dreg:$0x2] =	wrdreg s2  }
0x27: {  	[dreg:$0x3] =	wrdreg s25  }
0x28: {  	[dreg:$0x4] =	wrdreg $0x9  }
0x29: {  	_ =	task.clear_ibuf [dreg:s7], $0x5FFFF;
	_ =	strace $0x90000049  }
0x2a: {  	s29 =	simm.s32 $0x9;
	_ =	strace $0x8000004B  }
0x2b: {  	_ =	swait.ge [sflag:s29], $0x1  }
0x2c: {  	[sflag:s29] =	ssyncadd.s32 $0xFFFFFFFF  }
0x2d: {  	_ =	strace $0x9000004B  }
0x2e: {  	_ =	sfence  }
0x2f: {  	s30 =	sld [smem:$0x0];
	_ =	sdelay $0x2  }
0x30: {  	s31 =	sshll.u32 s1, $0xD;
	s1 =	sshrl.u32 s1, $0x2  }
0x31: {  	s3 =	sand.u32 $0x4000, s31;
	s1 =	sadd.s32 s1, s30  }
0x32: {  	s0 =	sor.u32 s3, s0;
	s1 =	sshll.u32 s1, $0x11  }
0x33: {  	s0 =	sor.u32 s1, s0  }
0x34: {  	s0 =	sadd.s32 $0x8F2B, s0  }
0x35: {  	[sflag:s0] =	ssyncadd.remote.s32 $0x1  }
0x36: {  	_ =	sfence.sel $0xFFFF  }
0x37: {  	[dreg:$0x0] =	wrdreg $0xFFFFFFFF;
	(pc) =	sbr.abs _section_cstart, $3  }
0x38: {  	[dreg:$0x1] =	wrdreg $0xFFFFFFFF  }
0x39: {  	_ =	task.clear_ibuf [dreg:s7], $0x2FFFF;
	_ =	strace $0x9FFFFFFF  }
0x3a: {  	(tm) =	ssettm $0x7FFFFFFF  }
0x3b: {  	_ =	shalt  }
tec
execute0_lowered:
.L_overlay_start_1:
0x0: {  	(tag) =	ssettag $0x1  }
0x1: {  	s0 =	srdreg.scid  }
0x2: {  	s1 =	sshll.u32 s0, $0x4  }
0x3: {  	s2 =	rddreg [dreg:$0x0];
	s0 =	stileid.u32;
	s1 =	sand.u32 $0x10, s1  }
0x4: {  	s4 =	rddreg [dreg:$0x1];
	s7 =	simm.s32 $0x1;
	s1 =	sor.u32 s0, s1  }
0x5: {  	s8 =	simm.s32 $0x2;
	s9 =	simm.s32 $0x0;
	s3 =	sshll.u32 s1, $0x4  }
0x6: {  	s12 =	simm.s32 $0x0;
	s11 =	simm.s32 $0x0;
	s6 =	ssub.s32 $0x2000, s3  }
.Ltmp0:
0x7: {  	s4 =	sadd.s32 $0x1200, s4;
	s5 =	sand.u32 $0x1F0, s6;
	(pc) =	sbr.rel .LBB1_1-.Ltmp0, $4  }
0x8: {  	s1 =	rddreg [dreg:$0x2];
	_ =	strace $0x8000004A;
	p0 =	sne.s32 s5, $0x0  }
0x9: {  	s6 =	sshrl.u32 s6, $0x9;
	s5 =	simm.s32 $0x1;
	s7 =	simm.s32 @!p0 $0x0  }
0xa: {  	s10 =	smov.u32 s3;
	[sflag:s5] =	ssyncpa.u1 $0x0;
	s6 =	sadd.s32 s7, s6  }
0xb: {  	[sflag:s8] =	ssyncpa.u1 $0x0;
	s8 =	simm.s32 $0x0;
	s7 =	sadd.s32 $0x1, s6  }
.LBB1_7:
0xc: {  	s14 =	sadd.s32 $0x200, s10  }
0xd: {  	p1 =	sgt.s32 s14, $0x1FFF  }
0xe: {  	s14 =	smov.u32 @p1 s3;
	p1 =	sne.s32 s11, s7  }
.Ltmp1:
0xf: {  	p0 =	slt.u32 s11, $0x2;
	(pc) =	sbr.rel @!p1 .LBB1_8-.Ltmp1, $4  }
0x10: {  	s13 =	simm.s32 @!p0 $0x2  }
0x11: {  	s15 =	sadd.s32 $0x1, s11;
	_ =	swait.ge @!p0 [sflag:s13], $0x4000  }
0x12: {  	s12 =	smov.u32 s10;
	s9 =	sadd.s32 $0x8000, s9;
	[sflag:s13] =	ssyncset.done @!p0 $0x0  }
0x13: {  	s11 =	smov.u32 s15;
	s10 =	smov.u32 s14;
	[sflag:s13] =	ssyncadd.s32 @!p0 $0xFFFFC000  }
.LBB1_1:
0x14: {  	p0 =	sge.u32 s11, s6  }
0x15: {  	s13 =	sxor.u32 @!p0 $0xFFFFFFFF, s11  }
0x16: {  	s31 =	sadd.s32 $0xFFFFFFFF, s11;
	s14 =	sshll.u32 @!p0 s10, $0x7;
	s13 =	sshll.u32 @!p0 s13, $0xE  }
0x17: {  	s15 =	simm.s32 @!p0 $0x0;
	s14 =	sadd.s32 @!p0 s2, s14;
	s13 =	sand.u32 @!p0 $0x4000, s13  }
0x18: {  	[tilespmem:s13], [sflag:$0x1] =	stream.linear.gather @!p0 [hbm4b:s14+s15], $0x4000, $0x38;
	[tilespmem:$0x10000] =	vst v63  }
0x19: {  	p0 =	sge.u32 s31, s6  }
.Ltmp2:
0x1a: {  	_ = 	snop;
	(pc) =	sbr.rel @p0 .LBB1_7-.Ltmp2, $1  }
0x1b: {  	_ =	sdelay $0x3  }
0x1c: {  	s13 =	sshrl.u32 s9, $0x1;
	_ =	swait.ge [sflag:s5], $0x4000  }
0x1d: {  	s15 =	sshll.u32 s11, $0xE;
	s16 =	simm.s32 $0x0;
	s14 =	sand.u32 $0x4000, s13  }
0x1e: {  	[sflag:s5] =	ssyncset.done $0x0;
	s15 =	sand.u32 $0x4000, s15;
	s13 =	sor.u32 $0x200, s14  }
0x1f: {  	s14 =	sor.u32 $0x8080, s14;
	[sflag:s5] =	ssyncadd.s32 $0xFFFFC000;
	s15 =	sor.u32 $0x8000, s15  }
.LBB1_3:
0x20: {  	v0 =	vld [tilespmem:s13+$0xFFFFFE70]  }
0x21: {  	v1 =	vld [tilespmem:s13+$0x70]  }
0x22: {  	v2 =	vld [tilespmem:s13+$0x0]  }
0x23: {  	v3 =	vld [tilespmem:s13+$0xFFFFFE10]  }
0x24: {  	v4 =	vld [tilespmem:s13+$0x10]  }
0x25: {  	v5 =	vld [tilespmem:s13+$0xFFFFFE20]  }
0x26: {  	v7 =	vld [tilespmem:s13+$0x20]  }
0x27: {  	v11 =	vld [tilespmem:s13+$0x30];
	v6 =	vunpack.i.l.s16.s32 v0;
	v8 =	vunpack.i.u.s16.s32 v0;
	v9 =	vunpack.i.u.s16.s32 v1  }
0x28: {  	v10 =	vunpack.i.l.s16.s32 v1;
	v0 =	vunpack.i.u.s16.s32 v2;
	v1 =	vunpack.i.l.s16.s32 v2;
	v2 =	vld [tilespmem:s13+$0xFFFFFE30]  }
0x29: {  	v8 =	vpack.i.b32.b16 v9, v8;
	v9 =	vunpack.i.u.s16.s32 v3;
	v3 =	vunpack.i.l.s16.s32 v3  }
0x2a: {  	v12 =	vld [tilespmem:s13+$0xFFFFFE40];
	v6 =	vpack.i.b32.b16 v10, v6;
	[tilespmem:s14+$0x70] =	vst v8;
	v8 =	vunpack.i.u.s16.s32 v4;
	v4 =	vunpack.i.l.s16.s32 v4  }
0x2b: {  	v13 =	vld [tilespmem:s13+$0x40];
	v10 =	vunpack.i.u.s16.s32 v5;
	v5 =	vunpack.i.l.s16.s32 v5;
	[tilespmem:s14+$0xFFFFFFF0] =	vst v6;
	v3 =	vpack.i.b32.b16 v4, v3  }
0x2c: {  	v6 =	vunpack.i.l.s16.s32 v7;
	v4 =	vld [tilespmem:s13+$0xFFFFFE50];
	[tilespmem:s14+$0xFFFFFF90] =	vst v3;
	v3 =	vpack.i.b32.b16 v8, v9;
	v8 =	vunpack.i.u.s16.s32 v7  }
0x2d: {  	v7 =	vunpack.i.l.s16.s32 v11;
	[tilespmem:s14+$0x10] =	vst v3;
	v3 =	vpack.i.b32.b16 v6, v5;
	v9 =	vunpack.i.u.s16.s32 v2;
	v6 =	vld [tilespmem:s13+$0x50]  }
0x2e: {  	v5 =	vunpack.i.l.s16.s32 v2;
	v2 =	vld [tilespmem:s13+$0xFFFFFE60];
	[tilespmem:s14+$0xFFFFFFA0] =	vst v3;
	v3 =	vpack.i.b32.b16 v8, v10;
	v10 =	vunpack.i.u.s16.s32 v11  }
0x2f: {  	s19 =	simm.s32 $0x0;
	v11 =	vpack.i.b32.b16 v7, v5;
	v7 =	vunpack.i.u.s16.s32 v12;
	v8 =	vunpack.i.l.s16.s32 v12;
	[tilespmem:s14+$0x20] =	vst v3;
	v3 =	vld [tilespmem:s13+$0x60]  }
0x30: {  	s20 =	sadd.s32 $0x80, s13;
	s18 =	smov.u32 s14;
	s17 =	smov.u32 s14;
	v5 =	vld [tilespmem:s13+$0xFFFFFE00];
	[tilespmem:s14+$0xFFFFFFB0] =	vst v11;
	v10 =	vpack.i.b32.b16 v10, v9;
	v9 =	vunpack.i.u.s16.s32 v13;
	v11 =	vunpack.i.l.s16.s32 v13  }
.LBB1_4:
0x31: {  	v12 =	vld [tilespmem:s20+$0xFFFFFE70];
	[tilespmem:s18+$0x30] =	vst v10;
	v8 =	vpack.i.b32.b16 v11, v8;
	v10 =	vunpack.i.u.s16.s32 v4;
	v4 =	vunpack.i.l.s16.s32 v4  }
0x32: {  	s19 =	sadd.s32 $0x2, s19;
	v7 =	vpack.i.b32.b16 v9, v7;
	v11 =	vld [tilespmem:s20+$0x70];
	[tilespmem:s18+$0xFFFFFFC0] =	vst v8;
	v8 =	vunpack.i.u.s16.s32 v6;
	v6 =	vunpack.i.l.s16.s32 v6  }
0x33: {  	p0 =	slt.u32 s19, $0x6;
	v9 =	vld [tilespmem:s20+$0x0];
	[tilespmem:s18+$0x40] =	vst v7;
	v4 =	vpack.i.b32.b16 v6, v4;
	v6 =	vunpack.i.u.s16.s32 v2;
	v2 =	vunpack.i.l.s16.s32 v2  }
0x34: {  	v7 =	vld [tilespmem:s20+$0xFFFFFE10];
	[tilespmem:s18+$0xFFFFFFD0] =	vst v4;
	v4 =	vpack.i.b32.b16 v8, v10;
	v8 =	vunpack.i.u.s16.s32 v3;
	v3 =	vunpack.i.l.s16.s32 v3  }
0x35: {  	v10 =	vld [tilespmem:s20+$0x10];
	v13 =	vunpack.i.u.s16.s32 v5;
	v5 =	vunpack.i.l.s16.s32 v5;
	[tilespmem:s18+$0x50] =	vst v4;
	v2 =	vpack.i.b32.b16 v3, v2  }
0x36: {  	v3 =	vld [tilespmem:s20+$0xFFFFFE20];
	v4 =	vunpack.i.l.s16.s32 v12;
	v1 =	vpack.i.b32.b16 v1, v5;
	v5 =	vpack.i.b32.b16 v0, v13;
	[tilespmem:s18+$0xFFFFFFE0] =	vst v2  }
0x37: {  	v12 =	vunpack.i.u.s16.s32 v12;
	v2 =	vld [tilespmem:s20+$0x20];
	v13 =	vunpack.i.u.s16.s32 v11;
	v11 =	vunpack.i.l.s16.s32 v11;
	[tilespmem:s18+$0xFFFFFF80] =	vst v1  }
0x38: {  	s18 =	sadd.s32 $0x100, s18;
	v0 =	vunpack.i.u.s16.s32 v9;
	v1 =	vunpack.i.l.s16.s32 v9;
	v9 =	vld [tilespmem:s20+$0xFFFFFE30];
	v12 =	vpack.i.b32.b16 v13, v12;
	[tilespmem:s17+$0x0] =	vst v5  }
0x39: {  	v6 =	vpack.i.b32.b16 v8, v6;
	v5 =	vunpack.i.u.s16.s32 v7;
	v7 =	vunpack.i.l.s16.s32 v7;
	v13 =	vld [tilespmem:s20+$0x30];
	[tilespmem:s18+$0x70] =	vst v12  }
0x3a: {  	v4 =	vpack.i.b32.b16 v11, v4;
	v8 =	vunpack.i.u.s16.s32 v10;
	v10 =	vunpack.i.l.s16.s32 v10;
	v12 =	vld [tilespmem:s20+$0xFFFFFE40];
	[tilespmem:s17+$0x60] =	vst v6;
	s17 =	smov.u32 s18  }
0x3b: {  	v6 =	vpack.i.b32.b16 v10, v7;
	v7 =	vunpack.i.u.s16.s32 v3;
	v3 =	vunpack.i.l.s16.s32 v3;
	v11 =	vld [tilespmem:s20+$0x40];
	[tilespmem:s18+$0xFFFFFFF0] =	vst v4  }
.Ltmp3:
0x3c: {  	v5 =	vpack.i.b32.b16 v8, v5;
	[tilespmem:s18+$0xFFFFFF90] =	vst v6;
	v8 =	vunpack.i.u.s16.s32 v2;
	v2 =	vunpack.i.l.s16.s32 v2;
	v4 =	vld [tilespmem:s20+$0xFFFFFE50];
	(pc) =	sbr.rel @p0 .LBB1_4-.Ltmp3, $4  }
0x3d: {  	[tilespmem:s18+$0x10] =	vst v5;
	v2 =	vpack.i.b32.b16 v2, v3;
	v10 =	vunpack.i.u.s16.s32 v9;
	v3 =	vunpack.i.l.s16.s32 v9;
	v6 =	vld [tilespmem:s20+$0x50]  }
0x3e: {  	v5 =	vpack.i.b32.b16 v8, v7;
	[tilespmem:s18+$0xFFFFFFA0] =	vst v2;
	v9 =	vunpack.i.u.s16.s32 v13;
	v7 =	vunpack.i.l.s16.s32 v13;
	v2 =	vld [tilespmem:s20+$0xFFFFFE60]  }
0x3f: {  	[tilespmem:s18+$0x20] =	vst v5;
	v13 =	vpack.i.b32.b16 v7, v3;
	v7 =	vunpack.i.u.s16.s32 v12;
	v8 =	vunpack.i.l.s16.s32 v12;
	v3 =	vld [tilespmem:s20+$0x60]  }
0x40: {  	v10 =	vpack.i.b32.b16 v9, v10;
	v5 =	vld [tilespmem:s20+$0xFFFFFE00];
	[tilespmem:s18+$0xFFFFFFB0] =	vst v13;
	v9 =	vunpack.i.u.s16.s32 v11;
	v11 =	vunpack.i.l.s16.s32 v11;
	s20 =	sadd.s32 $0x80, s20  }
0x41: {  	[tilespmem:s18+$0x30] =	vst v10;
	v8 =	vpack.i.b32.b16 v11, v8  }
0x42: {  	v51 =	vunpack.i.l.s16.s32 v4;
	v7 =	vpack.i.b32.b16 v9, v7;
	[tilespmem:s18+$0xFFFFFFC0] =	vst v8;
	v52 =	vunpack.i.l.s16.s32 v6  }
0x43: {  	v53 =	vunpack.i.u.s16.s32 v4;
	s16 =	sadd.s32 $0x1, s16;
	v54 =	vunpack.i.u.s16.s32 v6;
	[tilespmem:s18+$0x40] =	vst v7;
	v55 =	vpack.i.b32.b16 v52, v51  }
0x44: {  	p0 =	sne.s32 s16, $0x10;
	v56 =	vunpack.i.l.s16.s32 v2;
	v4 =	vpack.i.b32.b16 v54, v53;
	[tilespmem:s18+$0xFFFFFFD0] =	vst v55;
	v57 =	vunpack.i.l.s16.s32 v3  }
.Ltmp4:
0x45: {  	[tilespmem:s18+$0x50] =	vst v4;
	v58 =	vunpack.i.l.s16.s32 v5;
	v59 =	vpack.i.b32.b16 v57, v56;
	(pc) =	sbr.rel @p0 .LBB1_3-.Ltmp4, $4  }
0x46: {  	v61 =	vunpack.i.u.s16.s32 v2;
	v62 =	vunpack.i.u.s16.s32 v3;
	v1 =	vpack.i.b32.b16 v1, v58;
	[tilespmem:s18+$0xFFFFFFE0] =	vst v59  }
0x47: {  	v60 =	vunpack.i.u.s16.s32 v5;
	v63 =	vpack.i.b32.b16 v62, v61;
	[tilespmem:s18+$0xFFFFFF80] =	vst v1  }
0x48: {  	v0 =	vpack.i.b32.b16 v0, v60;
	[tilespmem:s17+$0x60] =	vst v63  }
0x49: {  	s13 =	sadd.s32 $0x400, s13;
	s14 =	sadd.s32 $0x400, s14;
	[tilespmem:s17+$0x0] =	vst v0  }
.Ltmp5:
0x4a: {  	(pc) =	sbr.rel .LBB1_7-.Ltmp5, $4  }
0x4b: {  	_ = 	snop  }
0x4c: {  	s12 =	sshll.u32 s12, $0x7  }
0x4d: {  	s12 =	sadd.s32 s4, s12  }
0x4e: {  	[hbm4b:s12+s8] =	stream.linear.scatter [tilespmem:s15], [sflag:$0x2], $0x4000, $0x38;
	[tilespmem:$0x10000] =	vst v63  }
.LBB1_8:
0x4f: {  	_ =	sfence.sel $0x180000  }
0x50: {  	s2 =	simm.s32 $0x1;
	[bflag:$0x0] =	sbarrier.arrive $0xFFFF  }
0x51: {  	s31 =	simm.s32 $0x2;
	[sflag:s2] =	ssyncpa.u1 $0x1  }
0x52: {  	[sflag:s31] =	ssyncpa.u1 $0x1  }
0x53: {  	p0 =	sne.s32 s0, $0x0;
	_ =	strace $0x9000004A  }
0x54: {  	s0 =	sadd.s32 @!p0 $0x100000, s1;
	[bflag:$0x2] =	sbarrier.arrive $0xFFFF  }
0x55: {  	[sflag:s0] =	ssyncadd.tile.s32 @!p0 $0x1;
	_ =	shalt  }
.Lfunc_end1:
_tile_overlayer_lowered:
.L_overlay_start_2:
0x56: {  	(tag) =	ssettag $0x2  }
0x57: {  	s0 =	rddreg [dreg:$0x0];
	s2 =	stileid.u32  }
0x58: {  	s1 =	rddreg [dreg:$0x1];
	p0 =	sne.s32 s2, $0x0  }
0x59: {  	s3 =	rddreg [dreg:$0x2];
	[bflag:$0x3] =	sbarrier.arrive $0xFFFF;
	s2 =	simm.s32 @!p0 $0x1C01  }
0x5a: {  	[timem:s3], [sflag:s2] =	dma.local @!p0 [hbm:s0], s1  }
0x5b: {  	s0 =	simm.s32 @!p0 $0x1  }
0x5c: {  	_ =	swait.ge @!p0 [sflag:s0], s1  }
0x5d: {  	s1 =	ssub.s32 @!p0 $0x0, s1;
	[sflag:s0] =	ssyncset.done @!p0 $0x0  }
0x5e: {  	[sflag:s0] =	ssyncadd.s32 @!p0 s1  }
0x5f: {  	[bflag:$0x3] =	sbarrier.arrive $0xFFFF  }
0x60: {  	_ =	shalt  }

</sc_bundles>
